<compile_context>
chip_gen: v7x
topology: tpu7x:2x2x1
jax: 0.10.2.dev20260603
libtpu: 0.0.44.dev20260713+nightly
codegen_flags: <defaults>
</compile_context>

<pallas_src>
import functools

import jax
import jax.numpy as jnp
from jax import lax
from jax.experimental import pallas as pl
from jax.experimental.pallas import tpu as pltpu
from jax.experimental.pallas import tpu_sc as plsc

_NC = 8
_N = 20000
_NV = _N // 16
_BLK = 16
_NB = (_NV + _BLK - 1) // _BLK
_NVP = _NB * _BLK
_NL1 = 80
_MD = 100
_SLOTS = 112
_NMS_T = 0.5
_SCORE_T = 0.01
_NEG = -1e9
_BIG = 2**30
_SENT = 2e9


def _lane():
    return lax.iota(jnp.int32, 16)


def _splat_f(x):
    return jnp.full((16,), x, dtype=jnp.float32)


def _splat_i(x):
    return jnp.full((16,), x, dtype=jnp.int32)


def _sc_body(scores_h, x1_h, y1_h, x2_h, y2_h,
             t0_h, t1_h, t2_h, r0_h, r1_h, r2_h,
             of_h, os_h, ol_h,
             sc_v, x1_v, y1_v, x2_v, y2_v, l1_v,
             ax1_v, ay1_v, ax2_v, ay2_v, osc_v, oidx_v,
             sh_sc, sh_idx, msc_v, midx_v, sout_v, lout_v, gidx_v, big_v,
             dsem, bsem):
    core = lax.axis_index("c")
    sub = lax.axis_index("s")
    lane = _lane()
    active = (core == 0) & (sub < _NC)

    @pl.when(active)
    def _per_class():
        bcopies = [
            pltpu.async_copy(x1_h, x1_v, bsem),
            pltpu.async_copy(y1_h, y1_v, bsem),
            pltpu.async_copy(x2_h, x2_v, bsem),
            pltpu.async_copy(y2_h, y2_v, bsem),
        ]
        pltpu.sync_copy(scores_h.at[pl.ds(sub * _N, _N)], sc_v.at[pl.ds(0, _N)])

        def pad_tail(i, _):
            sc_v[pl.ds(i * 16, 16)] = _splat_f(_NEG)
            return 0

        lax.fori_loop(_NV, _NVP, pad_tail, 0)

        def build_block(g, _):
            acc = _splat_f(_NEG)
            for k in range(_BLK):
                v = sc_v[pl.ds((g * _BLK + k) * 16, 16)]
                v = jnp.where(v >= _SCORE_T, v, _NEG)
                sc_v[pl.ds((g * _BLK + k) * 16, 16)] = v
                acc = jnp.maximum(acc, v)
            m = jnp.max(acc)
            jb = (g // 16) * 16
            l1_v[pl.ds(jb, 16)] = jnp.where(
                lane == (g - jb), m, l1_v[pl.ds(jb, 16)])
            return 0

        l1_v[pl.ds(4 * 16, 16)] = _splat_f(_NEG)
        lax.fori_loop(0, _NB, build_block, 0)

        def init_slots(t, _):
            ax1_v[pl.ds(t * 16, 16)] = _splat_f(_SENT)
            ay1_v[pl.ds(t * 16, 16)] = _splat_f(_SENT)
            ax2_v[pl.ds(t * 16, 16)] = _splat_f(_SENT)
            ay2_v[pl.ds(t * 16, 16)] = _splat_f(_SENT)
            osc_v[pl.ds(t * 16, 16)] = _splat_f(_NEG)
            oidx_v[pl.ds(t * 16, 16)] = _splat_i(-1)
            return 0

        lax.fori_loop(0, _SLOTS // 16, init_slots, 0)
        for cp in bcopies:
            cp.wait()

        def greedy_cond(state):
            count, done = state
            return (count < _MD) & jnp.logical_not(done)

        def greedy_body(state):
            count, done = state
            m1 = _splat_f(_NEG)
            for t in range(_NL1 // 16):
                m1 = jnp.maximum(m1, l1_v[pl.ds(t * 16, 16)])
            s = jnp.max(m1)
            valid = s > _NEG / 2
            g = _BIG
            for t in range(_NL1 // 16):
                v1 = l1_v[pl.ds(t * 16, 16)]
                g = jnp.minimum(
                    g, jnp.min(jnp.where(v1 == s, lane + t * 16, _BIG)))
            g = jnp.minimum(g, _NB - 1)
            posv = _splat_i(_BIG)
            for k in range(_BLK):
                v = sc_v[pl.ds((g * _BLK + k) * 16, 16)]
                posv = jnp.minimum(
                    posv, jnp.where(v == s, lane + k * 16, _BIG))
            pos = jnp.minimum(jnp.min(posv), _BLK * 16 - 1)
            kv = pos // 16
            pl0 = pos - kv * 16
            i0 = g * _BLK + kv
            gi = i0 * 16 + pl0
            v0 = sc_v[pl.ds(i0 * 16, 16)]
            sc_v[pl.ds(i0 * 16, 16)] = jnp.where(lane == pl0, _NEG, v0)

            racc = _splat_f(_NEG)
            for k in range(_BLK):
                racc = jnp.maximum(racc, sc_v[pl.ds((g * _BLK + k) * 16, 16)])
            bm = jnp.max(racc)
            jb = (g // 16) * 16
            l1_v[pl.ds(jb, 16)] = jnp.where(
                lane == (g - jb), bm, l1_v[pl.ds(jb, 16)])
            gis = _splat_i(0) + gi
            bx1 = plsc.load_gather(x1_v, [gis])
            by1 = plsc.load_gather(y1_v, [gis])
            bx2 = plsc.load_gather(x2_v, [gis])
            by2 = plsc.load_gather(y2_v, [gis])
            barea = (bx2 - bx1) * (by2 - by1)

            def chk(t, anyov):
                qx1 = ax1_v[pl.ds(t * 16, 16)]
                qy1 = ay1_v[pl.ds(t * 16, 16)]
                qx2 = ax2_v[pl.ds(t * 16, 16)]
                qy2 = ay2_v[pl.ds(t * 16, 16)]
                xx1 = jnp.maximum(qx1, bx1)
                yy1 = jnp.maximum(qy1, by1)
                xx2 = jnp.minimum(qx2, bx2)
                yy2 = jnp.minimum(qy2, by2)
                inter = (jnp.maximum(xx2 - xx1, 0.0)
                         * jnp.maximum(yy2 - yy1, 0.0))
                qarea = (qx2 - qx1) * (qy2 - qy1)
                iou = inter / (qarea + barea - inter + 1e-8)
                return anyov | (iou > _NMS_T)

            anyov = jnp.zeros((16,), dtype=jnp.bool_)
            for t in range(_SLOTS // 16):
                anyov = chk(t, anyov)
            accept = valid & jnp.logical_not(jnp.any(anyov))
            base = (count // 16) * 16
            wm = (lane == (count - base)) & accept
            ax1_v[pl.ds(base, 16)] = jnp.where(wm, bx1, ax1_v[pl.ds(base, 16)])
            ay1_v[pl.ds(base, 16)] = jnp.where(wm, by1, ay1_v[pl.ds(base, 16)])
            ax2_v[pl.ds(base, 16)] = jnp.where(wm, bx2, ax2_v[pl.ds(base, 16)])
            ay2_v[pl.ds(base, 16)] = jnp.where(wm, by2, ay2_v[pl.ds(base, 16)])
            osc_v[pl.ds(base, 16)] = jnp.where(
                wm, _splat_f(0.0) + s, osc_v[pl.ds(base, 16)])
            oidx_v[pl.ds(base, 16)] = jnp.where(
                wm, gis, oidx_v[pl.ds(base, 16)])
            count = count + jnp.where(accept, 1, 0)
            return count, jnp.logical_not(valid)

        lax.while_loop(greedy_cond, greedy_body, (jnp.int32(0), jnp.bool_(False)))

        pltpu.sync_copy(osc_v, sh_sc.at[pl.ds(sub * _SLOTS, _SLOTS)])
        pltpu.sync_copy(oidx_v, sh_idx.at[pl.ds(sub * _SLOTS, _SLOTS)])

    plsc.subcore_barrier()

    @pl.when((core == 0) & (sub == 0))
    def _merge():
        pltpu.sync_copy(sh_sc, msc_v)
        pltpu.sync_copy(sh_idx, midx_v)
        cbase = jnp.where(lane < _NC, lane * _SLOTS, 0)

        def init_out(t, _):
            sout_v[pl.ds(t * 16, 16)] = _splat_f(-1.0)
            lout_v[pl.ds(t * 16, 16)] = _splat_i(-1)
            gidx_v[pl.ds(t * 16, 16)] = _splat_i(0)
            return 0

        lax.fori_loop(0, _SLOTS // 16, init_out, 0)

        def merge_step(j, p):
            addr = cbase + jnp.minimum(p, _SLOTS - 1)
            h = plsc.load_gather(msc_v, [addr])
            h = jnp.where(lane < _NC, h, _NEG)
            m = jnp.max(h)
            valid = m > _NEG / 2
            bl = jnp.min(jnp.where(h == m, lane, _BIG))
            bl = jnp.minimum(bl, _NC - 1)
            gidx16 = plsc.load_gather(midx_v, [addr])
            gi = jnp.max(jnp.where(lane == bl, gidx16, -1))
            base = (j // 16) * 16
            wm = lane == (j - base)
            sout_v[pl.ds(base, 16)] = jnp.where(
                wm, jnp.where(valid, _splat_f(0.0) + m, -1.0),
                sout_v[pl.ds(base, 16)])
            lout_v[pl.ds(base, 16)] = jnp.where(
                wm, jnp.where(valid, _splat_i(0) + bl, -1),
                lout_v[pl.ds(base, 16)])
            gidx_v[pl.ds(base, 16)] = jnp.where(
                wm, jnp.where(valid, jnp.maximum(_splat_i(0) + gi, 0), 0),
                gidx_v[pl.ds(base, 16)])
            return p + jnp.where((lane == bl) & valid, 1, 0)

        lax.fori_loop(0, _MD, merge_step, _splat_i(0))

        srcs = (x1_h, y1_h, x2_h, y2_h, t0_h, t1_h, t2_h, r0_h, r1_h, r2_h)
        copies = [
            pltpu.async_copy(src.at[gidx_v],
                             big_v.at[pl.ds(f * _SLOTS, _SLOTS)], dsem)
            for f, src in enumerate(srcs)
        ]
        for cp in copies:
            cp.wait()

        def mask_fields(t, _):
            vmask = sout_v[pl.ds(t * 16, 16)] >= 0.0
            for f in range(10):
                o = f * _SLOTS + t * 16
                big_v[pl.ds(o, 16)] = jnp.where(
                    vmask, big_v[pl.ds(o, 16)], -1.0)
            return 0

        lax.fori_loop(0, _SLOTS // 16, mask_fields, 0)
        pltpu.sync_copy(big_v, of_h)
        pltpu.sync_copy(sout_v, os_h)
        pltpu.sync_copy(lout_v, ol_h)


_mesh = plsc.VectorSubcoreMesh(core_axis_name="c", subcore_axis_name="s")

_sc_call = functools.partial(
    pl.kernel,
    mesh=_mesh,
    compiler_params=pltpu.CompilerParams(needs_layout_passes=False),
    out_type=[
        jax.ShapeDtypeStruct((10 * _SLOTS,), jnp.float32),
        jax.ShapeDtypeStruct((_SLOTS,), jnp.float32),
        jax.ShapeDtypeStruct((_SLOTS,), jnp.int32),
    ],
    scratch_types=[
        pltpu.VMEM((_NVP * 16,), jnp.float32),
        pltpu.VMEM((_N,), jnp.float32),
        pltpu.VMEM((_N,), jnp.float32),
        pltpu.VMEM((_N,), jnp.float32),
        pltpu.VMEM((_N,), jnp.float32),
        pltpu.VMEM((_NL1,), jnp.float32),
        pltpu.VMEM((_SLOTS,), jnp.float32),
        pltpu.VMEM((_SLOTS,), jnp.float32),
        pltpu.VMEM((_SLOTS,), jnp.float32),
        pltpu.VMEM((_SLOTS,), jnp.float32),
        pltpu.VMEM((_SLOTS,), jnp.float32),
        pltpu.VMEM((_SLOTS,), jnp.int32),
        pltpu.VMEM_SHARED((_NC * _SLOTS,), jnp.float32),
        pltpu.VMEM_SHARED((_NC * _SLOTS,), jnp.int32),
        pltpu.VMEM((_NC * _SLOTS,), jnp.float32),
        pltpu.VMEM((_NC * _SLOTS,), jnp.int32),
        pltpu.VMEM((_SLOTS,), jnp.float32),
        pltpu.VMEM((_SLOTS,), jnp.int32),
        pltpu.VMEM((_SLOTS,), jnp.int32),
        pltpu.VMEM((10 * _SLOTS,), jnp.float32),
        pltpu.SemaphoreType.DMA,
        pltpu.SemaphoreType.DMA,
    ],
)(_sc_body)


def kernel(boxes, classification, translation, rotation):
    b = boxes[0]
    c = classification[0]
    t = translation[0]
    r = rotation[0]

    scores = c.T.reshape(-1)
    of, os, ol = _sc_call(scores, b[:, 0], b[:, 1], b[:, 2], b[:, 3],
                          t[:, 0], t[:, 1], t[:, 2],
                          r[:, 0], r[:, 1], r[:, 2])

    m = of.reshape(10, _SLOTS)
    out_b = m[0:4, :_MD].T
    out_t = m[4:7, :_MD].T
    out_r = m[7:10, :_MD].T
    out_s = os[:_MD]
    out_l = ol[:_MD]
    return (out_b[None], out_s[None], out_l[None], out_t[None], out_r[None])

# --- scband reference (transcript-rebuilt; emitter-appended) ---
"""Pipeline reference for scband-model-with-filter-det-62629213110364 (READ-ONLY COPY).

The authoritative reference and input builder live on the scoring server;
editing this copy changes nothing except your own understanding.
"""

import jax, jax.numpy as jnp
import numpy as np

NUM_CLASSES = 8
NUM_BOXES = 20000
MAX_DET = 100
NMS_THRESH = 0.5
SCORE_THRESH = 0.01
NEG = -1e9


def _iou(box, boxes):
    x1 = jnp.maximum(box[0], boxes[:, 0])
    y1 = jnp.maximum(box[1], boxes[:, 1])
    x2 = jnp.minimum(box[2], boxes[:, 2])
    y2 = jnp.minimum(box[3], boxes[:, 3])
    inter = jnp.clip(x2 - x1, 0.0) * jnp.clip(y2 - y1, 0.0)
    area1 = (box[2] - box[0]) * (box[3] - box[1])
    area2 = (boxes[:, 2] - boxes[:, 0]) * (boxes[:, 3] - boxes[:, 1])
    return inter / (area1 + area2 - inter + 1e-8)


def _nms_single_class(boxes, scores):
    scores0 = jnp.where(scores >= SCORE_THRESH, scores, NEG)
    idxs0 = jnp.full((MAX_DET,), -1, dtype=jnp.int32)
    sel0 = jnp.full((MAX_DET,), NEG, dtype=scores.dtype)

    def body(i, state):
        sc, idxs, sel = state
        best = jnp.argmax(sc)
        bs = sc[best]
        valid = bs > NEG / 2
        iou = _iou(boxes[best], boxes)
        sc = jnp.where(valid & (iou > NMS_THRESH), NEG, sc)
        sc = sc.at[best].set(NEG)
        idxs = idxs.at[i].set(jnp.where(valid, best.astype(jnp.int32), -1))
        sel = sel.at[i].set(jnp.where(valid, bs, NEG))
        return sc, idxs, sel

    _, idxs, sel = jax.lax.fori_loop(0, MAX_DET, body, (scores0, idxs0, sel0))
    return idxs, sel


def _filter_detections(boxes, classification, translation, rotation):
    all_idx, all_sc, all_lab = [], [], []
    for c in range(NUM_CLASSES):
        idxs, sel = _nms_single_class(boxes, classification[:, c])
        all_idx.append(idxs)
        all_sc.append(sel)
        all_lab.append(jnp.full((MAX_DET,), c, dtype=jnp.int32))
    idx = jnp.concatenate(all_idx)
    sc = jnp.concatenate(all_sc)
    lab = jnp.concatenate(all_lab)
    top_sc, order = jax.lax.top_k(sc, MAX_DET)
    top_idx = idx[order]
    top_lab = lab[order]
    valid = top_sc > NEG / 2
    gidx = jnp.clip(top_idx, 0)
    b = jnp.where(valid[:, None], boxes[gidx], -1.0)
    t = jnp.where(valid[:, None], translation[gidx], -1.0)
    r = jnp.where(valid[:, None], rotation[gidx], -1.0)
    s = jnp.where(valid, top_sc, -1.0)
    l = jnp.where(valid, top_lab, -1)
    return b, s, l, t, r


def setup_inputs(seed: int = 0) -> dict:
    key = jax.random.key(seed)
    k1, k2, k3, k4, k5 = jax.random.split(key, 5)
    B, N, C = 1, NUM_BOXES, NUM_CLASSES
    ctr = jax.random.uniform(k1, (B, N, 2), dtype=jnp.float32) * 512.0
    wh = jax.random.uniform(k2, (B, N, 2), dtype=jnp.float32) * 100.0 + 1.0
    boxes = jnp.concatenate([ctr - wh / 2.0, ctr + wh / 2.0], axis=-1)
    classification = jax.random.uniform(k3, (B, N, C), dtype=jnp.float32)
    translation = jax.random.normal(k4, (B, N, 3), dtype=jnp.float32)
    rotation = jax.random.normal(k5, (B, N, 3), dtype=jnp.float32)
    return {"boxes": boxes, "classification": classification, "translation": translation, "rotation": rotation}


def reference(boxes, classification, translation, rotation):
    return jax.vmap(_filter_detections)(boxes, classification, translation, rotation)

if __name__ == "__main__":
    import jax
    _d = setup_inputs()
    print(jax.jit(kernel)(*tuple(_d.values())))

</pallas_src>

<mosaic_0001>
#map = affine_map<(d0, d1) -> (0)>
module attributes {stable_mosaic.version = 14 : i64} {
  func.func @_sc_body(%arg0: i32, %arg1: i32, %arg2: memref<160000xf32, #tpu.memory_space<hbm>>, %arg3: memref<20000xf32, #tpu.memory_space<hbm>>, %arg4: memref<20000xf32, #tpu.memory_space<hbm>>, %arg5: memref<20000xf32, #tpu.memory_space<hbm>>, %arg6: memref<20000xf32, #tpu.memory_space<hbm>>, %arg7: memref<20000xf32, #tpu.memory_space<hbm>>, %arg8: memref<20000xf32, #tpu.memory_space<hbm>>, %arg9: memref<20000xf32, #tpu.memory_space<hbm>>, %arg10: memref<20000xf32, #tpu.memory_space<hbm>>, %arg11: memref<20000xf32, #tpu.memory_space<hbm>>, %arg12: memref<20000xf32, #tpu.memory_space<hbm>>, %arg13: memref<1120xf32, #tpu.memory_space<hbm>>, %arg14: memref<112xf32, #tpu.memory_space<hbm>>, %arg15: memref<112xi32, #tpu.memory_space<hbm>>, %arg16: memref<20224xf32, #tpu.memory_space<vmem>>, %arg17: memref<20000xf32, #tpu.memory_space<vmem>>, %arg18: memref<20000xf32, #tpu.memory_space<vmem>>, %arg19: memref<20000xf32, #tpu.memory_space<vmem>>, %arg20: memref<20000xf32, #tpu.memory_space<vmem>>, %arg21: memref<80xf32, #tpu.memory_space<vmem>>, %arg22: memref<112xf32, #tpu.memory_space<vmem>>, %arg23: memref<112xf32, #tpu.memory_space<vmem>>, %arg24: memref<112xf32, #tpu.memory_space<vmem>>, %arg25: memref<112xf32, #tpu.memory_space<vmem>>, %arg26: memref<112xf32, #tpu.memory_space<vmem>>, %arg27: memref<112xi32, #tpu.memory_space<vmem>>, %arg28: memref<896xf32, #tpu.memory_space<vmem_shared>>, %arg29: memref<896xi32, #tpu.memory_space<vmem_shared>>, %arg30: memref<896xf32, #tpu.memory_space<vmem>>, %arg31: memref<896xi32, #tpu.memory_space<vmem>>, %arg32: memref<112xf32, #tpu.memory_space<vmem>>, %arg33: memref<112xi32, #tpu.memory_space<vmem>>, %arg34: memref<112xi32, #tpu.memory_space<vmem>>, %arg35: memref<1120xf32, #tpu.memory_space<vmem>>, %arg36: memref<!tpu.dma_semaphore, #tpu.memory_space<semaphore_mem>>, %arg37: memref<!tpu.dma_semaphore, #tpu.memory_space<semaphore_mem>>) attributes {dimension_semantics = [#tpu.dimension_semantics<core_parallel>, #tpu.dimension_semantics<subcore_parallel>], iteration_bounds = array<i64: 2, 16>, scalar_prefetch = 0 : i64, scratch_operands = 22 : i64, tpu.core_type = #tpu.core_type<sc_vector_subcore>, window_params = [{transform_indices = #map}, {transform_indices = #map}, {transform_indices = #map}, {transform_indices = #map}, {transform_indices = #map}, {transform_indices = #map}, {transform_indices = #map}, {transform_indices = #map}, {transform_indices = #map}, {transform_indices = #map}, {transform_indices = #map}, {transform_indices = #map}, {transform_indices = #map}, {transform_indices = #map}]} {
    %iota3A = tpu.iota {dimensions = array<i32: 0>} : vector<16xi32>
    %eq3A = arith.constant 0 : i32
    %eq3A_0 = arith.cmpi eq, %arg0, %eq3A : i32
    %lt3A = arith.constant 8 : i32
    %lt3A_1 = arith.cmpi slt, %arg1, %lt3A : i32
    %and3A = arith.andi %eq3A_0, %lt3A_1 : i1
    %convert_element_type3A = arith.extui %and3A : i1 to i32
    %cond3A = arith.constant 0 : i32
    %cond3A_2 = arith.cmpi ne, %convert_element_type3A, %cond3A : i32
    scf.if %cond3A_2 {
      tpu.enqueue_dma source(%arg3 : memref<20000xf32, #tpu.memory_space<hbm>>) target(%arg17 : memref<20000xf32, #tpu.memory_space<vmem>>) target_semaphore(%arg37 : memref<!tpu.dma_semaphore, #tpu.memory_space<semaphore_mem>>)
      tpu.enqueue_dma source(%arg4 : memref<20000xf32, #tpu.memory_space<hbm>>) target(%arg18 : memref<20000xf32, #tpu.memory_space<vmem>>) target_semaphore(%arg37 : memref<!tpu.dma_semaphore, #tpu.memory_space<semaphore_mem>>)
      tpu.enqueue_dma source(%arg5 : memref<20000xf32, #tpu.memory_space<hbm>>) target(%arg19 : memref<20000xf32, #tpu.memory_space<vmem>>) target_semaphore(%arg37 : memref<!tpu.dma_semaphore, #tpu.memory_space<semaphore_mem>>)
      tpu.enqueue_dma source(%arg6 : memref<20000xf32, #tpu.memory_space<hbm>>) target(%arg20 : memref<20000xf32, #tpu.memory_space<vmem>>) target_semaphore(%arg37 : memref<!tpu.dma_semaphore, #tpu.memory_space<semaphore_mem>>)
      %mul3A = arith.constant 20000 : i32
      %mul3A_11 = arith.muli %arg1, %mul3A : i32
      "tpu.region"() ({
        %run_scoped3A = tpu.sem_alloc : memref<!tpu.dma_semaphore, #tpu.memory_space<semaphore_mem>>
        %dma_start3A = arith.constant 0 : i32
        %dma_start3A_40 = tpu.memref_slice %arg16[%dma_start3A] : memref<20224xf32, #tpu.memory_space<vmem>> -> memref<20000xf32, #tpu.memory_space<vmem>>
        %dma_start3A_41 = tpu.memref_slice %arg2[%mul3A_11] : memref<160000xf32, #tpu.memory_space<hbm>> -> memref<20000xf32, #tpu.memory_space<hbm>>
        %dma_start3A_42 = arith.constant 0 : i32
        %dma_start3A_43 = tpu.memref_slice %arg16[%dma_start3A_42] : memref<20224xf32, #tpu.memory_space<vmem>> -> memref<20000xf32, #tpu.memory_space<vmem>>
        %dma_start3A_44 = tpu.memref_slice %arg2[%mul3A_11] : memref<160000xf32, #tpu.memory_space<hbm>> -> memref<20000xf32, #tpu.memory_space<hbm>>
        tpu.enqueue_dma source(%dma_start3A_44 : memref<20000xf32, #tpu.memory_space<hbm>>) target(%dma_start3A_43 : memref<20000xf32, #tpu.memory_space<vmem>>) target_semaphore(%run_scoped3A : memref<!tpu.dma_semaphore, #tpu.memory_space<semaphore_mem>>)
        %dma_wait3A = arith.constant 0 : i32
        %dma_wait3A_45 = tpu.memref_slice %arg16[%dma_wait3A] : memref<20224xf32, #tpu.memory_space<vmem>> -> memref<20000xf32, #tpu.memory_space<vmem>>
        %dma_wait3A_46 = tpu.memref_slice %arg2[%mul3A_11] : memref<160000xf32, #tpu.memory_space<hbm>> -> memref<20000xf32, #tpu.memory_space<hbm>>
        %dma_wait3A_47 = arith.constant 0 : i32
        %dma_wait3A_48 = tpu.memref_slice %arg16[%dma_wait3A_47] : memref<20224xf32, #tpu.memory_space<vmem>> -> memref<20000xf32, #tpu.memory_space<vmem>>
        %dma_wait3A_49 = tpu.memref_slice %arg2[%mul3A_11] : memref<160000xf32, #tpu.memory_space<hbm>> -> memref<20000xf32, #tpu.memory_space<hbm>>
        tpu.wait_dma2 semaphore(%run_scoped3A : memref<!tpu.dma_semaphore, #tpu.memory_space<semaphore_mem>>) src(%dma_wait3A_49 : memref<20000xf32, #tpu.memory_space<hbm>>) dst(%dma_wait3A_48 : memref<20000xf32, #tpu.memory_space<vmem>>)
        tpu.yield
      }) : () -> ()
      %scan3A = arith.constant 0 : i32
      %scan3A_12 = arith.constant 1250 : i32
      %scan3A_13 = arith.constant 14 : i32
      %scan3A_14 = arith.addi %scan3A_12, %scan3A_13 : i32
      %scan3A_15 = arith.constant 1 : i32
      %scan3A_16 = scf.for %scan3A_40 = %scan3A_12 to %scan3A_14 step %scan3A_15 iter_args(%scan3A_41 = %scan3A) -> (i32)  : i32 {
        %broadcast_in_dim3A_42 = arith.constant -1.000000e+09 : f32
        %broadcast_in_dim3A_43 = vector.broadcast %broadcast_in_dim3A_42 : f32 to vector<16xf32>
        %mul3A_44 = arith.constant 16 : i32
        %mul3A_45 = arith.muli %scan3A_40, %mul3A_44 : i32
        %swap3A_46 = arith.index_cast %mul3A_45 : i32 to index
        %swap3A_47 = tpu.vector_load %arg16[%swap3A_46] {strides = array<i32>} : memref<20224xf32, #tpu.memory_space<vmem>>, vector<16xf32>,
        tpu.vector_store %arg16[%swap3A_46], %broadcast_in_dim3A_43 {strides = array<i32>} : memref<20224xf32, #tpu.memory_space<vmem>>, vector<16xf32>,
        %scan3A_48 = arith.constant 0 : i32
        scf.yield %scan3A_48 : i32
      }
      %scan3A_17 = arith.constant 14 : i32
      %broadcast_in_dim3A = arith.constant -1.000000e+09 : f32
      %broadcast_in_dim3A_18 = vector.broadcast %broadcast_in_dim3A : f32 to vector<16xf32>
      %swap3A = arith.constant 64 : index
      %swap3A_19 = tpu.vector_load %arg21[%swap3A] {strides = array<i32>} : memref<80xf32, #tpu.memory_space<vmem>>, vector<16xf32>,
      tpu.vector_store %arg21[%swap3A], %broadcast_in_dim3A_18 {strides = array<i32>} : memref<80xf32, #tpu.memory_space<vmem>>, vector<16xf32>,
      %scan3A_20 = arith.constant 0 : i32
      %scan3A_21 = arith.constant 0 : i32
      %scan3A_22 = arith.constant 79 : i32
      %scan3A_23 = arith.addi %scan3A_21, %scan3A_22 : i32
      %scan3A_24 = arith.constant 1 : i32
      %scan3A_25 = scf.for %scan3A_40 = %scan3A_21 to %scan3A_23 step %scan3A_24 iter_args(%scan3A_41 = %scan3A_20) -> (i32)  : i32 {
        %broadcast_in_dim3A_42 = arith.constant -1.000000e+09 : f32
        %broadcast_in_dim3A_43 = vector.broadcast %broadcast_in_dim3A_42 : f32 to vector<16xf32>
        %mul3A_44 = arith.constant 16 : i32
        %mul3A_45 = arith.muli %scan3A_40, %mul3A_44 : i32
        %add3A = arith.constant 0 : i32
        %add3A_46 = arith.addi %mul3A_45, %add3A : i32
        %mul3A_47 = arith.constant 16 : i32
        %mul3A_48 = arith.muli %add3A_46, %mul3A_47 : i32
        %get3A = arith.index_cast %mul3A_48 : i32 to index
        %get3A_49 = tpu.vector_load %arg16[%get3A] {strides = array<i32>} : memref<20224xf32, #tpu.memory_space<vmem>>, vector<16xf32>,
        %ge3A = arith.constant 0.00999999977 : f32
        %ge3A_50 = vector.broadcast %ge3A : f32 to vector<16xf32>
        %ge3A_51 = arith.cmpf oge, %get3A_49, %ge3A_50 : vector<16xf32>
        %jit3A = arith.constant -1.000000e+09 : f32
        %broadcast_in_dim3A_52 = vector.broadcast %jit3A : f32 to vector<16xf32>
        %select_n3A = arith.select %ge3A_51, %get3A_49, %broadcast_in_dim3A_52 : vector<16xi1>, vector<16xf32>
        %mul3A_53 = arith.constant 16 : i32
        %mul3A_54 = arith.muli %scan3A_40, %mul3A_53 : i32
        %add3A_55 = arith.constant 0 : i32
        %add3A_56 = arith.addi %mul3A_54, %add3A_55 : i32
        %mul3A_57 = arith.constant 16 : i32
        %mul3A_58 = arith.muli %add3A_56, %mul3A_57 : i32
        %swap3A_59 = arith.index_cast %mul3A_58 : i32 to index
        %swap3A_60 = tpu.vector_load %arg16[%swap3A_59] {strides = array<i32>} : memref<20224xf32, #tpu.memory_space<vmem>>, vector<16xf32>,
        tpu.vector_store %arg16[%swap3A_59], %select_n3A {strides = array<i32>} : memref<20224xf32, #tpu.memory_space<vmem>>, vector<16xf32>,
        %max3A = arith.maximumf %broadcast_in_dim3A_43, %select_n3A : vector<16xf32>
        %mul3A_61 = arith.constant 16 : i32
        %mul3A_62 = arith.muli %scan3A_40, %mul3A_61 : i32
        %add3A_63 = arith.constant 1 : i32
        %add3A_64 = arith.addi %mul3A_62, %add3A_63 : i32
        %mul3A_65 = arith.constant 16 : i32
        %mul3A_66 = arith.muli %add3A_64, %mul3A_65 : i32
        %get3A_67 = arith.index_cast %mul3A_66 : i32 to index
        %get3A_68 = tpu.vector_load %arg16[%get3A_67] {strides = array<i32>} : memref<20224xf32, #tpu.memory_space<vmem>>, vector<16xf32>,
        %ge3A_69 = arith.constant 0.00999999977 : f32
        %ge3A_70 = vector.broadcast %ge3A_69 : f32 to vector<16xf32>
        %ge3A_71 = arith.cmpf oge, %get3A_68, %ge3A_70 : vector<16xf32>
        %jit3A_72 = arith.constant -1.000000e+09 : f32
        %broadcast_in_dim3A_73 = vector.broadcast %jit3A_72 : f32 to vector<16xf32>
        %select_n3A_74 = arith.select %ge3A_71, %get3A_68, %broadcast_in_dim3A_73 : vector<16xi1>, vector<16xf32>
        %mul3A_75 = arith.constant 16 : i32
        %mul3A_76 = arith.muli %scan3A_40, %mul3A_75 : i32
        %add3A_77 = arith.constant 1 : i32
        %add3A_78 = arith.addi %mul3A_76, %add3A_77 : i32
        %mul3A_79 = arith.constant 16 : i32
        %mul3A_80 = arith.muli %add3A_78, %mul3A_79 : i32
        %swap3A_81 = arith.index_cast %mul3A_80 : i32 to index
        %swap3A_82 = tpu.vector_load %arg16[%swap3A_81] {strides = array<i32>} : memref<20224xf32, #tpu.memory_space<vmem>>, vector<16xf32>,
        tpu.vector_store %arg16[%swap3A_81], %select_n3A_74 {strides = array<i32>} : memref<20224xf32, #tpu.memory_space<vmem>>, vector<16xf32>,
        %max3A_83 = arith.maximumf %max3A, %select_n3A_74 : vector<16xf32>
        %mul3A_84 = arith.constant 16 : i32
        %mul3A_85 = arith.muli %scan3A_40, %mul3A_84 : i32
        %add3A_86 = arith.constant 2 : i32
        %add3A_87 = arith.addi %mul3A_85, %add3A_86 : i32
        %mul3A_88 = arith.constant 16 : i32
        %mul3A_89 = arith.muli %add3A_87, %mul3A_88 : i32
        %get3A_90 = arith.index_cast %mul3A_89 : i32 to index
        %get3A_91 = tpu.vector_load %arg16[%get3A_90] {strides = array<i32>} : memref<20224xf32, #tpu.memory_space<vmem>>, vector<16xf32>,
        %ge3A_92 = arith.constant 0.00999999977 : f32
        %ge3A_93 = vector.broadcast %ge3A_92 : f32 to vector<16xf32>
        %ge3A_94 = arith.cmpf oge, %get3A_91, %ge3A_93 : vector<16xf32>
        %jit3A_95 = arith.constant -1.000000e+09 : f32
        %broadcast_in_dim3A_96 = vector.broadcast %jit3A_95 : f32 to vector<16xf32>
        %select_n3A_97 = arith.select %ge3A_94, %get3A_91, %broadcast_in_dim3A_96 : vector<16xi1>, vector<16xf32>
        %mul3A_98 = arith.constant 16 : i32
        %mul3A_99 = arith.muli %scan3A_40, %mul3A_98 : i32
        %add3A_100 = arith.constant 2 : i32
        %add3A_101 = arith.addi %mul3A_99, %add3A_100 : i32
        %mul3A_102 = arith.constant 16 : i32
        %mul3A_103 = arith.muli %add3A_101, %mul3A_102 : i32
        %swap3A_104 = arith.index_cast %mul3A_103 : i32 to index
        %swap3A_105 = tpu.vector_load %arg16[%swap3A_104] {strides = array<i32>} : memref<20224xf32, #tpu.memory_space<vmem>>, vector<16xf32>,
        tpu.vector_store %arg16[%swap3A_104], %select_n3A_97 {strides = array<i32>} : memref<20224xf32, #tpu.memory_space<vmem>>, vector<16xf32>,
        %max3A_106 = arith.maximumf %max3A_83, %select_n3A_97 : vector<16xf32>
        %mul3A_107 = arith.constant 16 : i32
        %mul3A_108 = arith.muli %scan3A_40, %mul3A_107 : i32
        %add3A_109 = arith.constant 3 : i32
        %add3A_110 = arith.addi %mul3A_108, %add3A_109 : i32
        %mul3A_111 = arith.constant 16 : i32
        %mul3A_112 = arith.muli %add3A_110, %mul3A_111 : i32
        %get3A_113 = arith.index_cast %mul3A_112 : i32 to index
        %get3A_114 = tpu.vector_load %arg16[%get3A_113] {strides = array<i32>} : memref<20224xf32, #tpu.memory_space<vmem>>, vector<16xf32>,
        %ge3A_115 = arith.constant 0.00999999977 : f32
        %ge3A_116 = vector.broadcast %ge3A_115 : f32 to vector<16xf32>
        %ge3A_117 = arith.cmpf oge, %get3A_114, %ge3A_116 : vector<16xf32>
        %jit3A_118 = arith.constant -1.000000e+09 : f32
        %broadcast_in_dim3A_119 = vector.broadcast %jit3A_118 : f32 to vector<16xf32>
        %select_n3A_120 = arith.select %ge3A_117, %get3A_114, %broadcast_in_dim3A_119 : vector<16xi1>, vector<16xf32>
        %mul3A_121 = arith.constant 16 : i32
        %mul3A_122 = arith.muli %scan3A_40, %mul3A_121 : i32
        %add3A_123 = arith.constant 3 : i32
        %add3A_124 = arith.addi %mul3A_122, %add3A_123 : i32
        %mul3A_125 = arith.constant 16 : i32
        %mul3A_126 = arith.muli %add3A_124, %mul3A_125 : i32
        %swap3A_127 = arith.index_cast %mul3A_126 : i32 to index
        %swap3A_128 = tpu.vector_load %arg16[%swap3A_127] {strides = array<i32>} : memref<20224xf32, #tpu.memory_space<vmem>>, vector<16xf32>,
        tpu.vector_store %arg16[%swap3A_127], %select_n3A_120 {strides = array<i32>} : memref<20224xf32, #tpu.memory_space<vmem>>, vector<16xf32>,
        %max3A_129 = arith.maximumf %max3A_106, %select_n3A_120 : vector<16xf32>
        %mul3A_130 = arith.constant 16 : i32
        %mul3A_131 = arith.muli %scan3A_40, %mul3A_130 : i32
        %add3A_132 = arith.constant 4 : i32
        %add3A_133 = arith.addi %mul3A_131, %add3A_132 : i32
        %mul3A_134 = arith.constant 16 : i32
        %mul3A_135 = arith.muli %add3A_133, %mul3A_134 : i32
        %get3A_136 = arith.index_cast %mul3A_135 : i32 to index
        %get3A_137 = tpu.vector_load %arg16[%get3A_136] {strides = array<i32>} : memref<20224xf32, #tpu.memory_space<vmem>>, vector<16xf32>,
        %ge3A_138 = arith.constant 0.00999999977 : f32
        %ge3A_139 = vector.broadcast %ge3A_138 : f32 to vector<16xf32>
        %ge3A_140 = arith.cmpf oge, %get3A_137, %ge3A_139 : vector<16xf32>
        %jit3A_141 = arith.constant -1.000000e+09 : f32
        %broadcast_in_dim3A_142 = vector.broadcast %jit3A_141 : f32 to vector<16xf32>
        %select_n3A_143 = arith.select %ge3A_140, %get3A_137, %broadcast_in_dim3A_142 : vector<16xi1>, vector<16xf32>
        %mul3A_144 = arith.constant 16 : i32
        %mul3A_145 = arith.muli %scan3A_40, %mul3A_144 : i32
        %add3A_146 = arith.constant 4 : i32
        %add3A_147 = arith.addi %mul3A_145, %add3A_146 : i32
        %mul3A_148 = arith.constant 16 : i32
        %mul3A_149 = arith.muli %add3A_147, %mul3A_148 : i32
        %swap3A_150 = arith.index_cast %mul3A_149 : i32 to index
        %swap3A_151 = tpu.vector_load %arg16[%swap3A_150] {strides = array<i32>} : memref<20224xf32, #tpu.memory_space<vmem>>, vector<16xf32>,
        tpu.vector_store %arg16[%swap3A_150], %select_n3A_143 {strides = array<i32>} : memref<20224xf32, #tpu.memory_space<vmem>>, vector<16xf32>,
        %max3A_152 = arith.maximumf %max3A_129, %select_n3A_143 : vector<16xf32>
        %mul3A_153 = arith.constant 16 : i32
        %mul3A_154 = arith.muli %scan3A_40, %mul3A_153 : i32
        %add3A_155 = arith.constant 5 : i32
        %add3A_156 = arith.addi %mul3A_154, %add3A_155 : i32
        %mul3A_157 = arith.constant 16 : i32
        %mul3A_158 = arith.muli %add3A_156, %mul3A_157 : i32
        %get3A_159 = arith.index_cast %mul3A_158 : i32 to index
        %get3A_160 = tpu.vector_load %arg16[%get3A_159] {strides = array<i32>} : memref<20224xf32, #tpu.memory_space<vmem>>, vector<16xf32>,
        %ge3A_161 = arith.constant 0.00999999977 : f32
        %ge3A_162 = vector.broadcast %ge3A_161 : f32 to vector<16xf32>
        %ge3A_163 = arith.cmpf oge, %get3A_160, %ge3A_162 : vector<16xf32>
        %jit3A_164 = arith.constant -1.000000e+09 : f32
        %broadcast_in_dim3A_165 = vector.broadcast %jit3A_164 : f32 to vector<16xf32>
        %select_n3A_166 = arith.select %ge3A_163, %get3A_160, %broadcast_in_dim3A_165 : vector<16xi1>, vector<16xf32>
        %mul3A_167 = arith.constant 16 : i32
        %mul3A_168 = arith.muli %scan3A_40, %mul3A_167 : i32
        %add3A_169 = arith.constant 5 : i32
        %add3A_170 = arith.addi %mul3A_168, %add3A_169 : i32
        %mul3A_171 = arith.constant 16 : i32
        %mul3A_172 = arith.muli %add3A_170, %mul3A_171 : i32
        %swap3A_173 = arith.index_cast %mul3A_172 : i32 to index
        %swap3A_174 = tpu.vector_load %arg16[%swap3A_173] {strides = array<i32>} : memref<20224xf32, #tpu.memory_space<vmem>>, vector<16xf32>,
        tpu.vector_store %arg16[%swap3A_173], %select_n3A_166 {strides = array<i32>} : memref<20224xf32, #tpu.memory_space<vmem>>, vector<16xf32>,
        %max3A_175 = arith.maximumf %max3A_152, %select_n3A_166 : vector<16xf32>
        %mul3A_176 = arith.constant 16 : i32
        %mul3A_177 = arith.muli %scan3A_40, %mul3A_176 : i32
        %add3A_178 = arith.constant 6 : i32
        %add3A_179 = arith.addi %mul3A_177, %add3A_178 : i32
        %mul3A_180 = arith.constant 16 : i32
        %mul3A_181 = arith.muli %add3A_179, %mul3A_180 : i32
        %get3A_182 = arith.index_cast %mul3A_181 : i32 to index
        %get3A_183 = tpu.vector_load %arg16[%get3A_182] {strides = array<i32>} : memref<20224xf32, #tpu.memory_space<vmem>>, vector<16xf32>,
        %ge3A_184 = arith.constant 0.00999999977 : f32
        %ge3A_185 = vector.broadcast %ge3A_184 : f32 to vector<16xf32>
        %ge3A_186 = arith.cmpf oge, %get3A_183, %ge3A_185 : vector<16xf32>
        %jit3A_187 = arith.constant -1.000000e+09 : f32
        %broadcast_in_dim3A_188 = vector.broadcast %jit3A_187 : f32 to vector<16xf32>
        %select_n3A_189 = arith.select %ge3A_186, %get3A_183, %broadcast_in_dim3A_188 : vector<16xi1>, vector<16xf32>
        %mul3A_190 = arith.constant 16 : i32
        %mul3A_191 = arith.muli %scan3A_40, %mul3A_190 : i32
        %add3A_192 = arith.constant 6 : i32
        %add3A_193 = arith.addi %mul3A_191, %add3A_192 : i32
        %mul3A_194 = arith.constant 16 : i32
        %mul3A_195 = arith.muli %add3A_193, %mul3A_194 : i32
        %swap3A_196 = arith.index_cast %mul3A_195 : i32 to index
        %swap3A_197 = tpu.vector_load %arg16[%swap3A_196] {strides = array<i32>} : memref<20224xf32, #tpu.memory_space<vmem>>, vector<16xf32>,
        tpu.vector_store %arg16[%swap3A_196], %select_n3A_189 {strides = array<i32>} : memref<20224xf32, #tpu.memory_space<vmem>>, vector<16xf32>,
        %max3A_198 = arith.maximumf %max3A_175, %select_n3A_189 : vector<16xf32>
        %mul3A_199 = arith.constant 16 : i32
        %mul3A_200 = arith.muli %scan3A_40, %mul3A_199 : i32
        %add3A_201 = arith.constant 7 : i32
        %add3A_202 = arith.addi %mul3A_200, %add3A_201 : i32
        %mul3A_203 = arith.constant 16 : i32
        %mul3A_204 = arith.muli %add3A_202, %mul3A_203 : i32
        %get3A_205 = arith.index_cast %mul3A_204 : i32 to index
        %get3A_206 = tpu.vector_load %arg16[%get3A_205] {strides = array<i32>} : memref<20224xf32, #tpu.memory_space<vmem>>, vector<16xf32>,
        %ge3A_207 = arith.constant 0.00999999977 : f32
        %ge3A_208 = vector.broadcast %ge3A_207 : f32 to vector<16xf32>
        %ge3A_209 = arith.cmpf oge, %get3A_206, %ge3A_208 : vector<16xf32>
        %jit3A_210 = arith.constant -1.000000e+09 : f32
        %broadcast_in_dim3A_211 = vector.broadcast %jit3A_210 : f32 to vector<16xf32>
        %select_n3A_212 = arith.select %ge3A_209, %get3A_206, %broadcast_in_dim3A_211 : vector<16xi1>, vector<16xf32>
        %mul3A_213 = arith.constant 16 : i32
        %mul3A_214 = arith.muli %scan3A_40, %mul3A_213 : i32
        %add3A_215 = arith.constant 7 : i32
        %add3A_216 = arith.addi %mul3A_214, %add3A_215 : i32
        %mul3A_217 = arith.constant 16 : i32
        %mul3A_218 = arith.muli %add3A_216, %mul3A_217 : i32
        %swap3A_219 = arith.index_cast %mul3A_218 : i32 to index
        %swap3A_220 = tpu.vector_load %arg16[%swap3A_219] {strides = array<i32>} : memref<20224xf32, #tpu.memory_space<vmem>>, vector<16xf32>,
        tpu.vector_store %arg16[%swap3A_219], %select_n3A_212 {strides = array<i32>} : memref<20224xf32, #tpu.memory_space<vmem>>, vector<16xf32>,
        %max3A_221 = arith.maximumf %max3A_198, %select_n3A_212 : vector<16xf32>
        %mul3A_222 = arith.constant 16 : i32
        %mul3A_223 = arith.muli %scan3A_40, %mul3A_222 : i32
        %add3A_224 = arith.constant 8 : i32
        %add3A_225 = arith.addi %mul3A_223, %add3A_224 : i32
        %mul3A_226 = arith.constant 16 : i32
        %mul3A_227 = arith.muli %add3A_225, %mul3A_226 : i32
        %get3A_228 = arith.index_cast %mul3A_227 : i32 to index
        %get3A_229 = tpu.vector_load %arg16[%get3A_228] {strides = array<i32>} : memref<20224xf32, #tpu.memory_space<vmem>>, vector<16xf32>,
        %ge3A_230 = arith.constant 0.00999999977 : f32
        %ge3A_231 = vector.broadcast %ge3A_230 : f32 to vector<16xf32>
        %ge3A_232 = arith.cmpf oge, %get3A_229, %ge3A_231 : vector<16xf32>
        %jit3A_233 = arith.constant -1.000000e+09 : f32
        %broadcast_in_dim3A_234 = vector.broadcast %jit3A_233 : f32 to vector<16xf32>
        %select_n3A_235 = arith.select %ge3A_232, %get3A_229, %broadcast_in_dim3A_234 : vector<16xi1>, vector<16xf32>
        %mul3A_236 = arith.constant 16 : i32
        %mul3A_237 = arith.muli %scan3A_40, %mul3A_236 : i32
        %add3A_238 = arith.constant 8 : i32
        %add3A_239 = arith.addi %mul3A_237, %add3A_238 : i32
        %mul3A_240 = arith.constant 16 : i32
        %mul3A_241 = arith.muli %add3A_239, %mul3A_240 : i32
        %swap3A_242 = arith.index_cast %mul3A_241 : i32 to index
        %swap3A_243 = tpu.vector_load %arg16[%swap3A_242] {strides = array<i32>} : memref<20224xf32, #tpu.memory_space<vmem>>, vector<16xf32>,
        tpu.vector_store %arg16[%swap3A_242], %select_n3A_235 {strides = array<i32>} : memref<20224xf32, #tpu.memory_space<vmem>>, vector<16xf32>,
        %max3A_244 = arith.maximumf %max3A_221, %select_n3A_235 : vector<16xf32>
        %mul3A_245 = arith.constant 16 : i32
        %mul3A_246 = arith.muli %scan3A_40, %mul3A_245 : i32
        %add3A_247 = arith.constant 9 : i32
        %add3A_248 = arith.addi %mul3A_246, %add3A_247 : i32
        %mul3A_249 = arith.constant 16 : i32
        %mul3A_250 = arith.muli %add3A_248, %mul3A_249 : i32
        %get3A_251 = arith.index_cast %mul3A_250 : i32 to index
        %get3A_252 = tpu.vector_load %arg16[%get3A_251] {strides = array<i32>} : memref<20224xf32, #tpu.memory_space<vmem>>, vector<16xf32>,
        %ge3A_253 = arith.constant 0.00999999977 : f32
        %ge3A_254 = vector.broadcast %ge3A_253 : f32 to vector<16xf32>
        %ge3A_255 = arith.cmpf oge, %get3A_252, %ge3A_254 : vector<16xf32>
        %jit3A_256 = arith.constant -1.000000e+09 : f32
        %broadcast_in_dim3A_257 = vector.broadcast %jit3A_256 : f32 to vector<16xf32>
        %select_n3A_258 = arith.select %ge3A_255, %get3A_252, %broadcast_in_dim3A_257 : vector<16xi1>, vector<16xf32>
        %mul3A_259 = arith.constant 16 : i32
        %mul3A_260 = arith.muli %scan3A_40, %mul3A_259 : i32
        %add3A_261 = arith.constant 9 : i32
        %add3A_262 = arith.addi %mul3A_260, %add3A_261 : i32
        %mul3A_263 = arith.constant 16 : i32
        %mul3A_264 = arith.muli %add3A_262, %mul3A_263 : i32
        %swap3A_265 = arith.index_cast %mul3A_264 : i32 to index
        %swap3A_266 = tpu.vector_load %arg16[%swap3A_265] {strides = array<i32>} : memref<20224xf32, #tpu.memory_space<vmem>>, vector<16xf32>,
        tpu.vector_store %arg16[%swap3A_265], %select_n3A_258 {strides = array<i32>} : memref<20224xf32, #tpu.memory_space<vmem>>, vector<16xf32>,
        %max3A_267 = arith.maximumf %max3A_244, %select_n3A_258 : vector<16xf32>
        %mul3A_268 = arith.constant 16 : i32
        %mul3A_269 = arith.muli %scan3A_40, %mul3A_268 : i32
        %add3A_270 = arith.constant 10 : i32
        %add3A_271 = arith.addi %mul3A_269, %add3A_270 : i32
        %mul3A_272 = arith.constant 16 : i32
        %mul3A_273 = arith.muli %add3A_271, %mul3A_272 : i32
        %get3A_274 = arith.index_cast %mul3A_273 : i32 to index
        %get3A_275 = tpu.vector_load %arg16[%get3A_274] {strides = array<i32>} : memref<20224xf32, #tpu.memory_space<vmem>>, vector<16xf32>,
        %ge3A_276 = arith.constant 0.00999999977 : f32
        %ge3A_277 = vector.broadcast %ge3A_276 : f32 to vector<16xf32>
        %ge3A_278 = arith.cmpf oge, %get3A_275, %ge3A_277 : vector<16xf32>
        %jit3A_279 = arith.constant -1.000000e+09 : f32
        %broadcast_in_dim3A_280 = vector.broadcast %jit3A_279 : f32 to vector<16xf32>
        %select_n3A_281 = arith.select %ge3A_278, %get3A_275, %broadcast_in_dim3A_280 : vector<16xi1>, vector<16xf32>
        %mul3A_282 = arith.constant 16 : i32
        %mul3A_283 = arith.muli %scan3A_40, %mul3A_282 : i32
        %add3A_284 = arith.constant 10 : i32
        %add3A_285 = arith.addi %mul3A_283, %add3A_284 : i32
        %mul3A_286 = arith.constant 16 : i32
        %mul3A_287 = arith.muli %add3A_285, %mul3A_286 : i32
        %swap3A_288 = arith.index_cast %mul3A_287 : i32 to index
        %swap3A_289 = tpu.vector_load %arg16[%swap3A_288] {strides = array<i32>} : memref<20224xf32, #tpu.memory_space<vmem>>, vector<16xf32>,
        tpu.vector_store %arg16[%swap3A_288], %select_n3A_281 {strides = array<i32>} : memref<20224xf32, #tpu.memory_space<vmem>>, vector<16xf32>,
        %max3A_290 = arith.maximumf %max3A_267, %select_n3A_281 : vector<16xf32>
        %mul3A_291 = arith.constant 16 : i32
        %mul3A_292 = arith.muli %scan3A_40, %mul3A_291 : i32
        %add3A_293 = arith.constant 11 : i32
        %add3A_294 = arith.addi %mul3A_292, %add3A_293 : i32
        %mul3A_295 = arith.constant 16 : i32
        %mul3A_296 = arith.muli %add3A_294, %mul3A_295 : i32
        %get3A_297 = arith.index_cast %mul3A_296 : i32 to index
        %get3A_298 = tpu.vector_load %arg16[%get3A_297] {strides = array<i32>} : memref<20224xf32, #tpu.memory_space<vmem>>, vector<16xf32>,
        %ge3A_299 = arith.constant 0.00999999977 : f32
        %ge3A_300 = vector.broadcast %ge3A_299 : f32 to vector<16xf32>
        %ge3A_301 = arith.cmpf oge, %get3A_298, %ge3A_300 : vector<16xf32>
        %jit3A_302 = arith.constant -1.000000e+09 : f32
        %broadcast_in_dim3A_303 = vector.broadcast %jit3A_302 : f32 to vector<16xf32>
        %select_n3A_304 = arith.select %ge3A_301, %get3A_298, %broadcast_in_dim3A_303 : vector<16xi1>, vector<16xf32>
        %mul3A_305 = arith.constant 16 : i32
        %mul3A_306 = arith.muli %scan3A_40, %mul3A_305 : i32
        %add3A_307 = arith.constant 11 : i32
        %add3A_308 = arith.addi %mul3A_306, %add3A_307 : i32
        %mul3A_309 = arith.constant 16 : i32
        %mul3A_310 = arith.muli %add3A_308, %mul3A_309 : i32
        %swap3A_311 = arith.index_cast %mul3A_310 : i32 to index
        %swap3A_312 = tpu.vector_load %arg16[%swap3A_311] {strides = array<i32>} : memref<20224xf32, #tpu.memory_space<vmem>>, vector<16xf32>,
        tpu.vector_store %arg16[%swap3A_311], %select_n3A_304 {strides = array<i32>} : memref<20224xf32, #tpu.memory_space<vmem>>, vector<16xf32>,
        %max3A_313 = arith.maximumf %max3A_290, %select_n3A_304 : vector<16xf32>
        %mul3A_314 = arith.constant 16 : i32
        %mul3A_315 = arith.muli %scan3A_40, %mul3A_314 : i32
        %add3A_316 = arith.constant 12 : i32
        %add3A_317 = arith.addi %mul3A_315, %add3A_316 : i32
        %mul3A_318 = arith.constant 16 : i32
        %mul3A_319 = arith.muli %add3A_317, %mul3A_318 : i32
        %get3A_320 = arith.index_cast %mul3A_319 : i32 to index
        %get3A_321 = tpu.vector_load %arg16[%get3A_320] {strides = array<i32>} : memref<20224xf32, #tpu.memory_space<vmem>>, vector<16xf32>,
        %ge3A_322 = arith.constant 0.00999999977 : f32
        %ge3A_323 = vector.broadcast %ge3A_322 : f32 to vector<16xf32>
        %ge3A_324 = arith.cmpf oge, %get3A_321, %ge3A_323 : vector<16xf32>
        %jit3A_325 = arith.constant -1.000000e+09 : f32
        %broadcast_in_dim3A_326 = vector.broadcast %jit3A_325 : f32 to vector<16xf32>
        %select_n3A_327 = arith.select %ge3A_324, %get3A_321, %broadcast_in_dim3A_326 : vector<16xi1>, vector<16xf32>
        %mul3A_328 = arith.constant 16 : i32
        %mul3A_329 = arith.muli %scan3A_40, %mul3A_328 : i32
        %add3A_330 = arith.constant 12 : i32
        %add3A_331 = arith.addi %mul3A_329, %add3A_330 : i32
        %mul3A_332 = arith.constant 16 : i32
        %mul3A_333 = arith.muli %add3A_331, %mul3A_332 : i32
        %swap3A_334 = arith.index_cast %mul3A_333 : i32 to index
        %swap3A_335 = tpu.vector_load %arg16[%swap3A_334] {strides = array<i32>} : memref<20224xf32, #tpu.memory_space<vmem>>, vector<16xf32>,
        tpu.vector_store %arg16[%swap3A_334], %select_n3A_327 {strides = array<i32>} : memref<20224xf32, #tpu.memory_space<vmem>>, vector<16xf32>,
        %max3A_336 = arith.maximumf %max3A_313, %select_n3A_327 : vector<16xf32>
        %mul3A_337 = arith.constant 16 : i32
        %mul3A_338 = arith.muli %scan3A_40, %mul3A_337 : i32
        %add3A_339 = arith.constant 13 : i32
        %add3A_340 = arith.addi %mul3A_338, %add3A_339 : i32
        %mul3A_341 = arith.constant 16 : i32
        %mul3A_342 = arith.muli %add3A_340, %mul3A_341 : i32
        %get3A_343 = arith.index_cast %mul3A_342 : i32 to index
        %get3A_344 = tpu.vector_load %arg16[%get3A_343] {strides = array<i32>} : memref<20224xf32, #tpu.memory_space<vmem>>, vector<16xf32>,
        %ge3A_345 = arith.constant 0.00999999977 : f32
        %ge3A_346 = vector.broadcast %ge3A_345 : f32 to vector<16xf32>
        %ge3A_347 = arith.cmpf oge, %get3A_344, %ge3A_346 : vector<16xf32>
        %jit3A_348 = arith.constant -1.000000e+09 : f32
        %broadcast_in_dim3A_349 = vector.broadcast %jit3A_348 : f32 to vector<16xf32>
        %select_n3A_350 = arith.select %ge3A_347, %get3A_344, %broadcast_in_dim3A_349 : vector<16xi1>, vector<16xf32>
        %mul3A_351 = arith.constant 16 : i32
        %mul3A_352 = arith.muli %scan3A_40, %mul3A_351 : i32
        %add3A_353 = arith.constant 13 : i32
        %add3A_354 = arith.addi %mul3A_352, %add3A_353 : i32
        %mul3A_355 = arith.constant 16 : i32
        %mul3A_356 = arith.muli %add3A_354, %mul3A_355 : i32
        %swap3A_357 = arith.index_cast %mul3A_356 : i32 to index
        %swap3A_358 = tpu.vector_load %arg16[%swap3A_357] {strides = array<i32>} : memref<20224xf32, #tpu.memory_space<vmem>>, vector<16xf32>,
        tpu.vector_store %arg16[%swap3A_357], %select_n3A_350 {strides = array<i32>} : memref<20224xf32, #tpu.memory_space<vmem>>, vector<16xf32>,
        %max3A_359 = arith.maximumf %max3A_336, %select_n3A_350 : vector<16xf32>
        %mul3A_360 = arith.constant 16 : i32
        %mul3A_361 = arith.muli %scan3A_40, %mul3A_360 : i32
        %add3A_362 = arith.constant 14 : i32
        %add3A_363 = arith.addi %mul3A_361, %add3A_362 : i32
        %mul3A_364 = arith.constant 16 : i32
        %mul3A_365 = arith.muli %add3A_363, %mul3A_364 : i32
        %get3A_366 = arith.index_cast %mul3A_365 : i32 to index
        %get3A_367 = tpu.vector_load %arg16[%get3A_366] {strides = array<i32>} : memref<20224xf32, #tpu.memory_space<vmem>>, vector<16xf32>,
        %ge3A_368 = arith.constant 0.00999999977 : f32
        %ge3A_369 = vector.broadcast %ge3A_368 : f32 to vector<16xf32>
        %ge3A_370 = arith.cmpf oge, %get3A_367, %ge3A_369 : vector<16xf32>
        %jit3A_371 = arith.constant -1.000000e+09 : f32
        %broadcast_in_dim3A_372 = vector.broadcast %jit3A_371 : f32 to vector<16xf32>
        %select_n3A_373 = arith.select %ge3A_370, %get3A_367, %broadcast_in_dim3A_372 : vector<16xi1>, vector<16xf32>
        %mul3A_374 = arith.constant 16 : i32
        %mul3A_375 = arith.muli %scan3A_40, %mul3A_374 : i32
        %add3A_376 = arith.constant 14 : i32
        %add3A_377 = arith.addi %mul3A_375, %add3A_376 : i32
        %mul3A_378 = arith.constant 16 : i32
        %mul3A_379 = arith.muli %add3A_377, %mul3A_378 : i32
        %swap3A_380 = arith.index_cast %mul3A_379 : i32 to index
        %swap3A_381 = tpu.vector_load %arg16[%swap3A_380] {strides = array<i32>} : memref<20224xf32, #tpu.memory_space<vmem>>, vector<16xf32>,
        tpu.vector_store %arg16[%swap3A_380], %select_n3A_373 {strides = array<i32>} : memref<20224xf32, #tpu.memory_space<vmem>>, vector<16xf32>,
        %max3A_382 = arith.maximumf %max3A_359, %select_n3A_373 : vector<16xf32>
        %mul3A_383 = arith.constant 16 : i32
        %mul3A_384 = arith.muli %scan3A_40, %mul3A_383 : i32
        %add3A_385 = arith.constant 15 : i32
        %add3A_386 = arith.addi %mul3A_384, %add3A_385 : i32
        %mul3A_387 = arith.constant 16 : i32
        %mul3A_388 = arith.muli %add3A_386, %mul3A_387 : i32
        %get3A_389 = arith.index_cast %mul3A_388 : i32 to index
        %get3A_390 = tpu.vector_load %arg16[%get3A_389] {strides = array<i32>} : memref<20224xf32, #tpu.memory_space<vmem>>, vector<16xf32>,
        %ge3A_391 = arith.constant 0.00999999977 : f32
        %ge3A_392 = vector.broadcast %ge3A_391 : f32 to vector<16xf32>
        %ge3A_393 = arith.cmpf oge, %get3A_390, %ge3A_392 : vector<16xf32>
        %jit3A_394 = arith.constant -1.000000e+09 : f32
        %broadcast_in_dim3A_395 = vector.broadcast %jit3A_394 : f32 to vector<16xf32>
        %select_n3A_396 = arith.select %ge3A_393, %get3A_390, %broadcast_in_dim3A_395 : vector<16xi1>, vector<16xf32>
        %mul3A_397 = arith.constant 16 : i32
        %mul3A_398 = arith.muli %scan3A_40, %mul3A_397 : i32
        %add3A_399 = arith.constant 15 : i32
        %add3A_400 = arith.addi %mul3A_398, %add3A_399 : i32
        %mul3A_401 = arith.constant 16 : i32
        %mul3A_402 = arith.muli %add3A_400, %mul3A_401 : i32
        %swap3A_403 = arith.index_cast %mul3A_402 : i32 to index
        %swap3A_404 = tpu.vector_load %arg16[%swap3A_403] {strides = array<i32>} : memref<20224xf32, #tpu.memory_space<vmem>>, vector<16xf32>,
        tpu.vector_store %arg16[%swap3A_403], %select_n3A_396 {strides = array<i32>} : memref<20224xf32, #tpu.memory_space<vmem>>, vector<16xf32>,
        %max3A_405 = arith.maximumf %max3A_382, %select_n3A_396 : vector<16xf32>
        %reduce_max3A = arith.constant true
        %reduce_max3A_406 = vector.broadcast %reduce_max3A : i1 to vector<16xi1>
        %reduce_max3A_407 = tpu.scan <max>, %max3A_405 masked %reduce_max3A_406 : vector<16xf32>, vector<16xi1> -> vector<16xf32>
        %reduce_max3A_408 = vector.extract %reduce_max3A_407[15] : f32 from vector<16xf32>
        %jit3A_409 = arith.constant 16 : i32
        %div3A = arith.divsi %scan3A_40, %jit3A_409 : i32
        %sign3A = arith.constant 0 : i32
        %sign3A_410 = arith.cmpi sgt, %scan3A_40, %sign3A : i32
        %sign3A_411 = arith.extui %sign3A_410 : i1 to i32
        %sign3A_412 = arith.constant 0 : i32
        %sign3A_413 = arith.cmpi slt, %scan3A_40, %sign3A_412 : i32
        %sign3A_414 = arith.extui %sign3A_413 : i1 to i32
        %sign3A_415 = arith.subi %sign3A_411, %sign3A_414 : i32
        %sign3A_416 = arith.constant 0 : i32
        %sign3A_417 = arith.cmpi sgt, %jit3A_409, %sign3A_416 : i32
        %sign3A_418 = arith.extui %sign3A_417 : i1 to i32
        %sign3A_419 = arith.constant 0 : i32
        %sign3A_420 = arith.cmpi slt, %jit3A_409, %sign3A_419 : i32
        %sign3A_421 = arith.extui %sign3A_420 : i1 to i32
        %sign3A_422 = arith.subi %sign3A_418, %sign3A_421 : i32
        %ne3A = arith.cmpi ne, %sign3A_415, %sign3A_422 : i32
        %rem3A = arith.remsi %scan3A_40, %jit3A_409 : i32
        %ne3A_423 = arith.constant 0 : i32
        %ne3A_424 = arith.cmpi ne, %rem3A, %ne3A_423 : i32
        %and3A_425 = arith.andi %ne3A, %ne3A_424 : i1
        %sub3A = arith.constant 1 : i32
        %sub3A_426 = arith.subi %div3A, %sub3A : i32
        %select_n3A_427 = arith.select %and3A_425, %sub3A_426, %div3A : i32
        %mul3A_428 = arith.constant 16 : i32
        %mul3A_429 = arith.muli %select_n3A_427, %mul3A_428 : i32
        %sub3A_430 = arith.subi %scan3A_40, %mul3A_429 : i32
        %eq3A_431 = vector.broadcast %sub3A_430 : i32 to vector<16xi32>
        %eq3A_432 = arith.cmpi eq, %iota3A, %eq3A_431 : vector<16xi32>
        %get3A_433 = arith.index_cast %mul3A_429 : i32 to index
        %get3A_434 = tpu.vector_load %arg21[%get3A_433] {strides = array<i32>} : memref<80xf32, #tpu.memory_space<vmem>>, vector<16xf32>,
        %broadcast_in_dim3A_435 = vector.broadcast %reduce_max3A_408 : f32 to vector<16xf32>
        %select_n3A_436 = arith.select %eq3A_432, %broadcast_in_dim3A_435, %get3A_434 : vector<16xi1>, vector<16xf32>
        %swap3A_437 = arith.index_cast %mul3A_429 : i32 to index
        %swap3A_438 = tpu.vector_load %arg21[%swap3A_437] {strides = array<i32>} : memref<80xf32, #tpu.memory_space<vmem>>, vector<16xf32>,
        tpu.vector_store %arg21[%swap3A_437], %select_n3A_436 {strides = array<i32>} : memref<80xf32, #tpu.memory_space<vmem>>, vector<16xf32>,
        %scan3A_439 = arith.constant 0 : i32
        scf.yield %scan3A_439 : i32
      }
      %scan3A_26 = arith.constant 79 : i32
      %scan3A_27 = arith.constant 0 : i32
      %scan3A_28 = arith.constant 0 : i32
      %scan3A_29 = arith.constant 7 : i32
      %scan3A_30 = arith.addi %scan3A_28, %scan3A_29 : i32
      %scan3A_31 = arith.constant 1 : i32
      %scan3A_32 = scf.for %scan3A_40 = %scan3A_28 to %scan3A_30 step %scan3A_31 iter_args(%scan3A_41 = %scan3A_27) -> (i32)  : i32 {
        %broadcast_in_dim3A_42 = arith.constant 2.000000e+09 : f32
        %broadcast_in_dim3A_43 = vector.broadcast %broadcast_in_dim3A_42 : f32 to vector<16xf32>
        %mul3A_44 = arith.constant 16 : i32
        %mul3A_45 = arith.muli %scan3A_40, %mul3A_44 : i32
        %swap3A_46 = arith.index_cast %mul3A_45 : i32 to index
        %swap3A_47 = tpu.vector_load %arg22[%swap3A_46] {strides = array<i32>} : memref<112xf32, #tpu.memory_space<vmem>>, vector<16xf32>,
        tpu.vector_store %arg22[%swap3A_46], %broadcast_in_dim3A_43 {strides = array<i32>} : memref<112xf32, #tpu.memory_space<vmem>>, vector<16xf32>,
        %broadcast_in_dim3A_48 = arith.constant 2.000000e+09 : f32
        %broadcast_in_dim3A_49 = vector.broadcast %broadcast_in_dim3A_48 : f32 to vector<16xf32>
        %mul3A_50 = arith.constant 16 : i32
        %mul3A_51 = arith.muli %scan3A_40, %mul3A_50 : i32
        %swap3A_52 = arith.index_cast %mul3A_51 : i32 to index
        %swap3A_53 = tpu.vector_load %arg23[%swap3A_52] {strides = array<i32>} : memref<112xf32, #tpu.memory_space<vmem>>, vector<16xf32>,
        tpu.vector_store %arg23[%swap3A_52], %broadcast_in_dim3A_49 {strides = array<i32>} : memref<112xf32, #tpu.memory_space<vmem>>, vector<16xf32>,
        %broadcast_in_dim3A_54 = arith.constant 2.000000e+09 : f32
        %broadcast_in_dim3A_55 = vector.broadcast %broadcast_in_dim3A_54 : f32 to vector<16xf32>
        %mul3A_56 = arith.constant 16 : i32
        %mul3A_57 = arith.muli %scan3A_40, %mul3A_56 : i32
        %swap3A_58 = arith.index_cast %mul3A_57 : i32 to index
        %swap3A_59 = tpu.vector_load %arg24[%swap3A_58] {strides = array<i32>} : memref<112xf32, #tpu.memory_space<vmem>>, vector<16xf32>,
        tpu.vector_store %arg24[%swap3A_58], %broadcast_in_dim3A_55 {strides = array<i32>} : memref<112xf32, #tpu.memory_space<vmem>>, vector<16xf32>,
        %broadcast_in_dim3A_60 = arith.constant 2.000000e+09 : f32
        %broadcast_in_dim3A_61 = vector.broadcast %broadcast_in_dim3A_60 : f32 to vector<16xf32>
        %mul3A_62 = arith.constant 16 : i32
        %mul3A_63 = arith.muli %scan3A_40, %mul3A_62 : i32
        %swap3A_64 = arith.index_cast %mul3A_63 : i32 to index
        %swap3A_65 = tpu.vector_load %arg25[%swap3A_64] {strides = array<i32>} : memref<112xf32, #tpu.memory_space<vmem>>, vector<16xf32>,
        tpu.vector_store %arg25[%swap3A_64], %broadcast_in_dim3A_61 {strides = array<i32>} : memref<112xf32, #tpu.memory_space<vmem>>, vector<16xf32>,
        %broadcast_in_dim3A_66 = arith.constant -1.000000e+09 : f32
        %broadcast_in_dim3A_67 = vector.broadcast %broadcast_in_dim3A_66 : f32 to vector<16xf32>
        %mul3A_68 = arith.constant 16 : i32
        %mul3A_69 = arith.muli %scan3A_40, %mul3A_68 : i32
        %swap3A_70 = arith.index_cast %mul3A_69 : i32 to index
        %swap3A_71 = tpu.vector_load %arg26[%swap3A_70] {strides = array<i32>} : memref<112xf32, #tpu.memory_space<vmem>>, vector<16xf32>,
        tpu.vector_store %arg26[%swap3A_70], %broadcast_in_dim3A_67 {strides = array<i32>} : memref<112xf32, #tpu.memory_space<vmem>>, vector<16xf32>,
        %broadcast_in_dim3A_72 = arith.constant -1 : i32
        %broadcast_in_dim3A_73 = vector.broadcast %broadcast_in_dim3A_72 : i32 to vector<16xi32>
        %mul3A_74 = arith.constant 16 : i32
        %mul3A_75 = arith.muli %scan3A_40, %mul3A_74 : i32
        %swap3A_76 = arith.index_cast %mul3A_75 : i32 to index
        %swap3A_77 = tpu.vector_load %arg27[%swap3A_76] {strides = array<i32>} : memref<112xi32, #tpu.memory_space<vmem>>, vector<16xi32>,
        tpu.vector_store %arg27[%swap3A_76], %broadcast_in_dim3A_73 {strides = array<i32>} : memref<112xi32, #tpu.memory_space<vmem>>, vector<16xi32>,
        %scan3A_78 = arith.constant 0 : i32
        scf.yield %scan3A_78 : i32
      }
      %scan3A_33 = arith.constant 7 : i32
      tpu.wait_dma2 semaphore(%arg37 : memref<!tpu.dma_semaphore, #tpu.memory_space<semaphore_mem>>) src(%arg3 : memref<20000xf32, #tpu.memory_space<hbm>>) dst(%arg17 : memref<20000xf32, #tpu.memory_space<vmem>>)
      tpu.wait_dma2 semaphore(%arg37 : memref<!tpu.dma_semaphore, #tpu.memory_space<semaphore_mem>>) src(%arg4 : memref<20000xf32, #tpu.memory_space<hbm>>) dst(%arg18 : memref<20000xf32, #tpu.memory_space<vmem>>)
      tpu.wait_dma2 semaphore(%arg37 : memref<!tpu.dma_semaphore, #tpu.memory_space<semaphore_mem>>) src(%arg5 : memref<20000xf32, #tpu.memory_space<hbm>>) dst(%arg19 : memref<20000xf32, #tpu.memory_space<vmem>>)
      tpu.wait_dma2 semaphore(%arg37 : memref<!tpu.dma_semaphore, #tpu.memory_space<semaphore_mem>>) src(%arg6 : memref<20000xf32, #tpu.memory_space<hbm>>) dst(%arg20 : memref<20000xf32, #tpu.memory_space<vmem>>)
      %while3A = arith.constant 0 : i32
      %while3A_34 = arith.constant false
      %while3A_35:2 = scf.while (%while3A_40 = %while3A, %while3A_41 = %while3A_34) : (i32, i1) -> (i32, i1) {
        %lt3A_42 = arith.constant 100 : i32
        %lt3A_43 = arith.cmpi slt, %while3A_40, %lt3A_42 : i32
        %not3A = arith.constant true
        %not3A_44 = arith.xori %while3A_41, %not3A : i1
        %and3A_45 = arith.andi %lt3A_43, %not3A_44 : i1
        scf.condition(%and3A_45) %while3A_40, %while3A_41 : i32, i1
      } do {
      ^bb0(%while3A_40: i32, %while3A_41: i1):
        %broadcast_in_dim3A_42 = arith.constant -1.000000e+09 : f32
        %broadcast_in_dim3A_43 = vector.broadcast %broadcast_in_dim3A_42 : f32 to vector<16xf32>
        %get3A = arith.constant 0 : index
        %get3A_44 = tpu.vector_load %arg21[%get3A] {strides = array<i32>} : memref<80xf32, #tpu.memory_space<vmem>>, vector<16xf32>,
        %max3A = arith.maximumf %broadcast_in_dim3A_43, %get3A_44 : vector<16xf32>
        %get3A_45 = arith.constant 16 : index
        %get3A_46 = tpu.vector_load %arg21[%get3A_45] {strides = array<i32>} : memref<80xf32, #tpu.memory_space<vmem>>, vector<16xf32>,
        %max3A_47 = arith.maximumf %max3A, %get3A_46 : vector<16xf32>
        %get3A_48 = arith.constant 32 : index
        %get3A_49 = tpu.vector_load %arg21[%get3A_48] {strides = array<i32>} : memref<80xf32, #tpu.memory_space<vmem>>, vector<16xf32>,
        %max3A_50 = arith.maximumf %max3A_47, %get3A_49 : vector<16xf32>
        %get3A_51 = arith.constant 48 : index
        %get3A_52 = tpu.vector_load %arg21[%get3A_51] {strides = array<i32>} : memref<80xf32, #tpu.memory_space<vmem>>, vector<16xf32>,
        %max3A_53 = arith.maximumf %max3A_50, %get3A_52 : vector<16xf32>
        %get3A_54 = arith.constant 64 : index
        %get3A_55 = tpu.vector_load %arg21[%get3A_54] {strides = array<i32>} : memref<80xf32, #tpu.memory_space<vmem>>, vector<16xf32>,
        %max3A_56 = arith.maximumf %max3A_53, %get3A_55 : vector<16xf32>
        %reduce_max3A = arith.constant true
        %reduce_max3A_57 = vector.broadcast %reduce_max3A : i1 to vector<16xi1>
        %reduce_max3A_58 = tpu.scan <max>, %max3A_56 masked %reduce_max3A_57 : vector<16xf32>, vector<16xi1> -> vector<16xf32>
        %reduce_max3A_59 = vector.extract %reduce_max3A_58[15] : f32 from vector<16xf32>
        %gt3A = arith.constant -5.000000e+08 : f32
        %gt3A_60 = arith.cmpf ogt, %reduce_max3A_59, %gt3A : f32
        %get3A_61 = arith.constant 0 : index
        %get3A_62 = tpu.vector_load %arg21[%get3A_61] {strides = array<i32>} : memref<80xf32, #tpu.memory_space<vmem>>, vector<16xf32>,
        %eq3A_63 = vector.broadcast %reduce_max3A_59 : f32 to vector<16xf32>
        %eq3A_64 = arith.cmpf oeq, %get3A_62, %eq3A_63 : vector<16xf32>
        %add3A = arith.constant 0 : i32
        %add3A_65 = vector.broadcast %add3A : i32 to vector<16xi32>
        %add3A_66 = arith.addi %iota3A, %add3A_65 : vector<16xi32>
        %jit3A = arith.constant 1073741824 : i32
        %broadcast_in_dim3A_67 = vector.broadcast %jit3A : i32 to vector<16xi32>
        %select_n3A = arith.select %eq3A_64, %add3A_66, %broadcast_in_dim3A_67 : vector<16xi1>, vector<16xi32>
        %reduce_min3A = arith.constant true
        %reduce_min3A_68 = vector.broadcast %reduce_min3A : i1 to vector<16xi1>
        %reduce_min3A_69 = arith.constant -2147483648 : i32
        %reduce_min3A_70 = vector.broadcast %reduce_min3A_69 : i32 to vector<16xi32>
        %reduce_min3A_71 = arith.xori %select_n3A, %reduce_min3A_70 : vector<16xi32>
        %reduce_min3A_72 = tpu.scan <min>, %reduce_min3A_71 masked %reduce_min3A_68 : vector<16xi32>, vector<16xi1> -> vector<16xi32>
        %reduce_min3A_73 = arith.xori %reduce_min3A_72, %reduce_min3A_70 : vector<16xi32>
        %reduce_min3A_74 = vector.extract %reduce_min3A_73[15] : i32 from vector<16xi32>
        %min3A = arith.constant 1073741824 : i32
        %min3A_75 = arith.minsi %min3A, %reduce_min3A_74 : i32
        %get3A_76 = arith.constant 16 : index
        %get3A_77 = tpu.vector_load %arg21[%get3A_76] {strides = array<i32>} : memref<80xf32, #tpu.memory_space<vmem>>, vector<16xf32>,
        %eq3A_78 = vector.broadcast %reduce_max3A_59 : f32 to vector<16xf32>
        %eq3A_79 = arith.cmpf oeq, %get3A_77, %eq3A_78 : vector<16xf32>
        %add3A_80 = arith.constant 16 : i32
        %add3A_81 = vector.broadcast %add3A_80 : i32 to vector<16xi32>
        %add3A_82 = arith.addi %iota3A, %add3A_81 : vector<16xi32>
        %jit3A_83 = arith.constant 1073741824 : i32
        %broadcast_in_dim3A_84 = vector.broadcast %jit3A_83 : i32 to vector<16xi32>
        %select_n3A_85 = arith.select %eq3A_79, %add3A_82, %broadcast_in_dim3A_84 : vector<16xi1>, vector<16xi32>
        %reduce_min3A_86 = arith.constant true
        %reduce_min3A_87 = vector.broadcast %reduce_min3A_86 : i1 to vector<16xi1>
        %reduce_min3A_88 = arith.constant -2147483648 : i32
        %reduce_min3A_89 = vector.broadcast %reduce_min3A_88 : i32 to vector<16xi32>
        %reduce_min3A_90 = arith.xori %select_n3A_85, %reduce_min3A_89 : vector<16xi32>
        %reduce_min3A_91 = tpu.scan <min>, %reduce_min3A_90 masked %reduce_min3A_87 : vector<16xi32>, vector<16xi1> -> vector<16xi32>
        %reduce_min3A_92 = arith.xori %reduce_min3A_91, %reduce_min3A_89 : vector<16xi32>
        %reduce_min3A_93 = vector.extract %reduce_min3A_92[15] : i32 from vector<16xi32>
        %min3A_94 = arith.minsi %min3A_75, %reduce_min3A_93 : i32
        %get3A_95 = arith.constant 32 : index
        %get3A_96 = tpu.vector_load %arg21[%get3A_95] {strides = array<i32>} : memref<80xf32, #tpu.memory_space<vmem>>, vector<16xf32>,
        %eq3A_97 = vector.broadcast %reduce_max3A_59 : f32 to vector<16xf32>
        %eq3A_98 = arith.cmpf oeq, %get3A_96, %eq3A_97 : vector<16xf32>
        %add3A_99 = arith.constant 32 : i32
        %add3A_100 = vector.broadcast %add3A_99 : i32 to vector<16xi32>
        %add3A_101 = arith.addi %iota3A, %add3A_100 : vector<16xi32>
        %jit3A_102 = arith.constant 1073741824 : i32
        %broadcast_in_dim3A_103 = vector.broadcast %jit3A_102 : i32 to vector<16xi32>
        %select_n3A_104 = arith.select %eq3A_98, %add3A_101, %broadcast_in_dim3A_103 : vector<16xi1>, vector<16xi32>
        %reduce_min3A_105 = arith.constant true
        %reduce_min3A_106 = vector.broadcast %reduce_min3A_105 : i1 to vector<16xi1>
        %reduce_min3A_107 = arith.constant -2147483648 : i32
        %reduce_min3A_108 = vector.broadcast %reduce_min3A_107 : i32 to vector<16xi32>
        %reduce_min3A_109 = arith.xori %select_n3A_104, %reduce_min3A_108 : vector<16xi32>
        %reduce_min3A_110 = tpu.scan <min>, %reduce_min3A_109 masked %reduce_min3A_106 : vector<16xi32>, vector<16xi1> -> vector<16xi32>
        %reduce_min3A_111 = arith.xori %reduce_min3A_110, %reduce_min3A_108 : vector<16xi32>
        %reduce_min3A_112 = vector.extract %reduce_min3A_111[15] : i32 from vector<16xi32>
        %min3A_113 = arith.minsi %min3A_94, %reduce_min3A_112 : i32
        %get3A_114 = arith.constant 48 : index
        %get3A_115 = tpu.vector_load %arg21[%get3A_114] {strides = array<i32>} : memref<80xf32, #tpu.memory_space<vmem>>, vector<16xf32>,
        %eq3A_116 = vector.broadcast %reduce_max3A_59 : f32 to vector<16xf32>
        %eq3A_117 = arith.cmpf oeq, %get3A_115, %eq3A_116 : vector<16xf32>
        %add3A_118 = arith.constant 48 : i32
        %add3A_119 = vector.broadcast %add3A_118 : i32 to vector<16xi32>
        %add3A_120 = arith.addi %iota3A, %add3A_119 : vector<16xi32>
        %jit3A_121 = arith.constant 1073741824 : i32
        %broadcast_in_dim3A_122 = vector.broadcast %jit3A_121 : i32 to vector<16xi32>
        %select_n3A_123 = arith.select %eq3A_117, %add3A_120, %broadcast_in_dim3A_122 : vector<16xi1>, vector<16xi32>
        %reduce_min3A_124 = arith.constant true
        %reduce_min3A_125 = vector.broadcast %reduce_min3A_124 : i1 to vector<16xi1>
        %reduce_min3A_126 = arith.constant -2147483648 : i32
        %reduce_min3A_127 = vector.broadcast %reduce_min3A_126 : i32 to vector<16xi32>
        %reduce_min3A_128 = arith.xori %select_n3A_123, %reduce_min3A_127 : vector<16xi32>
        %reduce_min3A_129 = tpu.scan <min>, %reduce_min3A_128 masked %reduce_min3A_125 : vector<16xi32>, vector<16xi1> -> vector<16xi32>
        %reduce_min3A_130 = arith.xori %reduce_min3A_129, %reduce_min3A_127 : vector<16xi32>
        %reduce_min3A_131 = vector.extract %reduce_min3A_130[15] : i32 from vector<16xi32>
        %min3A_132 = arith.minsi %min3A_113, %reduce_min3A_131 : i32
        %get3A_133 = arith.constant 64 : index
        %get3A_134 = tpu.vector_load %arg21[%get3A_133] {strides = array<i32>} : memref<80xf32, #tpu.memory_space<vmem>>, vector<16xf32>,
        %eq3A_135 = vector.broadcast %reduce_max3A_59 : f32 to vector<16xf32>
        %eq3A_136 = arith.cmpf oeq, %get3A_134, %eq3A_135 : vector<16xf32>
        %add3A_137 = arith.constant 64 : i32
        %add3A_138 = vector.broadcast %add3A_137 : i32 to vector<16xi32>
        %add3A_139 = arith.addi %iota3A, %add3A_138 : vector<16xi32>
        %jit3A_140 = arith.constant 1073741824 : i32
        %broadcast_in_dim3A_141 = vector.broadcast %jit3A_140 : i32 to vector<16xi32>
        %select_n3A_142 = arith.select %eq3A_136, %add3A_139, %broadcast_in_dim3A_141 : vector<16xi1>, vector<16xi32>
        %reduce_min3A_143 = arith.constant true
        %reduce_min3A_144 = vector.broadcast %reduce_min3A_143 : i1 to vector<16xi1>
        %reduce_min3A_145 = arith.constant -2147483648 : i32
        %reduce_min3A_146 = vector.broadcast %reduce_min3A_145 : i32 to vector<16xi32>
        %reduce_min3A_147 = arith.xori %select_n3A_142, %reduce_min3A_146 : vector<16xi32>
        %reduce_min3A_148 = tpu.scan <min>, %reduce_min3A_147 masked %reduce_min3A_144 : vector<16xi32>, vector<16xi1> -> vector<16xi32>
        %reduce_min3A_149 = arith.xori %reduce_min3A_148, %reduce_min3A_146 : vector<16xi32>
        %reduce_min3A_150 = vector.extract %reduce_min3A_149[15] : i32 from vector<16xi32>
        %min3A_151 = arith.minsi %min3A_132, %reduce_min3A_150 : i32
        %min3A_152 = arith.constant 78 : i32
        %min3A_153 = arith.minsi %min3A_151, %min3A_152 : i32
        %broadcast_in_dim3A_154 = arith.constant 1073741824 : i32
        %broadcast_in_dim3A_155 = vector.broadcast %broadcast_in_dim3A_154 : i32 to vector<16xi32>
        %mul3A_156 = arith.constant 16 : i32
        %mul3A_157 = arith.muli %min3A_153, %mul3A_156 : i32
        %add3A_158 = arith.constant 0 : i32
        %add3A_159 = arith.addi %mul3A_157, %add3A_158 : i32
        %mul3A_160 = arith.constant 16 : i32
        %mul3A_161 = arith.muli %add3A_159, %mul3A_160 : i32
        %get3A_162 = arith.index_cast %mul3A_161 : i32 to index
        %get3A_163 = tpu.vector_load %arg16[%get3A_162] {strides = array<i32>} : memref<20224xf32, #tpu.memory_space<vmem>>, vector<16xf32>,
        %eq3A_164 = vector.broadcast %reduce_max3A_59 : f32 to vector<16xf32>
        %eq3A_165 = arith.cmpf oeq, %get3A_163, %eq3A_164 : vector<16xf32>
        %add3A_166 = arith.constant 0 : i32
        %add3A_167 = vector.broadcast %add3A_166 : i32 to vector<16xi32>
        %add3A_168 = arith.addi %iota3A, %add3A_167 : vector<16xi32>
        %jit3A_169 = arith.constant 1073741824 : i32
        %broadcast_in_dim3A_170 = vector.broadcast %jit3A_169 : i32 to vector<16xi32>
        %select_n3A_171 = arith.select %eq3A_165, %add3A_168, %broadcast_in_dim3A_170 : vector<16xi1>, vector<16xi32>
        %min3A_172 = arith.minsi %broadcast_in_dim3A_155, %select_n3A_171 : vector<16xi32>
        %mul3A_173 = arith.constant 16 : i32
        %mul3A_174 = arith.muli %min3A_153, %mul3A_173 : i32
        %add3A_175 = arith.constant 1 : i32
        %add3A_176 = arith.addi %mul3A_174, %add3A_175 : i32
        %mul3A_177 = arith.constant 16 : i32
        %mul3A_178 = arith.muli %add3A_176, %mul3A_177 : i32
        %get3A_179 = arith.index_cast %mul3A_178 : i32 to index
        %get3A_180 = tpu.vector_load %arg16[%get3A_179] {strides = array<i32>} : memref<20224xf32, #tpu.memory_space<vmem>>, vector<16xf32>,
        %eq3A_181 = vector.broadcast %reduce_max3A_59 : f32 to vector<16xf32>
        %eq3A_182 = arith.cmpf oeq, %get3A_180, %eq3A_181 : vector<16xf32>
        %add3A_183 = arith.constant 16 : i32
        %add3A_184 = vector.broadcast %add3A_183 : i32 to vector<16xi32>
        %add3A_185 = arith.addi %iota3A, %add3A_184 : vector<16xi32>
        %jit3A_186 = arith.constant 1073741824 : i32
        %broadcast_in_dim3A_187 = vector.broadcast %jit3A_186 : i32 to vector<16xi32>
        %select_n3A_188 = arith.select %eq3A_182, %add3A_185, %broadcast_in_dim3A_187 : vector<16xi1>, vector<16xi32>
        %min3A_189 = arith.minsi %min3A_172, %select_n3A_188 : vector<16xi32>
        %mul3A_190 = arith.constant 16 : i32
        %mul3A_191 = arith.muli %min3A_153, %mul3A_190 : i32
        %add3A_192 = arith.constant 2 : i32
        %add3A_193 = arith.addi %mul3A_191, %add3A_192 : i32
        %mul3A_194 = arith.constant 16 : i32
        %mul3A_195 = arith.muli %add3A_193, %mul3A_194 : i32
        %get3A_196 = arith.index_cast %mul3A_195 : i32 to index
        %get3A_197 = tpu.vector_load %arg16[%get3A_196] {strides = array<i32>} : memref<20224xf32, #tpu.memory_space<vmem>>, vector<16xf32>,
        %eq3A_198 = vector.broadcast %reduce_max3A_59 : f32 to vector<16xf32>
        %eq3A_199 = arith.cmpf oeq, %get3A_197, %eq3A_198 : vector<16xf32>
        %add3A_200 = arith.constant 32 : i32
        %add3A_201 = vector.broadcast %add3A_200 : i32 to vector<16xi32>
        %add3A_202 = arith.addi %iota3A, %add3A_201 : vector<16xi32>
        %jit3A_203 = arith.constant 1073741824 : i32
        %broadcast_in_dim3A_204 = vector.broadcast %jit3A_203 : i32 to vector<16xi32>
        %select_n3A_205 = arith.select %eq3A_199, %add3A_202, %broadcast_in_dim3A_204 : vector<16xi1>, vector<16xi32>
        %min3A_206 = arith.minsi %min3A_189, %select_n3A_205 : vector<16xi32>
        %mul3A_207 = arith.constant 16 : i32
        %mul3A_208 = arith.muli %min3A_153, %mul3A_207 : i32
        %add3A_209 = arith.constant 3 : i32
        %add3A_210 = arith.addi %mul3A_208, %add3A_209 : i32
        %mul3A_211 = arith.constant 16 : i32
        %mul3A_212 = arith.muli %add3A_210, %mul3A_211 : i32
        %get3A_213 = arith.index_cast %mul3A_212 : i32 to index
        %get3A_214 = tpu.vector_load %arg16[%get3A_213] {strides = array<i32>} : memref<20224xf32, #tpu.memory_space<vmem>>, vector<16xf32>,
        %eq3A_215 = vector.broadcast %reduce_max3A_59 : f32 to vector<16xf32>
        %eq3A_216 = arith.cmpf oeq, %get3A_214, %eq3A_215 : vector<16xf32>
        %add3A_217 = arith.constant 48 : i32
        %add3A_218 = vector.broadcast %add3A_217 : i32 to vector<16xi32>
        %add3A_219 = arith.addi %iota3A, %add3A_218 : vector<16xi32>
        %jit3A_220 = arith.constant 1073741824 : i32
        %broadcast_in_dim3A_221 = vector.broadcast %jit3A_220 : i32 to vector<16xi32>
        %select_n3A_222 = arith.select %eq3A_216, %add3A_219, %broadcast_in_dim3A_221 : vector<16xi1>, vector<16xi32>
        %min3A_223 = arith.minsi %min3A_206, %select_n3A_222 : vector<16xi32>
        %mul3A_224 = arith.constant 16 : i32
        %mul3A_225 = arith.muli %min3A_153, %mul3A_224 : i32
        %add3A_226 = arith.constant 4 : i32
        %add3A_227 = arith.addi %mul3A_225, %add3A_226 : i32
        %mul3A_228 = arith.constant 16 : i32
        %mul3A_229 = arith.muli %add3A_227, %mul3A_228 : i32
        %get3A_230 = arith.index_cast %mul3A_229 : i32 to index
        %get3A_231 = tpu.vector_load %arg16[%get3A_230] {strides = array<i32>} : memref<20224xf32, #tpu.memory_space<vmem>>, vector<16xf32>,
        %eq3A_232 = vector.broadcast %reduce_max3A_59 : f32 to vector<16xf32>
        %eq3A_233 = arith.cmpf oeq, %get3A_231, %eq3A_232 : vector<16xf32>
        %add3A_234 = arith.constant 64 : i32
        %add3A_235 = vector.broadcast %add3A_234 : i32 to vector<16xi32>
        %add3A_236 = arith.addi %iota3A, %add3A_235 : vector<16xi32>
        %jit3A_237 = arith.constant 1073741824 : i32
        %broadcast_in_dim3A_238 = vector.broadcast %jit3A_237 : i32 to vector<16xi32>
        %select_n3A_239 = arith.select %eq3A_233, %add3A_236, %broadcast_in_dim3A_238 : vector<16xi1>, vector<16xi32>
        %min3A_240 = arith.minsi %min3A_223, %select_n3A_239 : vector<16xi32>
        %mul3A_241 = arith.constant 16 : i32
        %mul3A_242 = arith.muli %min3A_153, %mul3A_241 : i32
        %add3A_243 = arith.constant 5 : i32
        %add3A_244 = arith.addi %mul3A_242, %add3A_243 : i32
        %mul3A_245 = arith.constant 16 : i32
        %mul3A_246 = arith.muli %add3A_244, %mul3A_245 : i32
        %get3A_247 = arith.index_cast %mul3A_246 : i32 to index
        %get3A_248 = tpu.vector_load %arg16[%get3A_247] {strides = array<i32>} : memref<20224xf32, #tpu.memory_space<vmem>>, vector<16xf32>,
        %eq3A_249 = vector.broadcast %reduce_max3A_59 : f32 to vector<16xf32>
        %eq3A_250 = arith.cmpf oeq, %get3A_248, %eq3A_249 : vector<16xf32>
        %add3A_251 = arith.constant 80 : i32
        %add3A_252 = vector.broadcast %add3A_251 : i32 to vector<16xi32>
        %add3A_253 = arith.addi %iota3A, %add3A_252 : vector<16xi32>
        %jit3A_254 = arith.constant 1073741824 : i32
        %broadcast_in_dim3A_255 = vector.broadcast %jit3A_254 : i32 to vector<16xi32>
        %select_n3A_256 = arith.select %eq3A_250, %add3A_253, %broadcast_in_dim3A_255 : vector<16xi1>, vector<16xi32>
        %min3A_257 = arith.minsi %min3A_240, %select_n3A_256 : vector<16xi32>
        %mul3A_258 = arith.constant 16 : i32
        %mul3A_259 = arith.muli %min3A_153, %mul3A_258 : i32
        %add3A_260 = arith.constant 6 : i32
        %add3A_261 = arith.addi %mul3A_259, %add3A_260 : i32
        %mul3A_262 = arith.constant 16 : i32
        %mul3A_263 = arith.muli %add3A_261, %mul3A_262 : i32
        %get3A_264 = arith.index_cast %mul3A_263 : i32 to index
        %get3A_265 = tpu.vector_load %arg16[%get3A_264] {strides = array<i32>} : memref<20224xf32, #tpu.memory_space<vmem>>, vector<16xf32>,
        %eq3A_266 = vector.broadcast %reduce_max3A_59 : f32 to vector<16xf32>
        %eq3A_267 = arith.cmpf oeq, %get3A_265, %eq3A_266 : vector<16xf32>
        %add3A_268 = arith.constant 96 : i32
        %add3A_269 = vector.broadcast %add3A_268 : i32 to vector<16xi32>
        %add3A_270 = arith.addi %iota3A, %add3A_269 : vector<16xi32>
        %jit3A_271 = arith.constant 1073741824 : i32
        %broadcast_in_dim3A_272 = vector.broadcast %jit3A_271 : i32 to vector<16xi32>
        %select_n3A_273 = arith.select %eq3A_267, %add3A_270, %broadcast_in_dim3A_272 : vector<16xi1>, vector<16xi32>
        %min3A_274 = arith.minsi %min3A_257, %select_n3A_273 : vector<16xi32>
        %mul3A_275 = arith.constant 16 : i32
        %mul3A_276 = arith.muli %min3A_153, %mul3A_275 : i32
        %add3A_277 = arith.constant 7 : i32
        %add3A_278 = arith.addi %mul3A_276, %add3A_277 : i32
        %mul3A_279 = arith.constant 16 : i32
        %mul3A_280 = arith.muli %add3A_278, %mul3A_279 : i32
        %get3A_281 = arith.index_cast %mul3A_280 : i32 to index
        %get3A_282 = tpu.vector_load %arg16[%get3A_281] {strides = array<i32>} : memref<20224xf32, #tpu.memory_space<vmem>>, vector<16xf32>,
        %eq3A_283 = vector.broadcast %reduce_max3A_59 : f32 to vector<16xf32>
        %eq3A_284 = arith.cmpf oeq, %get3A_282, %eq3A_283 : vector<16xf32>
        %add3A_285 = arith.constant 112 : i32
        %add3A_286 = vector.broadcast %add3A_285 : i32 to vector<16xi32>
        %add3A_287 = arith.addi %iota3A, %add3A_286 : vector<16xi32>
        %jit3A_288 = arith.constant 1073741824 : i32
        %broadcast_in_dim3A_289 = vector.broadcast %jit3A_288 : i32 to vector<16xi32>
        %select_n3A_290 = arith.select %eq3A_284, %add3A_287, %broadcast_in_dim3A_289 : vector<16xi1>, vector<16xi32>
        %min3A_291 = arith.minsi %min3A_274, %select_n3A_290 : vector<16xi32>
        %mul3A_292 = arith.constant 16 : i32
        %mul3A_293 = arith.muli %min3A_153, %mul3A_292 : i32
        %add3A_294 = arith.constant 8 : i32
        %add3A_295 = arith.addi %mul3A_293, %add3A_294 : i32
        %mul3A_296 = arith.constant 16 : i32
        %mul3A_297 = arith.muli %add3A_295, %mul3A_296 : i32
        %get3A_298 = arith.index_cast %mul3A_297 : i32 to index
        %get3A_299 = tpu.vector_load %arg16[%get3A_298] {strides = array<i32>} : memref<20224xf32, #tpu.memory_space<vmem>>, vector<16xf32>,
        %eq3A_300 = vector.broadcast %reduce_max3A_59 : f32 to vector<16xf32>
        %eq3A_301 = arith.cmpf oeq, %get3A_299, %eq3A_300 : vector<16xf32>
        %add3A_302 = arith.constant 128 : i32
        %add3A_303 = vector.broadcast %add3A_302 : i32 to vector<16xi32>
        %add3A_304 = arith.addi %iota3A, %add3A_303 : vector<16xi32>
        %jit3A_305 = arith.constant 1073741824 : i32
        %broadcast_in_dim3A_306 = vector.broadcast %jit3A_305 : i32 to vector<16xi32>
        %select_n3A_307 = arith.select %eq3A_301, %add3A_304, %broadcast_in_dim3A_306 : vector<16xi1>, vector<16xi32>
        %min3A_308 = arith.minsi %min3A_291, %select_n3A_307 : vector<16xi32>
        %mul3A_309 = arith.constant 16 : i32
        %mul3A_310 = arith.muli %min3A_153, %mul3A_309 : i32
        %add3A_311 = arith.constant 9 : i32
        %add3A_312 = arith.addi %mul3A_310, %add3A_311 : i32
        %mul3A_313 = arith.constant 16 : i32
        %mul3A_314 = arith.muli %add3A_312, %mul3A_313 : i32
        %get3A_315 = arith.index_cast %mul3A_314 : i32 to index
        %get3A_316 = tpu.vector_load %arg16[%get3A_315] {strides = array<i32>} : memref<20224xf32, #tpu.memory_space<vmem>>, vector<16xf32>,
        %eq3A_317 = vector.broadcast %reduce_max3A_59 : f32 to vector<16xf32>
        %eq3A_318 = arith.cmpf oeq, %get3A_316, %eq3A_317 : vector<16xf32>
        %add3A_319 = arith.constant 144 : i32
        %add3A_320 = vector.broadcast %add3A_319 : i32 to vector<16xi32>
        %add3A_321 = arith.addi %iota3A, %add3A_320 : vector<16xi32>
        %jit3A_322 = arith.constant 1073741824 : i32
        %broadcast_in_dim3A_323 = vector.broadcast %jit3A_322 : i32 to vector<16xi32>
        %select_n3A_324 = arith.select %eq3A_318, %add3A_321, %broadcast_in_dim3A_323 : vector<16xi1>, vector<16xi32>
        %min3A_325 = arith.minsi %min3A_308, %select_n3A_324 : vector<16xi32>
        %mul3A_326 = arith.constant 16 : i32
        %mul3A_327 = arith.muli %min3A_153, %mul3A_326 : i32
        %add3A_328 = arith.constant 10 : i32
        %add3A_329 = arith.addi %mul3A_327, %add3A_328 : i32
        %mul3A_330 = arith.constant 16 : i32
        %mul3A_331 = arith.muli %add3A_329, %mul3A_330 : i32
        %get3A_332 = arith.index_cast %mul3A_331 : i32 to index
        %get3A_333 = tpu.vector_load %arg16[%get3A_332] {strides = array<i32>} : memref<20224xf32, #tpu.memory_space<vmem>>, vector<16xf32>,
        %eq3A_334 = vector.broadcast %reduce_max3A_59 : f32 to vector<16xf32>
        %eq3A_335 = arith.cmpf oeq, %get3A_333, %eq3A_334 : vector<16xf32>
        %add3A_336 = arith.constant 160 : i32
        %add3A_337 = vector.broadcast %add3A_336 : i32 to vector<16xi32>
        %add3A_338 = arith.addi %iota3A, %add3A_337 : vector<16xi32>
        %jit3A_339 = arith.constant 1073741824 : i32
        %broadcast_in_dim3A_340 = vector.broadcast %jit3A_339 : i32 to vector<16xi32>
        %select_n3A_341 = arith.select %eq3A_335, %add3A_338, %broadcast_in_dim3A_340 : vector<16xi1>, vector<16xi32>
        %min3A_342 = arith.minsi %min3A_325, %select_n3A_341 : vector<16xi32>
        %mul3A_343 = arith.constant 16 : i32
        %mul3A_344 = arith.muli %min3A_153, %mul3A_343 : i32
        %add3A_345 = arith.constant 11 : i32
        %add3A_346 = arith.addi %mul3A_344, %add3A_345 : i32
        %mul3A_347 = arith.constant 16 : i32
        %mul3A_348 = arith.muli %add3A_346, %mul3A_347 : i32
        %get3A_349 = arith.index_cast %mul3A_348 : i32 to index
        %get3A_350 = tpu.vector_load %arg16[%get3A_349] {strides = array<i32>} : memref<20224xf32, #tpu.memory_space<vmem>>, vector<16xf32>,
        %eq3A_351 = vector.broadcast %reduce_max3A_59 : f32 to vector<16xf32>
        %eq3A_352 = arith.cmpf oeq, %get3A_350, %eq3A_351 : vector<16xf32>
        %add3A_353 = arith.constant 176 : i32
        %add3A_354 = vector.broadcast %add3A_353 : i32 to vector<16xi32>
        %add3A_355 = arith.addi %iota3A, %add3A_354 : vector<16xi32>
        %jit3A_356 = arith.constant 1073741824 : i32
        %broadcast_in_dim3A_357 = vector.broadcast %jit3A_356 : i32 to vector<16xi32>
        %select_n3A_358 = arith.select %eq3A_352, %add3A_355, %broadcast_in_dim3A_357 : vector<16xi1>, vector<16xi32>
        %min3A_359 = arith.minsi %min3A_342, %select_n3A_358 : vector<16xi32>
        %mul3A_360 = arith.constant 16 : i32
        %mul3A_361 = arith.muli %min3A_153, %mul3A_360 : i32
        %add3A_362 = arith.constant 12 : i32
        %add3A_363 = arith.addi %mul3A_361, %add3A_362 : i32
        %mul3A_364 = arith.constant 16 : i32
        %mul3A_365 = arith.muli %add3A_363, %mul3A_364 : i32
        %get3A_366 = arith.index_cast %mul3A_365 : i32 to index
        %get3A_367 = tpu.vector_load %arg16[%get3A_366] {strides = array<i32>} : memref<20224xf32, #tpu.memory_space<vmem>>, vector<16xf32>,
        %eq3A_368 = vector.broadcast %reduce_max3A_59 : f32 to vector<16xf32>
        %eq3A_369 = arith.cmpf oeq, %get3A_367, %eq3A_368 : vector<16xf32>
        %add3A_370 = arith.constant 192 : i32
        %add3A_371 = vector.broadcast %add3A_370 : i32 to vector<16xi32>
        %add3A_372 = arith.addi %iota3A, %add3A_371 : vector<16xi32>
        %jit3A_373 = arith.constant 1073741824 : i32
        %broadcast_in_dim3A_374 = vector.broadcast %jit3A_373 : i32 to vector<16xi32>
        %select_n3A_375 = arith.select %eq3A_369, %add3A_372, %broadcast_in_dim3A_374 : vector<16xi1>, vector<16xi32>
        %min3A_376 = arith.minsi %min3A_359, %select_n3A_375 : vector<16xi32>
        %mul3A_377 = arith.constant 16 : i32
        %mul3A_378 = arith.muli %min3A_153, %mul3A_377 : i32
        %add3A_379 = arith.constant 13 : i32
        %add3A_380 = arith.addi %mul3A_378, %add3A_379 : i32
        %mul3A_381 = arith.constant 16 : i32
        %mul3A_382 = arith.muli %add3A_380, %mul3A_381 : i32
        %get3A_383 = arith.index_cast %mul3A_382 : i32 to index
        %get3A_384 = tpu.vector_load %arg16[%get3A_383] {strides = array<i32>} : memref<20224xf32, #tpu.memory_space<vmem>>, vector<16xf32>,
        %eq3A_385 = vector.broadcast %reduce_max3A_59 : f32 to vector<16xf32>
        %eq3A_386 = arith.cmpf oeq, %get3A_384, %eq3A_385 : vector<16xf32>
        %add3A_387 = arith.constant 208 : i32
        %add3A_388 = vector.broadcast %add3A_387 : i32 to vector<16xi32>
        %add3A_389 = arith.addi %iota3A, %add3A_388 : vector<16xi32>
        %jit3A_390 = arith.constant 1073741824 : i32
        %broadcast_in_dim3A_391 = vector.broadcast %jit3A_390 : i32 to vector<16xi32>
        %select_n3A_392 = arith.select %eq3A_386, %add3A_389, %broadcast_in_dim3A_391 : vector<16xi1>, vector<16xi32>
        %min3A_393 = arith.minsi %min3A_376, %select_n3A_392 : vector<16xi32>
        %mul3A_394 = arith.constant 16 : i32
        %mul3A_395 = arith.muli %min3A_153, %mul3A_394 : i32
        %add3A_396 = arith.constant 14 : i32
        %add3A_397 = arith.addi %mul3A_395, %add3A_396 : i32
        %mul3A_398 = arith.constant 16 : i32
        %mul3A_399 = arith.muli %add3A_397, %mul3A_398 : i32
        %get3A_400 = arith.index_cast %mul3A_399 : i32 to index
        %get3A_401 = tpu.vector_load %arg16[%get3A_400] {strides = array<i32>} : memref<20224xf32, #tpu.memory_space<vmem>>, vector<16xf32>,
        %eq3A_402 = vector.broadcast %reduce_max3A_59 : f32 to vector<16xf32>
        %eq3A_403 = arith.cmpf oeq, %get3A_401, %eq3A_402 : vector<16xf32>
        %add3A_404 = arith.constant 224 : i32
        %add3A_405 = vector.broadcast %add3A_404 : i32 to vector<16xi32>
        %add3A_406 = arith.addi %iota3A, %add3A_405 : vector<16xi32>
        %jit3A_407 = arith.constant 1073741824 : i32
        %broadcast_in_dim3A_408 = vector.broadcast %jit3A_407 : i32 to vector<16xi32>
        %select_n3A_409 = arith.select %eq3A_403, %add3A_406, %broadcast_in_dim3A_408 : vector<16xi1>, vector<16xi32>
        %min3A_410 = arith.minsi %min3A_393, %select_n3A_409 : vector<16xi32>
        %mul3A_411 = arith.constant 16 : i32
        %mul3A_412 = arith.muli %min3A_153, %mul3A_411 : i32
        %add3A_413 = arith.constant 15 : i32
        %add3A_414 = arith.addi %mul3A_412, %add3A_413 : i32
        %mul3A_415 = arith.constant 16 : i32
        %mul3A_416 = arith.muli %add3A_414, %mul3A_415 : i32
        %get3A_417 = arith.index_cast %mul3A_416 : i32 to index
        %get3A_418 = tpu.vector_load %arg16[%get3A_417] {strides = array<i32>} : memref<20224xf32, #tpu.memory_space<vmem>>, vector<16xf32>,
        %eq3A_419 = vector.broadcast %reduce_max3A_59 : f32 to vector<16xf32>
        %eq3A_420 = arith.cmpf oeq, %get3A_418, %eq3A_419 : vector<16xf32>
        %add3A_421 = arith.constant 240 : i32
        %add3A_422 = vector.broadcast %add3A_421 : i32 to vector<16xi32>
        %add3A_423 = arith.addi %iota3A, %add3A_422 : vector<16xi32>
        %jit3A_424 = arith.constant 1073741824 : i32
        %broadcast_in_dim3A_425 = vector.broadcast %jit3A_424 : i32 to vector<16xi32>
        %select_n3A_426 = arith.select %eq3A_420, %add3A_423, %broadcast_in_dim3A_425 : vector<16xi1>, vector<16xi32>
        %min3A_427 = arith.minsi %min3A_410, %select_n3A_426 : vector<16xi32>
        %reduce_min3A_428 = arith.constant true
        %reduce_min3A_429 = vector.broadcast %reduce_min3A_428 : i1 to vector<16xi1>
        %reduce_min3A_430 = arith.constant -2147483648 : i32
        %reduce_min3A_431 = vector.broadcast %reduce_min3A_430 : i32 to vector<16xi32>
        %reduce_min3A_432 = arith.xori %min3A_427, %reduce_min3A_431 : vector<16xi32>
        %reduce_min3A_433 = tpu.scan <min>, %reduce_min3A_432 masked %reduce_min3A_429 : vector<16xi32>, vector<16xi1> -> vector<16xi32>
        %reduce_min3A_434 = arith.xori %reduce_min3A_433, %reduce_min3A_431 : vector<16xi32>
        %reduce_min3A_435 = vector.extract %reduce_min3A_434[15] : i32 from vector<16xi32>
        %min3A_436 = arith.constant 255 : i32
        %min3A_437 = arith.minsi %reduce_min3A_435, %min3A_436 : i32
        %jit3A_438 = arith.constant 16 : i32
        %div3A = arith.divsi %min3A_437, %jit3A_438 : i32
        %sign3A = arith.constant 0 : i32
        %sign3A_439 = arith.cmpi sgt, %min3A_437, %sign3A : i32
        %sign3A_440 = arith.extui %sign3A_439 : i1 to i32
        %sign3A_441 = arith.constant 0 : i32
        %sign3A_442 = arith.cmpi slt, %min3A_437, %sign3A_441 : i32
        %sign3A_443 = arith.extui %sign3A_442 : i1 to i32
        %sign3A_444 = arith.subi %sign3A_440, %sign3A_443 : i32
        %sign3A_445 = arith.constant 0 : i32
        %sign3A_446 = arith.cmpi sgt, %jit3A_438, %sign3A_445 : i32
        %sign3A_447 = arith.extui %sign3A_446 : i1 to i32
        %sign3A_448 = arith.constant 0 : i32
        %sign3A_449 = arith.cmpi slt, %jit3A_438, %sign3A_448 : i32
        %sign3A_450 = arith.extui %sign3A_449 : i1 to i32
        %sign3A_451 = arith.subi %sign3A_447, %sign3A_450 : i32
        %ne3A = arith.cmpi ne, %sign3A_444, %sign3A_451 : i32
        %rem3A = arith.remsi %min3A_437, %jit3A_438 : i32
        %ne3A_452 = arith.constant 0 : i32
        %ne3A_453 = arith.cmpi ne, %rem3A, %ne3A_452 : i32
        %and3A_454 = arith.andi %ne3A, %ne3A_453 : i1
        %sub3A = arith.constant 1 : i32
        %sub3A_455 = arith.subi %div3A, %sub3A : i32
        %select_n3A_456 = arith.select %and3A_454, %sub3A_455, %div3A : i32
        %mul3A_457 = arith.constant 16 : i32
        %mul3A_458 = arith.muli %select_n3A_456, %mul3A_457 : i32
        %sub3A_459 = arith.subi %min3A_437, %mul3A_458 : i32
        %mul3A_460 = arith.constant 16 : i32
        %mul3A_461 = arith.muli %min3A_153, %mul3A_460 : i32
        %add3A_462 = arith.addi %mul3A_461, %select_n3A_456 : i32
        %mul3A_463 = arith.constant 16 : i32
        %mul3A_464 = arith.muli %add3A_462, %mul3A_463 : i32
        %add3A_465 = arith.addi %mul3A_464, %sub3A_459 : i32
        %mul3A_466 = arith.constant 16 : i32
        %mul3A_467 = arith.muli %add3A_462, %mul3A_466 : i32
        %get3A_468 = arith.index_cast %mul3A_467 : i32 to index
        %get3A_469 = tpu.vector_load %arg16[%get3A_468] {strides = array<i32>} : memref<20224xf32, #tpu.memory_space<vmem>>, vector<16xf32>,
        %eq3A_470 = vector.broadcast %sub3A_459 : i32 to vector<16xi32>
        %eq3A_471 = arith.cmpi eq, %iota3A, %eq3A_470 : vector<16xi32>
        %jit3A_472 = arith.constant -1.000000e+09 : f32
        %broadcast_in_dim3A_473 = vector.broadcast %jit3A_472 : f32 to vector<16xf32>
        %select_n3A_474 = arith.select %eq3A_471, %broadcast_in_dim3A_473, %get3A_469 : vector<16xi1>, vector<16xf32>
        %mul3A_475 = arith.constant 16 : i32
        %mul3A_476 = arith.muli %add3A_462, %mul3A_475 : i32
        %swap3A_477 = arith.index_cast %mul3A_476 : i32 to index
        %swap3A_478 = tpu.vector_load %arg16[%swap3A_477] {strides = array<i32>} : memref<20224xf32, #tpu.memory_space<vmem>>, vector<16xf32>,
        tpu.vector_store %arg16[%swap3A_477], %select_n3A_474 {strides = array<i32>} : memref<20224xf32, #tpu.memory_space<vmem>>, vector<16xf32>,
        %broadcast_in_dim3A_479 = arith.constant -1.000000e+09 : f32
        %broadcast_in_dim3A_480 = vector.broadcast %broadcast_in_dim3A_479 : f32 to vector<16xf32>
        %mul3A_481 = arith.constant 16 : i32
        %mul3A_482 = arith.muli %min3A_153, %mul3A_481 : i32
        %add3A_483 = arith.constant 0 : i32
        %add3A_484 = arith.addi %mul3A_482, %add3A_483 : i32
        %mul3A_485 = arith.constant 16 : i32
        %mul3A_486 = arith.muli %add3A_484, %mul3A_485 : i32
        %get3A_487 = arith.index_cast %mul3A_486 : i32 to index
        %get3A_488 = tpu.vector_load %arg16[%get3A_487] {strides = array<i32>} : memref<20224xf32, #tpu.memory_space<vmem>>, vector<16xf32>,
        %max3A_489 = arith.maximumf %broadcast_in_dim3A_480, %get3A_488 : vector<16xf32>
        %mul3A_490 = arith.constant 16 : i32
        %mul3A_491 = arith.muli %min3A_153, %mul3A_490 : i32
        %add3A_492 = arith.constant 1 : i32
        %add3A_493 = arith.addi %mul3A_491, %add3A_492 : i32
        %mul3A_494 = arith.constant 16 : i32
        %mul3A_495 = arith.muli %add3A_493, %mul3A_494 : i32
        %get3A_496 = arith.index_cast %mul3A_495 : i32 to index
        %get3A_497 = tpu.vector_load %arg16[%get3A_496] {strides = array<i32>} : memref<20224xf32, #tpu.memory_space<vmem>>, vector<16xf32>,
        %max3A_498 = arith.maximumf %max3A_489, %get3A_497 : vector<16xf32>
        %mul3A_499 = arith.constant 16 : i32
        %mul3A_500 = arith.muli %min3A_153, %mul3A_499 : i32
        %add3A_501 = arith.constant 2 : i32
        %add3A_502 = arith.addi %mul3A_500, %add3A_501 : i32
        %mul3A_503 = arith.constant 16 : i32
        %mul3A_504 = arith.muli %add3A_502, %mul3A_503 : i32
        %get3A_505 = arith.index_cast %mul3A_504 : i32 to index
        %get3A_506 = tpu.vector_load %arg16[%get3A_505] {strides = array<i32>} : memref<20224xf32, #tpu.memory_space<vmem>>, vector<16xf32>,
        %max3A_507 = arith.maximumf %max3A_498, %get3A_506 : vector<16xf32>
        %mul3A_508 = arith.constant 16 : i32
        %mul3A_509 = arith.muli %min3A_153, %mul3A_508 : i32
        %add3A_510 = arith.constant 3 : i32
        %add3A_511 = arith.addi %mul3A_509, %add3A_510 : i32
        %mul3A_512 = arith.constant 16 : i32
        %mul3A_513 = arith.muli %add3A_511, %mul3A_512 : i32
        %get3A_514 = arith.index_cast %mul3A_513 : i32 to index
        %get3A_515 = tpu.vector_load %arg16[%get3A_514] {strides = array<i32>} : memref<20224xf32, #tpu.memory_space<vmem>>, vector<16xf32>,
        %max3A_516 = arith.maximumf %max3A_507, %get3A_515 : vector<16xf32>
        %mul3A_517 = arith.constant 16 : i32
        %mul3A_518 = arith.muli %min3A_153, %mul3A_517 : i32
        %add3A_519 = arith.constant 4 : i32
        %add3A_520 = arith.addi %mul3A_518, %add3A_519 : i32
        %mul3A_521 = arith.constant 16 : i32
        %mul3A_522 = arith.muli %add3A_520, %mul3A_521 : i32
        %get3A_523 = arith.index_cast %mul3A_522 : i32 to index
        %get3A_524 = tpu.vector_load %arg16[%get3A_523] {strides = array<i32>} : memref<20224xf32, #tpu.memory_space<vmem>>, vector<16xf32>,
        %max3A_525 = arith.maximumf %max3A_516, %get3A_524 : vector<16xf32>
        %mul3A_526 = arith.constant 16 : i32
        %mul3A_527 = arith.muli %min3A_153, %mul3A_526 : i32
        %add3A_528 = arith.constant 5 : i32
        %add3A_529 = arith.addi %mul3A_527, %add3A_528 : i32
        %mul3A_530 = arith.constant 16 : i32
        %mul3A_531 = arith.muli %add3A_529, %mul3A_530 : i32
        %get3A_532 = arith.index_cast %mul3A_531 : i32 to index
        %get3A_533 = tpu.vector_load %arg16[%get3A_532] {strides = array<i32>} : memref<20224xf32, #tpu.memory_space<vmem>>, vector<16xf32>,
        %max3A_534 = arith.maximumf %max3A_525, %get3A_533 : vector<16xf32>
        %mul3A_535 = arith.constant 16 : i32
        %mul3A_536 = arith.muli %min3A_153, %mul3A_535 : i32
        %add3A_537 = arith.constant 6 : i32
        %add3A_538 = arith.addi %mul3A_536, %add3A_537 : i32
        %mul3A_539 = arith.constant 16 : i32
        %mul3A_540 = arith.muli %add3A_538, %mul3A_539 : i32
        %get3A_541 = arith.index_cast %mul3A_540 : i32 to index
        %get3A_542 = tpu.vector_load %arg16[%get3A_541] {strides = array<i32>} : memref<20224xf32, #tpu.memory_space<vmem>>, vector<16xf32>,
        %max3A_543 = arith.maximumf %max3A_534, %get3A_542 : vector<16xf32>
        %mul3A_544 = arith.constant 16 : i32
        %mul3A_545 = arith.muli %min3A_153, %mul3A_544 : i32
        %add3A_546 = arith.constant 7 : i32
        %add3A_547 = arith.addi %mul3A_545, %add3A_546 : i32
        %mul3A_548 = arith.constant 16 : i32
        %mul3A_549 = arith.muli %add3A_547, %mul3A_548 : i32
        %get3A_550 = arith.index_cast %mul3A_549 : i32 to index
        %get3A_551 = tpu.vector_load %arg16[%get3A_550] {strides = array<i32>} : memref<20224xf32, #tpu.memory_space<vmem>>, vector<16xf32>,
        %max3A_552 = arith.maximumf %max3A_543, %get3A_551 : vector<16xf32>
        %mul3A_553 = arith.constant 16 : i32
        %mul3A_554 = arith.muli %min3A_153, %mul3A_553 : i32
        %add3A_555 = arith.constant 8 : i32
        %add3A_556 = arith.addi %mul3A_554, %add3A_555 : i32
        %mul3A_557 = arith.constant 16 : i32
        %mul3A_558 = arith.muli %add3A_556, %mul3A_557 : i32
        %get3A_559 = arith.index_cast %mul3A_558 : i32 to index
        %get3A_560 = tpu.vector_load %arg16[%get3A_559] {strides = array<i32>} : memref<20224xf32, #tpu.memory_space<vmem>>, vector<16xf32>,
        %max3A_561 = arith.maximumf %max3A_552, %get3A_560 : vector<16xf32>
        %mul3A_562 = arith.constant 16 : i32
        %mul3A_563 = arith.muli %min3A_153, %mul3A_562 : i32
        %add3A_564 = arith.constant 9 : i32
        %add3A_565 = arith.addi %mul3A_563, %add3A_564 : i32
        %mul3A_566 = arith.constant 16 : i32
        %mul3A_567 = arith.muli %add3A_565, %mul3A_566 : i32
        %get3A_568 = arith.index_cast %mul3A_567 : i32 to index
        %get3A_569 = tpu.vector_load %arg16[%get3A_568] {strides = array<i32>} : memref<20224xf32, #tpu.memory_space<vmem>>, vector<16xf32>,
        %max3A_570 = arith.maximumf %max3A_561, %get3A_569 : vector<16xf32>
        %mul3A_571 = arith.constant 16 : i32
        %mul3A_572 = arith.muli %min3A_153, %mul3A_571 : i32
        %add3A_573 = arith.constant 10 : i32
        %add3A_574 = arith.addi %mul3A_572, %add3A_573 : i32
        %mul3A_575 = arith.constant 16 : i32
        %mul3A_576 = arith.muli %add3A_574, %mul3A_575 : i32
        %get3A_577 = arith.index_cast %mul3A_576 : i32 to index
        %get3A_578 = tpu.vector_load %arg16[%get3A_577] {strides = array<i32>} : memref<20224xf32, #tpu.memory_space<vmem>>, vector<16xf32>,
        %max3A_579 = arith.maximumf %max3A_570, %get3A_578 : vector<16xf32>
        %mul3A_580 = arith.constant 16 : i32
        %mul3A_581 = arith.muli %min3A_153, %mul3A_580 : i32
        %add3A_582 = arith.constant 11 : i32
        %add3A_583 = arith.addi %mul3A_581, %add3A_582 : i32
        %mul3A_584 = arith.constant 16 : i32
        %mul3A_585 = arith.muli %add3A_583, %mul3A_584 : i32
        %get3A_586 = arith.index_cast %mul3A_585 : i32 to index
        %get3A_587 = tpu.vector_load %arg16[%get3A_586] {strides = array<i32>} : memref<20224xf32, #tpu.memory_space<vmem>>, vector<16xf32>,
        %max3A_588 = arith.maximumf %max3A_579, %get3A_587 : vector<16xf32>
        %mul3A_589 = arith.constant 16 : i32
        %mul3A_590 = arith.muli %min3A_153, %mul3A_589 : i32
        %add3A_591 = arith.constant 12 : i32
        %add3A_592 = arith.addi %mul3A_590, %add3A_591 : i32
        %mul3A_593 = arith.constant 16 : i32
        %mul3A_594 = arith.muli %add3A_592, %mul3A_593 : i32
        %get3A_595 = arith.index_cast %mul3A_594 : i32 to index
        %get3A_596 = tpu.vector_load %arg16[%get3A_595] {strides = array<i32>} : memref<20224xf32, #tpu.memory_space<vmem>>, vector<16xf32>,
        %max3A_597 = arith.maximumf %max3A_588, %get3A_596 : vector<16xf32>
        %mul3A_598 = arith.constant 16 : i32
        %mul3A_599 = arith.muli %min3A_153, %mul3A_598 : i32
        %add3A_600 = arith.constant 13 : i32
        %add3A_601 = arith.addi %mul3A_599, %add3A_600 : i32
        %mul3A_602 = arith.constant 16 : i32
        %mul3A_603 = arith.muli %add3A_601, %mul3A_602 : i32
        %get3A_604 = arith.index_cast %mul3A_603 : i32 to index
        %get3A_605 = tpu.vector_load %arg16[%get3A_604] {strides = array<i32>} : memref<20224xf32, #tpu.memory_space<vmem>>, vector<16xf32>,
        %max3A_606 = arith.maximumf %max3A_597, %get3A_605 : vector<16xf32>
        %mul3A_607 = arith.constant 16 : i32
        %mul3A_608 = arith.muli %min3A_153, %mul3A_607 : i32
        %add3A_609 = arith.constant 14 : i32
        %add3A_610 = arith.addi %mul3A_608, %add3A_609 : i32
        %mul3A_611 = arith.constant 16 : i32
        %mul3A_612 = arith.muli %add3A_610, %mul3A_611 : i32
        %get3A_613 = arith.index_cast %mul3A_612 : i32 to index
        %get3A_614 = tpu.vector_load %arg16[%get3A_613] {strides = array<i32>} : memref<20224xf32, #tpu.memory_space<vmem>>, vector<16xf32>,
        %max3A_615 = arith.maximumf %max3A_606, %get3A_614 : vector<16xf32>
        %mul3A_616 = arith.constant 16 : i32
        %mul3A_617 = arith.muli %min3A_153, %mul3A_616 : i32
        %add3A_618 = arith.constant 15 : i32
        %add3A_619 = arith.addi %mul3A_617, %add3A_618 : i32
        %mul3A_620 = arith.constant 16 : i32
        %mul3A_621 = arith.muli %add3A_619, %mul3A_620 : i32
        %get3A_622 = arith.index_cast %mul3A_621 : i32 to index
        %get3A_623 = tpu.vector_load %arg16[%get3A_622] {strides = array<i32>} : memref<20224xf32, #tpu.memory_space<vmem>>, vector<16xf32>,
        %max3A_624 = arith.maximumf %max3A_615, %get3A_623 : vector<16xf32>
        %reduce_max3A_625 = arith.constant true
        %reduce_max3A_626 = vector.broadcast %reduce_max3A_625 : i1 to vector<16xi1>
        %reduce_max3A_627 = tpu.scan <max>, %max3A_624 masked %reduce_max3A_626 : vector<16xf32>, vector<16xi1> -> vector<16xf32>
        %reduce_max3A_628 = vector.extract %reduce_max3A_627[15] : f32 from vector<16xf32>
        %jit3A_629 = arith.constant 16 : i32
        %div3A_630 = arith.divsi %min3A_153, %jit3A_629 : i32
        %sign3A_631 = arith.constant 0 : i32
        %sign3A_632 = arith.cmpi sgt, %min3A_153, %sign3A_631 : i32
        %sign3A_633 = arith.extui %sign3A_632 : i1 to i32
        %sign3A_634 = arith.constant 0 : i32
        %sign3A_635 = arith.cmpi slt, %min3A_153, %sign3A_634 : i32
        %sign3A_636 = arith.extui %sign3A_635 : i1 to i32
        %sign3A_637 = arith.subi %sign3A_633, %sign3A_636 : i32
        %sign3A_638 = arith.constant 0 : i32
        %sign3A_639 = arith.cmpi sgt, %jit3A_629, %sign3A_638 : i32
        %sign3A_640 = arith.extui %sign3A_639 : i1 to i32
        %sign3A_641 = arith.constant 0 : i32
        %sign3A_642 = arith.cmpi slt, %jit3A_629, %sign3A_641 : i32
        %sign3A_643 = arith.extui %sign3A_642 : i1 to i32
        %sign3A_644 = arith.subi %sign3A_640, %sign3A_643 : i32
        %ne3A_645 = arith.cmpi ne, %sign3A_637, %sign3A_644 : i32
        %rem3A_646 = arith.remsi %min3A_153, %jit3A_629 : i32
        %ne3A_647 = arith.constant 0 : i32
        %ne3A_648 = arith.cmpi ne, %rem3A_646, %ne3A_647 : i32
        %and3A_649 = arith.andi %ne3A_645, %ne3A_648 : i1
        %sub3A_650 = arith.constant 1 : i32
        %sub3A_651 = arith.subi %div3A_630, %sub3A_650 : i32
        %select_n3A_652 = arith.select %and3A_649, %sub3A_651, %div3A_630 : i32
        %mul3A_653 = arith.constant 16 : i32
        %mul3A_654 = arith.muli %select_n3A_652, %mul3A_653 : i32
        %sub3A_655 = arith.subi %min3A_153, %mul3A_654 : i32
        %eq3A_656 = vector.broadcast %sub3A_655 : i32 to vector<16xi32>
        %eq3A_657 = arith.cmpi eq, %iota3A, %eq3A_656 : vector<16xi32>
        %get3A_658 = arith.index_cast %mul3A_654 : i32 to index
        %get3A_659 = tpu.vector_load %arg21[%get3A_658] {strides = array<i32>} : memref<80xf32, #tpu.memory_space<vmem>>, vector<16xf32>,
        %broadcast_in_dim3A_660 = vector.broadcast %reduce_max3A_628 : f32 to vector<16xf32>
        %select_n3A_661 = arith.select %eq3A_657, %broadcast_in_dim3A_660, %get3A_659 : vector<16xi1>, vector<16xf32>
        %swap3A_662 = arith.index_cast %mul3A_654 : i32 to index
        %swap3A_663 = tpu.vector_load %arg21[%swap3A_662] {strides = array<i32>} : memref<80xf32, #tpu.memory_space<vmem>>, vector<16xf32>,
        tpu.vector_store %arg21[%swap3A_662], %select_n3A_661 {strides = array<i32>} : memref<80xf32, #tpu.memory_space<vmem>>, vector<16xf32>,
        %broadcast_in_dim3A_664 = arith.constant 0 : i32
        %broadcast_in_dim3A_665 = vector.broadcast %broadcast_in_dim3A_664 : i32 to vector<16xi32>
        %add3A_666 = vector.broadcast %add3A_465 : i32 to vector<16xi32>
        %add3A_667 = arith.addi %broadcast_in_dim3A_665, %add3A_666 : vector<16xi32>
        %gather3A = tpu.vector_load_idx %arg17[%add3A_667] : memref<20000xf32, #tpu.memory_space<vmem>>[vector<16xi32>], vector<16xf32>,
        %gather3A_668 = tpu.vector_load_idx %arg18[%add3A_667] : memref<20000xf32, #tpu.memory_space<vmem>>[vector<16xi32>], vector<16xf32>,
        %gather3A_669 = tpu.vector_load_idx %arg19[%add3A_667] : memref<20000xf32, #tpu.memory_space<vmem>>[vector<16xi32>], vector<16xf32>,
        %gather3A_670 = tpu.vector_load_idx %arg20[%add3A_667] : memref<20000xf32, #tpu.memory_space<vmem>>[vector<16xi32>], vector<16xf32>,
        %sub3A_671 = arith.subf %gather3A_669, %gather3A : vector<16xf32>
        %sub3A_672 = arith.subf %gather3A_670, %gather3A_668 : vector<16xf32>
        %mul3A_673 = arith.mulf %sub3A_671, %sub3A_672 : vector<16xf32>
        %broadcast_in_dim3A_674 = arith.constant false
        %broadcast_in_dim3A_675 = vector.broadcast %broadcast_in_dim3A_674 : i1 to vector<16xi1>
        %get3A_676 = arith.constant 0 : index
        %get3A_677 = tpu.vector_load %arg22[%get3A_676] {strides = array<i32>} : memref<112xf32, #tpu.memory_space<vmem>>, vector<16xf32>,
        %get3A_678 = arith.constant 0 : index
        %get3A_679 = tpu.vector_load %arg23[%get3A_678] {strides = array<i32>} : memref<112xf32, #tpu.memory_space<vmem>>, vector<16xf32>,
        %get3A_680 = arith.constant 0 : index
        %get3A_681 = tpu.vector_load %arg24[%get3A_680] {strides = array<i32>} : memref<112xf32, #tpu.memory_space<vmem>>, vector<16xf32>,
        %get3A_682 = arith.constant 0 : index
        %get3A_683 = tpu.vector_load %arg25[%get3A_682] {strides = array<i32>} : memref<112xf32, #tpu.memory_space<vmem>>, vector<16xf32>,
        %max3A_684 = arith.maximumf %get3A_677, %gather3A : vector<16xf32>
        %max3A_685 = arith.maximumf %get3A_679, %gather3A_668 : vector<16xf32>
        %min3A_686 = arith.minimumf %get3A_681, %gather3A_669 : vector<16xf32>
        %min3A_687 = arith.minimumf %get3A_683, %gather3A_670 : vector<16xf32>
        %sub3A_688 = arith.subf %min3A_686, %max3A_684 : vector<16xf32>
        %max3A_689 = arith.constant 0.000000e+00 : f32
        %max3A_690 = vector.broadcast %max3A_689 : f32 to vector<16xf32>
        %max3A_691 = arith.maximumf %sub3A_688, %max3A_690 : vector<16xf32>
        %sub3A_692 = arith.subf %min3A_687, %max3A_685 : vector<16xf32>
        %max3A_693 = arith.constant 0.000000e+00 : f32
        %max3A_694 = vector.broadcast %max3A_693 : f32 to vector<16xf32>
        %max3A_695 = arith.maximumf %sub3A_692, %max3A_694 : vector<16xf32>
        %mul3A_696 = arith.mulf %max3A_691, %max3A_695 : vector<16xf32>
        %sub3A_697 = arith.subf %get3A_681, %get3A_677 : vector<16xf32>
        %sub3A_698 = arith.subf %get3A_683, %get3A_679 : vector<16xf32>
        %mul3A_699 = arith.mulf %sub3A_697, %sub3A_698 : vector<16xf32>
        %add3A_700 = arith.addf %mul3A_699, %mul3A_673 : vector<16xf32>
        %sub3A_701 = arith.subf %add3A_700, %mul3A_696 : vector<16xf32>
        %add3A_702 = arith.constant 9.99999993E-9 : f32
        %add3A_703 = vector.broadcast %add3A_702 : f32 to vector<16xf32>
        %add3A_704 = arith.addf %sub3A_701, %add3A_703 : vector<16xf32>
        %div3A_705 = arith.divf %mul3A_696, %add3A_704 : vector<16xf32>
        %gt3A_706 = arith.constant 5.000000e-01 : f32
        %gt3A_707 = vector.broadcast %gt3A_706 : f32 to vector<16xf32>
        %gt3A_708 = arith.cmpf ogt, %div3A_705, %gt3A_707 : vector<16xf32>
        %or3A = arith.ori %broadcast_in_dim3A_675, %gt3A_708 : vector<16xi1>
        %get3A_709 = arith.constant 16 : index
        %get3A_710 = tpu.vector_load %arg22[%get3A_709] {strides = array<i32>} : memref<112xf32, #tpu.memory_space<vmem>>, vector<16xf32>,
        %get3A_711 = arith.constant 16 : index
        %get3A_712 = tpu.vector_load %arg23[%get3A_711] {strides = array<i32>} : memref<112xf32, #tpu.memory_space<vmem>>, vector<16xf32>,
        %get3A_713 = arith.constant 16 : index
        %get3A_714 = tpu.vector_load %arg24[%get3A_713] {strides = array<i32>} : memref<112xf32, #tpu.memory_space<vmem>>, vector<16xf32>,
        %get3A_715 = arith.constant 16 : index
        %get3A_716 = tpu.vector_load %arg25[%get3A_715] {strides = array<i32>} : memref<112xf32, #tpu.memory_space<vmem>>, vector<16xf32>,
        %max3A_717 = arith.maximumf %get3A_710, %gather3A : vector<16xf32>
        %max3A_718 = arith.maximumf %get3A_712, %gather3A_668 : vector<16xf32>
        %min3A_719 = arith.minimumf %get3A_714, %gather3A_669 : vector<16xf32>
        %min3A_720 = arith.minimumf %get3A_716, %gather3A_670 : vector<16xf32>
        %sub3A_721 = arith.subf %min3A_719, %max3A_717 : vector<16xf32>
        %max3A_722 = arith.constant 0.000000e+00 : f32
        %max3A_723 = vector.broadcast %max3A_722 : f32 to vector<16xf32>
        %max3A_724 = arith.maximumf %sub3A_721, %max3A_723 : vector<16xf32>
        %sub3A_725 = arith.subf %min3A_720, %max3A_718 : vector<16xf32>
        %max3A_726 = arith.constant 0.000000e+00 : f32
        %max3A_727 = vector.broadcast %max3A_726 : f32 to vector<16xf32>
        %max3A_728 = arith.maximumf %sub3A_725, %max3A_727 : vector<16xf32>
        %mul3A_729 = arith.mulf %max3A_724, %max3A_728 : vector<16xf32>
        %sub3A_730 = arith.subf %get3A_714, %get3A_710 : vector<16xf32>
        %sub3A_731 = arith.subf %get3A_716, %get3A_712 : vector<16xf32>
        %mul3A_732 = arith.mulf %sub3A_730, %sub3A_731 : vector<16xf32>
        %add3A_733 = arith.addf %mul3A_732, %mul3A_673 : vector<16xf32>
        %sub3A_734 = arith.subf %add3A_733, %mul3A_729 : vector<16xf32>
        %add3A_735 = arith.constant 9.99999993E-9 : f32
        %add3A_736 = vector.broadcast %add3A_735 : f32 to vector<16xf32>
        %add3A_737 = arith.addf %sub3A_734, %add3A_736 : vector<16xf32>
        %div3A_738 = arith.divf %mul3A_729, %add3A_737 : vector<16xf32>
        %gt3A_739 = arith.constant 5.000000e-01 : f32
        %gt3A_740 = vector.broadcast %gt3A_739 : f32 to vector<16xf32>
        %gt3A_741 = arith.cmpf ogt, %div3A_738, %gt3A_740 : vector<16xf32>
        %or3A_742 = arith.ori %or3A, %gt3A_741 : vector<16xi1>
        %get3A_743 = arith.constant 32 : index
        %get3A_744 = tpu.vector_load %arg22[%get3A_743] {strides = array<i32>} : memref<112xf32, #tpu.memory_space<vmem>>, vector<16xf32>,
        %get3A_745 = arith.constant 32 : index
        %get3A_746 = tpu.vector_load %arg23[%get3A_745] {strides = array<i32>} : memref<112xf32, #tpu.memory_space<vmem>>, vector<16xf32>,
        %get3A_747 = arith.constant 32 : index
        %get3A_748 = tpu.vector_load %arg24[%get3A_747] {strides = array<i32>} : memref<112xf32, #tpu.memory_space<vmem>>, vector<16xf32>,
        %get3A_749 = arith.constant 32 : index
        %get3A_750 = tpu.vector_load %arg25[%get3A_749] {strides = array<i32>} : memref<112xf32, #tpu.memory_space<vmem>>, vector<16xf32>,
        %max3A_751 = arith.maximumf %get3A_744, %gather3A : vector<16xf32>
        %max3A_752 = arith.maximumf %get3A_746, %gather3A_668 : vector<16xf32>
        %min3A_753 = arith.minimumf %get3A_748, %gather3A_669 : vector<16xf32>
        %min3A_754 = arith.minimumf %get3A_750, %gather3A_670 : vector<16xf32>
        %sub3A_755 = arith.subf %min3A_753, %max3A_751 : vector<16xf32>
        %max3A_756 = arith.constant 0.000000e+00 : f32
        %max3A_757 = vector.broadcast %max3A_756 : f32 to vector<16xf32>
        %max3A_758 = arith.maximumf %sub3A_755, %max3A_757 : vector<16xf32>
        %sub3A_759 = arith.subf %min3A_754, %max3A_752 : vector<16xf32>
        %max3A_760 = arith.constant 0.000000e+00 : f32
        %max3A_761 = vector.broadcast %max3A_760 : f32 to vector<16xf32>
        %max3A_762 = arith.maximumf %sub3A_759, %max3A_761 : vector<16xf32>
        %mul3A_763 = arith.mulf %max3A_758, %max3A_762 : vector<16xf32>
        %sub3A_764 = arith.subf %get3A_748, %get3A_744 : vector<16xf32>
        %sub3A_765 = arith.subf %get3A_750, %get3A_746 : vector<16xf32>
        %mul3A_766 = arith.mulf %sub3A_764, %sub3A_765 : vector<16xf32>
        %add3A_767 = arith.addf %mul3A_766, %mul3A_673 : vector<16xf32>
        %sub3A_768 = arith.subf %add3A_767, %mul3A_763 : vector<16xf32>
        %add3A_769 = arith.constant 9.99999993E-9 : f32
        %add3A_770 = vector.broadcast %add3A_769 : f32 to vector<16xf32>
        %add3A_771 = arith.addf %sub3A_768, %add3A_770 : vector<16xf32>
        %div3A_772 = arith.divf %mul3A_763, %add3A_771 : vector<16xf32>
        %gt3A_773 = arith.constant 5.000000e-01 : f32
        %gt3A_774 = vector.broadcast %gt3A_773 : f32 to vector<16xf32>
        %gt3A_775 = arith.cmpf ogt, %div3A_772, %gt3A_774 : vector<16xf32>
        %or3A_776 = arith.ori %or3A_742, %gt3A_775 : vector<16xi1>
        %get3A_777 = arith.constant 48 : index
        %get3A_778 = tpu.vector_load %arg22[%get3A_777] {strides = array<i32>} : memref<112xf32, #tpu.memory_space<vmem>>, vector<16xf32>,
        %get3A_779 = arith.constant 48 : index
        %get3A_780 = tpu.vector_load %arg23[%get3A_779] {strides = array<i32>} : memref<112xf32, #tpu.memory_space<vmem>>, vector<16xf32>,
        %get3A_781 = arith.constant 48 : index
        %get3A_782 = tpu.vector_load %arg24[%get3A_781] {strides = array<i32>} : memref<112xf32, #tpu.memory_space<vmem>>, vector<16xf32>,
        %get3A_783 = arith.constant 48 : index
        %get3A_784 = tpu.vector_load %arg25[%get3A_783] {strides = array<i32>} : memref<112xf32, #tpu.memory_space<vmem>>, vector<16xf32>,
        %max3A_785 = arith.maximumf %get3A_778, %gather3A : vector<16xf32>
        %max3A_786 = arith.maximumf %get3A_780, %gather3A_668 : vector<16xf32>
        %min3A_787 = arith.minimumf %get3A_782, %gather3A_669 : vector<16xf32>
        %min3A_788 = arith.minimumf %get3A_784, %gather3A_670 : vector<16xf32>
        %sub3A_789 = arith.subf %min3A_787, %max3A_785 : vector<16xf32>
        %max3A_790 = arith.constant 0.000000e+00 : f32
        %max3A_791 = vector.broadcast %max3A_790 : f32 to vector<16xf32>
        %max3A_792 = arith.maximumf %sub3A_789, %max3A_791 : vector<16xf32>
        %sub3A_793 = arith.subf %min3A_788, %max3A_786 : vector<16xf32>
        %max3A_794 = arith.constant 0.000000e+00 : f32
        %max3A_795 = vector.broadcast %max3A_794 : f32 to vector<16xf32>
        %max3A_796 = arith.maximumf %sub3A_793, %max3A_795 : vector<16xf32>
        %mul3A_797 = arith.mulf %max3A_792, %max3A_796 : vector<16xf32>
        %sub3A_798 = arith.subf %get3A_782, %get3A_778 : vector<16xf32>
        %sub3A_799 = arith.subf %get3A_784, %get3A_780 : vector<16xf32>
        %mul3A_800 = arith.mulf %sub3A_798, %sub3A_799 : vector<16xf32>
        %add3A_801 = arith.addf %mul3A_800, %mul3A_673 : vector<16xf32>
        %sub3A_802 = arith.subf %add3A_801, %mul3A_797 : vector<16xf32>
        %add3A_803 = arith.constant 9.99999993E-9 : f32
        %add3A_804 = vector.broadcast %add3A_803 : f32 to vector<16xf32>
        %add3A_805 = arith.addf %sub3A_802, %add3A_804 : vector<16xf32>
        %div3A_806 = arith.divf %mul3A_797, %add3A_805 : vector<16xf32>
        %gt3A_807 = arith.constant 5.000000e-01 : f32
        %gt3A_808 = vector.broadcast %gt3A_807 : f32 to vector<16xf32>
        %gt3A_809 = arith.cmpf ogt, %div3A_806, %gt3A_808 : vector<16xf32>
        %or3A_810 = arith.ori %or3A_776, %gt3A_809 : vector<16xi1>
        %get3A_811 = arith.constant 64 : index
        %get3A_812 = tpu.vector_load %arg22[%get3A_811] {strides = array<i32>} : memref<112xf32, #tpu.memory_space<vmem>>, vector<16xf32>,
        %get3A_813 = arith.constant 64 : index
        %get3A_814 = tpu.vector_load %arg23[%get3A_813] {strides = array<i32>} : memref<112xf32, #tpu.memory_space<vmem>>, vector<16xf32>,
        %get3A_815 = arith.constant 64 : index
        %get3A_816 = tpu.vector_load %arg24[%get3A_815] {strides = array<i32>} : memref<112xf32, #tpu.memory_space<vmem>>, vector<16xf32>,
        %get3A_817 = arith.constant 64 : index
        %get3A_818 = tpu.vector_load %arg25[%get3A_817] {strides = array<i32>} : memref<112xf32, #tpu.memory_space<vmem>>, vector<16xf32>,
        %max3A_819 = arith.maximumf %get3A_812, %gather3A : vector<16xf32>
        %max3A_820 = arith.maximumf %get3A_814, %gather3A_668 : vector<16xf32>
        %min3A_821 = arith.minimumf %get3A_816, %gather3A_669 : vector<16xf32>
        %min3A_822 = arith.minimumf %get3A_818, %gather3A_670 : vector<16xf32>
        %sub3A_823 = arith.subf %min3A_821, %max3A_819 : vector<16xf32>
        %max3A_824 = arith.constant 0.000000e+00 : f32
        %max3A_825 = vector.broadcast %max3A_824 : f32 to vector<16xf32>
        %max3A_826 = arith.maximumf %sub3A_823, %max3A_825 : vector<16xf32>
        %sub3A_827 = arith.subf %min3A_822, %max3A_820 : vector<16xf32>
        %max3A_828 = arith.constant 0.000000e+00 : f32
        %max3A_829 = vector.broadcast %max3A_828 : f32 to vector<16xf32>
        %max3A_830 = arith.maximumf %sub3A_827, %max3A_829 : vector<16xf32>
        %mul3A_831 = arith.mulf %max3A_826, %max3A_830 : vector<16xf32>
        %sub3A_832 = arith.subf %get3A_816, %get3A_812 : vector<16xf32>
        %sub3A_833 = arith.subf %get3A_818, %get3A_814 : vector<16xf32>
        %mul3A_834 = arith.mulf %sub3A_832, %sub3A_833 : vector<16xf32>
        %add3A_835 = arith.addf %mul3A_834, %mul3A_673 : vector<16xf32>
        %sub3A_836 = arith.subf %add3A_835, %mul3A_831 : vector<16xf32>
        %add3A_837 = arith.constant 9.99999993E-9 : f32
        %add3A_838 = vector.broadcast %add3A_837 : f32 to vector<16xf32>
        %add3A_839 = arith.addf %sub3A_836, %add3A_838 : vector<16xf32>
        %div3A_840 = arith.divf %mul3A_831, %add3A_839 : vector<16xf32>
        %gt3A_841 = arith.constant 5.000000e-01 : f32
        %gt3A_842 = vector.broadcast %gt3A_841 : f32 to vector<16xf32>
        %gt3A_843 = arith.cmpf ogt, %div3A_840, %gt3A_842 : vector<16xf32>
        %or3A_844 = arith.ori %or3A_810, %gt3A_843 : vector<16xi1>
        %get3A_845 = arith.constant 80 : index
        %get3A_846 = tpu.vector_load %arg22[%get3A_845] {strides = array<i32>} : memref<112xf32, #tpu.memory_space<vmem>>, vector<16xf32>,
        %get3A_847 = arith.constant 80 : index
        %get3A_848 = tpu.vector_load %arg23[%get3A_847] {strides = array<i32>} : memref<112xf32, #tpu.memory_space<vmem>>, vector<16xf32>,
        %get3A_849 = arith.constant 80 : index
        %get3A_850 = tpu.vector_load %arg24[%get3A_849] {strides = array<i32>} : memref<112xf32, #tpu.memory_space<vmem>>, vector<16xf32>,
        %get3A_851 = arith.constant 80 : index
        %get3A_852 = tpu.vector_load %arg25[%get3A_851] {strides = array<i32>} : memref<112xf32, #tpu.memory_space<vmem>>, vector<16xf32>,
        %max3A_853 = arith.maximumf %get3A_846, %gather3A : vector<16xf32>
        %max3A_854 = arith.maximumf %get3A_848, %gather3A_668 : vector<16xf32>
        %min3A_855 = arith.minimumf %get3A_850, %gather3A_669 : vector<16xf32>
        %min3A_856 = arith.minimumf %get3A_852, %gather3A_670 : vector<16xf32>
        %sub3A_857 = arith.subf %min3A_855, %max3A_853 : vector<16xf32>
        %max3A_858 = arith.constant 0.000000e+00 : f32
        %max3A_859 = vector.broadcast %max3A_858 : f32 to vector<16xf32>
        %max3A_860 = arith.maximumf %sub3A_857, %max3A_859 : vector<16xf32>
        %sub3A_861 = arith.subf %min3A_856, %max3A_854 : vector<16xf32>
        %max3A_862 = arith.constant 0.000000e+00 : f32
        %max3A_863 = vector.broadcast %max3A_862 : f32 to vector<16xf32>
        %max3A_864 = arith.maximumf %sub3A_861, %max3A_863 : vector<16xf32>
        %mul3A_865 = arith.mulf %max3A_860, %max3A_864 : vector<16xf32>
        %sub3A_866 = arith.subf %get3A_850, %get3A_846 : vector<16xf32>
        %sub3A_867 = arith.subf %get3A_852, %get3A_848 : vector<16xf32>
        %mul3A_868 = arith.mulf %sub3A_866, %sub3A_867 : vector<16xf32>
        %add3A_869 = arith.addf %mul3A_868, %mul3A_673 : vector<16xf32>
        %sub3A_870 = arith.subf %add3A_869, %mul3A_865 : vector<16xf32>
        %add3A_871 = arith.constant 9.99999993E-9 : f32
        %add3A_872 = vector.broadcast %add3A_871 : f32 to vector<16xf32>
        %add3A_873 = arith.addf %sub3A_870, %add3A_872 : vector<16xf32>
        %div3A_874 = arith.divf %mul3A_865, %add3A_873 : vector<16xf32>
        %gt3A_875 = arith.constant 5.000000e-01 : f32
        %gt3A_876 = vector.broadcast %gt3A_875 : f32 to vector<16xf32>
        %gt3A_877 = arith.cmpf ogt, %div3A_874, %gt3A_876 : vector<16xf32>
        %or3A_878 = arith.ori %or3A_844, %gt3A_877 : vector<16xi1>
        %get3A_879 = arith.constant 96 : index
        %get3A_880 = tpu.vector_load %arg22[%get3A_879] {strides = array<i32>} : memref<112xf32, #tpu.memory_space<vmem>>, vector<16xf32>,
        %get3A_881 = arith.constant 96 : index
        %get3A_882 = tpu.vector_load %arg23[%get3A_881] {strides = array<i32>} : memref<112xf32, #tpu.memory_space<vmem>>, vector<16xf32>,
        %get3A_883 = arith.constant 96 : index
        %get3A_884 = tpu.vector_load %arg24[%get3A_883] {strides = array<i32>} : memref<112xf32, #tpu.memory_space<vmem>>, vector<16xf32>,
        %get3A_885 = arith.constant 96 : index
        %get3A_886 = tpu.vector_load %arg25[%get3A_885] {strides = array<i32>} : memref<112xf32, #tpu.memory_space<vmem>>, vector<16xf32>,
        %max3A_887 = arith.maximumf %get3A_880, %gather3A : vector<16xf32>
        %max3A_888 = arith.maximumf %get3A_882, %gather3A_668 : vector<16xf32>
        %min3A_889 = arith.minimumf %get3A_884, %gather3A_669 : vector<16xf32>
        %min3A_890 = arith.minimumf %get3A_886, %gather3A_670 : vector<16xf32>
        %sub3A_891 = arith.subf %min3A_889, %max3A_887 : vector<16xf32>
        %max3A_892 = arith.constant 0.000000e+00 : f32
        %max3A_893 = vector.broadcast %max3A_892 : f32 to vector<16xf32>
        %max3A_894 = arith.maximumf %sub3A_891, %max3A_893 : vector<16xf32>
        %sub3A_895 = arith.subf %min3A_890, %max3A_888 : vector<16xf32>
        %max3A_896 = arith.constant 0.000000e+00 : f32
        %max3A_897 = vector.broadcast %max3A_896 : f32 to vector<16xf32>
        %max3A_898 = arith.maximumf %sub3A_895, %max3A_897 : vector<16xf32>
        %mul3A_899 = arith.mulf %max3A_894, %max3A_898 : vector<16xf32>
        %sub3A_900 = arith.subf %get3A_884, %get3A_880 : vector<16xf32>
        %sub3A_901 = arith.subf %get3A_886, %get3A_882 : vector<16xf32>
        %mul3A_902 = arith.mulf %sub3A_900, %sub3A_901 : vector<16xf32>
        %add3A_903 = arith.addf %mul3A_902, %mul3A_673 : vector<16xf32>
        %sub3A_904 = arith.subf %add3A_903, %mul3A_899 : vector<16xf32>
        %add3A_905 = arith.constant 9.99999993E-9 : f32
        %add3A_906 = vector.broadcast %add3A_905 : f32 to vector<16xf32>
        %add3A_907 = arith.addf %sub3A_904, %add3A_906 : vector<16xf32>
        %div3A_908 = arith.divf %mul3A_899, %add3A_907 : vector<16xf32>
        %gt3A_909 = arith.constant 5.000000e-01 : f32
        %gt3A_910 = vector.broadcast %gt3A_909 : f32 to vector<16xf32>
        %gt3A_911 = arith.cmpf ogt, %div3A_908, %gt3A_910 : vector<16xf32>
        %or3A_912 = arith.ori %or3A_878, %gt3A_911 : vector<16xi1>
        %reduce_or3A = arith.constant 1.000000e+00 : f32
        %reduce_or3A_913 = arith.constant 0.000000e+00 : f32
        %reduce_or3A_914 = vector.broadcast %reduce_or3A : f32 to vector<16xf32>
        %reduce_or3A_915 = vector.broadcast %reduce_or3A_913 : f32 to vector<16xf32>
        %reduce_or3A_916 = arith.select %or3A_912, %reduce_or3A_914, %reduce_or3A_915 : vector<16xi1>, vector<16xf32>
        %reduce_or3A_917 = arith.constant true
        %reduce_or3A_918 = vector.broadcast %reduce_or3A_917 : i1 to vector<16xi1>
        %reduce_or3A_919 = tpu.scan <max>, %reduce_or3A_916 masked %reduce_or3A_918 : vector<16xf32>, vector<16xi1> -> vector<16xf32>
        %reduce_or3A_920 = vector.extract %reduce_or3A_919[15] : f32 from vector<16xf32>
        %reduce_or3A_921 = arith.constant 0.000000e+00 : f32
        %reduce_or3A_922 = arith.cmpf ogt, %reduce_or3A_920, %reduce_or3A_921 : f32
        %not3A = arith.constant true
        %not3A_923 = arith.xori %reduce_or3A_922, %not3A : i1
        %and3A_924 = arith.andi %gt3A_60, %not3A_923 : i1
        %jit3A_925 = arith.constant 16 : i32
        %div3A_926 = arith.divsi %while3A_40, %jit3A_925 : i32
        %sign3A_927 = arith.constant 0 : i32
        %sign3A_928 = arith.cmpi sgt, %while3A_40, %sign3A_927 : i32
        %sign3A_929 = arith.extui %sign3A_928 : i1 to i32
        %sign3A_930 = arith.constant 0 : i32
        %sign3A_931 = arith.cmpi slt, %while3A_40, %sign3A_930 : i32
        %sign3A_932 = arith.extui %sign3A_931 : i1 to i32
        %sign3A_933 = arith.subi %sign3A_929, %sign3A_932 : i32
        %sign3A_934 = arith.constant 0 : i32
        %sign3A_935 = arith.cmpi sgt, %jit3A_925, %sign3A_934 : i32
        %sign3A_936 = arith.extui %sign3A_935 : i1 to i32
        %sign3A_937 = arith.constant 0 : i32
        %sign3A_938 = arith.cmpi slt, %jit3A_925, %sign3A_937 : i32
        %sign3A_939 = arith.extui %sign3A_938 : i1 to i32
        %sign3A_940 = arith.subi %sign3A_936, %sign3A_939 : i32
        %ne3A_941 = arith.cmpi ne, %sign3A_933, %sign3A_940 : i32
        %rem3A_942 = arith.remsi %while3A_40, %jit3A_925 : i32
        %ne3A_943 = arith.constant 0 : i32
        %ne3A_944 = arith.cmpi ne, %rem3A_942, %ne3A_943 : i32
        %and3A_945 = arith.andi %ne3A_941, %ne3A_944 : i1
        %sub3A_946 = arith.constant 1 : i32
        %sub3A_947 = arith.subi %div3A_926, %sub3A_946 : i32
        %select_n3A_948 = arith.select %and3A_945, %sub3A_947, %div3A_926 : i32
        %mul3A_949 = arith.constant 16 : i32
        %mul3A_950 = arith.muli %select_n3A_948, %mul3A_949 : i32
        %sub3A_951 = arith.subi %while3A_40, %mul3A_950 : i32
        %eq3A_952 = vector.broadcast %sub3A_951 : i32 to vector<16xi32>
        %eq3A_953 = arith.cmpi eq, %iota3A, %eq3A_952 : vector<16xi32>
        %and3A_954 = vector.broadcast %and3A_924 : i1 to vector<16xi1>
        %and3A_955 = arith.andi %eq3A_953, %and3A_954 : vector<16xi1>
        %get3A_956 = arith.index_cast %mul3A_950 : i32 to index
        %get3A_957 = tpu.vector_load %arg22[%get3A_956] {strides = array<i32>} : memref<112xf32, #tpu.memory_space<vmem>>, vector<16xf32>,
        %select_n3A_958 = arith.select %and3A_955, %gather3A, %get3A_957 : vector<16xi1>, vector<16xf32>
        %swap3A_959 = arith.index_cast %mul3A_950 : i32 to index
        %swap3A_960 = tpu.vector_load %arg22[%swap3A_959] {strides = array<i32>} : memref<112xf32, #tpu.memory_space<vmem>>, vector<16xf32>,
        tpu.vector_store %arg22[%swap3A_959], %select_n3A_958 {strides = array<i32>} : memref<112xf32, #tpu.memory_space<vmem>>, vector<16xf32>,
        %get3A_961 = arith.index_cast %mul3A_950 : i32 to index
        %get3A_962 = tpu.vector_load %arg23[%get3A_961] {strides = array<i32>} : memref<112xf32, #tpu.memory_space<vmem>>, vector<16xf32>,
        %select_n3A_963 = arith.select %and3A_955, %gather3A_668, %get3A_962 : vector<16xi1>, vector<16xf32>
        %swap3A_964 = arith.index_cast %mul3A_950 : i32 to index
        %swap3A_965 = tpu.vector_load %arg23[%swap3A_964] {strides = array<i32>} : memref<112xf32, #tpu.memory_space<vmem>>, vector<16xf32>,
        tpu.vector_store %arg23[%swap3A_964], %select_n3A_963 {strides = array<i32>} : memref<112xf32, #tpu.memory_space<vmem>>, vector<16xf32>,
        %get3A_966 = arith.index_cast %mul3A_950 : i32 to index
        %get3A_967 = tpu.vector_load %arg24[%get3A_966] {strides = array<i32>} : memref<112xf32, #tpu.memory_space<vmem>>, vector<16xf32>,
        %select_n3A_968 = arith.select %and3A_955, %gather3A_669, %get3A_967 : vector<16xi1>, vector<16xf32>
        %swap3A_969 = arith.index_cast %mul3A_950 : i32 to index
        %swap3A_970 = tpu.vector_load %arg24[%swap3A_969] {strides = array<i32>} : memref<112xf32, #tpu.memory_space<vmem>>, vector<16xf32>,
        tpu.vector_store %arg24[%swap3A_969], %select_n3A_968 {strides = array<i32>} : memref<112xf32, #tpu.memory_space<vmem>>, vector<16xf32>,
        %get3A_971 = arith.index_cast %mul3A_950 : i32 to index
        %get3A_972 = tpu.vector_load %arg25[%get3A_971] {strides = array<i32>} : memref<112xf32, #tpu.memory_space<vmem>>, vector<16xf32>,
        %select_n3A_973 = arith.select %and3A_955, %gather3A_670, %get3A_972 : vector<16xi1>, vector<16xf32>
        %swap3A_974 = arith.index_cast %mul3A_950 : i32 to index
        %swap3A_975 = tpu.vector_load %arg25[%swap3A_974] {strides = array<i32>} : memref<112xf32, #tpu.memory_space<vmem>>, vector<16xf32>,
        tpu.vector_store %arg25[%swap3A_974], %select_n3A_973 {strides = array<i32>} : memref<112xf32, #tpu.memory_space<vmem>>, vector<16xf32>,
        %broadcast_in_dim3A_976 = arith.constant 0.000000e+00 : f32
        %broadcast_in_dim3A_977 = vector.broadcast %broadcast_in_dim3A_976 : f32 to vector<16xf32>
        %add3A_978 = vector.broadcast %reduce_max3A_59 : f32 to vector<16xf32>
        %add3A_979 = arith.addf %broadcast_in_dim3A_977, %add3A_978 : vector<16xf32>
        %get3A_980 = arith.index_cast %mul3A_950 : i32 to index
        %get3A_981 = tpu.vector_load %arg26[%get3A_980] {strides = array<i32>} : memref<112xf32, #tpu.memory_space<vmem>>, vector<16xf32>,
        %select_n3A_982 = arith.select %and3A_955, %add3A_979, %get3A_981 : vector<16xi1>, vector<16xf32>
        %swap3A_983 = arith.index_cast %mul3A_950 : i32 to index
        %swap3A_984 = tpu.vector_load %arg26[%swap3A_983] {strides = array<i32>} : memref<112xf32, #tpu.memory_space<vmem>>, vector<16xf32>,
        tpu.vector_store %arg26[%swap3A_983], %select_n3A_982 {strides = array<i32>} : memref<112xf32, #tpu.memory_space<vmem>>, vector<16xf32>,
        %get3A_985 = arith.index_cast %mul3A_950 : i32 to index
        %get3A_986 = tpu.vector_load %arg27[%get3A_985] {strides = array<i32>} : memref<112xi32, #tpu.memory_space<vmem>>, vector<16xi32>,
        %select_n3A_987 = arith.select %and3A_955, %add3A_667, %get3A_986 : vector<16xi1>, vector<16xi32>
        %swap3A_988 = arith.index_cast %mul3A_950 : i32 to index
        %swap3A_989 = tpu.vector_load %arg27[%swap3A_988] {strides = array<i32>} : memref<112xi32, #tpu.memory_space<vmem>>, vector<16xi32>,
        tpu.vector_store %arg27[%swap3A_988], %select_n3A_987 {strides = array<i32>} : memref<112xi32, #tpu.memory_space<vmem>>, vector<16xi32>,
        %jit3A_990 = arith.constant 1 : i32
        %jit3A_991 = arith.constant 0 : i32
        %select_n3A_992 = arith.select %and3A_924, %jit3A_990, %jit3A_991 : i32
        %add3A_993 = arith.addi %while3A_40, %select_n3A_992 : i32
        %not3A_994 = arith.constant true
        %not3A_995 = arith.xori %gt3A_60, %not3A_994 : i1
        scf.yield %add3A_993, %not3A_995 : i32, i1
      }
      %mul3A_36 = arith.constant 112 : i32
      %mul3A_37 = arith.muli %arg1, %mul3A_36 : i32
      "tpu.region"() ({
        %run_scoped3A = tpu.sem_alloc : memref<!tpu.dma_semaphore, #tpu.memory_space<semaphore_mem>>
        %dma_start3A = tpu.memref_slice %arg28[%mul3A_37] : memref<896xf32, #tpu.memory_space<vmem_shared>> -> memref<112xf32, #tpu.memory_space<vmem_shared>>
        %dma_start3A_40 = tpu.memref_slice %arg28[%mul3A_37] : memref<896xf32, #tpu.memory_space<vmem_shared>> -> memref<112xf32, #tpu.memory_space<vmem_shared>>
        tpu.enqueue_dma source(%arg26 : memref<112xf32, #tpu.memory_space<vmem>>) target(%dma_start3A_40 : memref<112xf32, #tpu.memory_space<vmem_shared>>) target_semaphore(%run_scoped3A : memref<!tpu.dma_semaphore, #tpu.memory_space<semaphore_mem>>)
        %dma_wait3A = tpu.memref_slice %arg28[%mul3A_37] : memref<896xf32, #tpu.memory_space<vmem_shared>> -> memref<112xf32, #tpu.memory_space<vmem_shared>>
        %dma_wait3A_41 = tpu.memref_slice %arg28[%mul3A_37] : memref<896xf32, #tpu.memory_space<vmem_shared>> -> memref<112xf32, #tpu.memory_space<vmem_shared>>
        tpu.wait_dma2 semaphore(%run_scoped3A : memref<!tpu.dma_semaphore, #tpu.memory_space<semaphore_mem>>) src(%arg26 : memref<112xf32, #tpu.memory_space<vmem>>) dst(%dma_wait3A_41 : memref<112xf32, #tpu.memory_space<vmem_shared>>)
        tpu.yield
      }) : () -> ()
      %mul3A_38 = arith.constant 112 : i32
      %mul3A_39 = arith.muli %arg1, %mul3A_38 : i32
      "tpu.region"() ({
        %run_scoped3A = tpu.sem_alloc : memref<!tpu.dma_semaphore, #tpu.memory_space<semaphore_mem>>
        %dma_start3A = tpu.memref_slice %arg29[%mul3A_39] : memref<896xi32, #tpu.memory_space<vmem_shared>> -> memref<112xi32, #tpu.memory_space<vmem_shared>>
        %dma_start3A_40 = tpu.memref_slice %arg29[%mul3A_39] : memref<896xi32, #tpu.memory_space<vmem_shared>> -> memref<112xi32, #tpu.memory_space<vmem_shared>>
        tpu.enqueue_dma source(%arg27 : memref<112xi32, #tpu.memory_space<vmem>>) target(%dma_start3A_40 : memref<112xi32, #tpu.memory_space<vmem_shared>>) target_semaphore(%run_scoped3A : memref<!tpu.dma_semaphore, #tpu.memory_space<semaphore_mem>>)
        %dma_wait3A = tpu.memref_slice %arg29[%mul3A_39] : memref<896xi32, #tpu.memory_space<vmem_shared>> -> memref<112xi32, #tpu.memory_space<vmem_shared>>
        %dma_wait3A_41 = tpu.memref_slice %arg29[%mul3A_39] : memref<896xi32, #tpu.memory_space<vmem_shared>> -> memref<112xi32, #tpu.memory_space<vmem_shared>>
        tpu.wait_dma2 semaphore(%run_scoped3A : memref<!tpu.dma_semaphore, #tpu.memory_space<semaphore_mem>>) src(%arg27 : memref<112xi32, #tpu.memory_space<vmem>>) dst(%dma_wait3A_41 : memref<112xi32, #tpu.memory_space<vmem_shared>>)
        tpu.yield
      }) : () -> ()
    } else {
    }
    %barrier3A = arith.constant 0 : index
    tpu.barrier barrier_id(%barrier3A)
    %eq3A_3 = arith.constant 0 : i32
    %eq3A_4 = arith.cmpi eq, %arg0, %eq3A_3 : i32
    %eq3A_5 = arith.constant 0 : i32
    %eq3A_6 = arith.cmpi eq, %arg1, %eq3A_5 : i32
    %and3A_7 = arith.andi %eq3A_4, %eq3A_6 : i1
    %convert_element_type3A_8 = arith.extui %and3A_7 : i1 to i32
    %cond3A_9 = arith.constant 0 : i32
    %cond3A_10 = arith.cmpi ne, %convert_element_type3A_8, %cond3A_9 : i32
    scf.if %cond3A_10 {
      "tpu.region"() ({
        %run_scoped3A = tpu.sem_alloc : memref<!tpu.dma_semaphore, #tpu.memory_space<semaphore_mem>>
        tpu.enqueue_dma source(%arg28 : memref<896xf32, #tpu.memory_space<vmem_shared>>) target(%arg30 : memref<896xf32, #tpu.memory_space<vmem>>) target_semaphore(%run_scoped3A : memref<!tpu.dma_semaphore, #tpu.memory_space<semaphore_mem>>)
        tpu.wait_dma2 semaphore(%run_scoped3A : memref<!tpu.dma_semaphore, #tpu.memory_space<semaphore_mem>>) src(%arg28 : memref<896xf32, #tpu.memory_space<vmem_shared>>) dst(%arg30 : memref<896xf32, #tpu.memory_space<vmem>>)
        tpu.yield
      }) : () -> ()
      "tpu.region"() ({
        %run_scoped3A = tpu.sem_alloc : memref<!tpu.dma_semaphore, #tpu.memory_space<semaphore_mem>>
        tpu.enqueue_dma source(%arg29 : memref<896xi32, #tpu.memory_space<vmem_shared>>) target(%arg31 : memref<896xi32, #tpu.memory_space<vmem>>) target_semaphore(%run_scoped3A : memref<!tpu.dma_semaphore, #tpu.memory_space<semaphore_mem>>)
        tpu.wait_dma2 semaphore(%run_scoped3A : memref<!tpu.dma_semaphore, #tpu.memory_space<semaphore_mem>>) src(%arg29 : memref<896xi32, #tpu.memory_space<vmem_shared>>) dst(%arg31 : memref<896xi32, #tpu.memory_space<vmem>>)
        tpu.yield
      }) : () -> ()
      %lt3A_11 = arith.constant 8 : i32
      %lt3A_12 = vector.broadcast %lt3A_11 : i32 to vector<16xi32>
      %lt3A_13 = arith.cmpi slt, %iota3A, %lt3A_12 : vector<16xi32>
      %mul3A = arith.constant 112 : i32
      %mul3A_14 = vector.broadcast %mul3A : i32 to vector<16xi32>
      %mul3A_15 = arith.muli %iota3A, %mul3A_14 : vector<16xi32>
      %jit3A = arith.constant 0 : i32
      %broadcast_in_dim3A = vector.broadcast %jit3A : i32 to vector<16xi32>
      %select_n3A = arith.select %lt3A_13, %mul3A_15, %broadcast_in_dim3A : vector<16xi1>, vector<16xi32>
      %scan3A = arith.constant 0 : i32
      %scan3A_16 = arith.constant 0 : i32
      %scan3A_17 = arith.constant 7 : i32
      %scan3A_18 = arith.addi %scan3A_16, %scan3A_17 : i32
      %scan3A_19 = arith.constant 1 : i32
      %scan3A_20 = scf.for %scan3A_115 = %scan3A_16 to %scan3A_18 step %scan3A_19 iter_args(%scan3A_116 = %scan3A) -> (i32)  : i32 {
        %broadcast_in_dim3A_117 = arith.constant -1.000000e+00 : f32
        %broadcast_in_dim3A_118 = vector.broadcast %broadcast_in_dim3A_117 : f32 to vector<16xf32>
        %mul3A_119 = arith.constant 16 : i32
        %mul3A_120 = arith.muli %scan3A_115, %mul3A_119 : i32
        %swap3A = arith.index_cast %mul3A_120 : i32 to index
        %swap3A_121 = tpu.vector_load %arg32[%swap3A] {strides = array<i32>} : memref<112xf32, #tpu.memory_space<vmem>>, vector<16xf32>,
        tpu.vector_store %arg32[%swap3A], %broadcast_in_dim3A_118 {strides = array<i32>} : memref<112xf32, #tpu.memory_space<vmem>>, vector<16xf32>,
        %broadcast_in_dim3A_122 = arith.constant -1 : i32
        %broadcast_in_dim3A_123 = vector.broadcast %broadcast_in_dim3A_122 : i32 to vector<16xi32>
        %mul3A_124 = arith.constant 16 : i32
        %mul3A_125 = arith.muli %scan3A_115, %mul3A_124 : i32
        %swap3A_126 = arith.index_cast %mul3A_125 : i32 to index
        %swap3A_127 = tpu.vector_load %arg33[%swap3A_126] {strides = array<i32>} : memref<112xi32, #tpu.memory_space<vmem>>, vector<16xi32>,
        tpu.vector_store %arg33[%swap3A_126], %broadcast_in_dim3A_123 {strides = array<i32>} : memref<112xi32, #tpu.memory_space<vmem>>, vector<16xi32>,
        %broadcast_in_dim3A_128 = arith.constant 0 : i32
        %broadcast_in_dim3A_129 = vector.broadcast %broadcast_in_dim3A_128 : i32 to vector<16xi32>
        %mul3A_130 = arith.constant 16 : i32
        %mul3A_131 = arith.muli %scan3A_115, %mul3A_130 : i32
        %swap3A_132 = arith.index_cast %mul3A_131 : i32 to index
        %swap3A_133 = tpu.vector_load %arg34[%swap3A_132] {strides = array<i32>} : memref<112xi32, #tpu.memory_space<vmem>>, vector<16xi32>,
        tpu.vector_store %arg34[%swap3A_132], %broadcast_in_dim3A_129 {strides = array<i32>} : memref<112xi32, #tpu.memory_space<vmem>>, vector<16xi32>,
        %scan3A_134 = arith.constant 0 : i32
        scf.yield %scan3A_134 : i32
      }
      %scan3A_21 = arith.constant 7 : i32
      %broadcast_in_dim3A_22 = arith.constant 0 : i32
      %broadcast_in_dim3A_23 = vector.broadcast %broadcast_in_dim3A_22 : i32 to vector<16xi32>
      %scan3A_24 = arith.constant 0 : i32
      %scan3A_25 = arith.constant 100 : i32
      %scan3A_26 = arith.addi %scan3A_24, %scan3A_25 : i32
      %scan3A_27 = arith.constant 1 : i32
      %scan3A_28 = scf.for %scan3A_115 = %scan3A_24 to %scan3A_26 step %scan3A_27 iter_args(%scan3A_116 = %broadcast_in_dim3A_23) -> (vector<16xi32>)  : i32 {
        %min3A = arith.constant 111 : i32
        %min3A_117 = vector.broadcast %min3A : i32 to vector<16xi32>
        %min3A_118 = arith.minsi %scan3A_116, %min3A_117 : vector<16xi32>
        %add3A = arith.addi %select_n3A, %min3A_118 : vector<16xi32>
        %gather3A = tpu.vector_load_idx %arg30[%add3A] : memref<896xf32, #tpu.memory_space<vmem>>[vector<16xi32>], vector<16xf32>,
        %lt3A_119 = arith.constant 8 : i32
        %lt3A_120 = vector.broadcast %lt3A_119 : i32 to vector<16xi32>
        %lt3A_121 = arith.cmpi slt, %iota3A, %lt3A_120 : vector<16xi32>
        %jit3A_122 = arith.constant -1.000000e+09 : f32
        %broadcast_in_dim3A_123 = vector.broadcast %jit3A_122 : f32 to vector<16xf32>
        %select_n3A_124 = arith.select %lt3A_121, %gather3A, %broadcast_in_dim3A_123 : vector<16xi1>, vector<16xf32>
        %reduce_max3A = arith.constant true
        %reduce_max3A_125 = vector.broadcast %reduce_max3A : i1 to vector<16xi1>
        %reduce_max3A_126 = tpu.scan <max>, %select_n3A_124 masked %reduce_max3A_125 : vector<16xf32>, vector<16xi1> -> vector<16xf32>
        %reduce_max3A_127 = vector.extract %reduce_max3A_126[15] : f32 from vector<16xf32>
        %gt3A = arith.constant -5.000000e+08 : f32
        %gt3A_128 = arith.cmpf ogt, %reduce_max3A_127, %gt3A : f32
        %eq3A_129 = vector.broadcast %reduce_max3A_127 : f32 to vector<16xf32>
        %eq3A_130 = arith.cmpf oeq, %select_n3A_124, %eq3A_129 : vector<16xf32>
        %jit3A_131 = arith.constant 1073741824 : i32
        %broadcast_in_dim3A_132 = vector.broadcast %jit3A_131 : i32 to vector<16xi32>
        %select_n3A_133 = arith.select %eq3A_130, %iota3A, %broadcast_in_dim3A_132 : vector<16xi1>, vector<16xi32>
        %reduce_min3A = arith.constant true
        %reduce_min3A_134 = vector.broadcast %reduce_min3A : i1 to vector<16xi1>
        %reduce_min3A_135 = arith.constant -2147483648 : i32
        %reduce_min3A_136 = vector.broadcast %reduce_min3A_135 : i32 to vector<16xi32>
        %reduce_min3A_137 = arith.xori %select_n3A_133, %reduce_min3A_136 : vector<16xi32>
        %reduce_min3A_138 = tpu.scan <min>, %reduce_min3A_137 masked %reduce_min3A_134 : vector<16xi32>, vector<16xi1> -> vector<16xi32>
        %reduce_min3A_139 = arith.xori %reduce_min3A_138, %reduce_min3A_136 : vector<16xi32>
        %reduce_min3A_140 = vector.extract %reduce_min3A_139[15] : i32 from vector<16xi32>
        %min3A_141 = arith.constant 7 : i32
        %min3A_142 = arith.minsi %reduce_min3A_140, %min3A_141 : i32
        %gather3A_143 = tpu.vector_load_idx %arg31[%add3A] : memref<896xi32, #tpu.memory_space<vmem>>[vector<16xi32>], vector<16xi32>,
        %eq3A_144 = vector.broadcast %min3A_142 : i32 to vector<16xi32>
        %eq3A_145 = arith.cmpi eq, %iota3A, %eq3A_144 : vector<16xi32>
        %jit3A_146 = arith.constant -1 : i32
        %broadcast_in_dim3A_147 = vector.broadcast %jit3A_146 : i32 to vector<16xi32>
        %select_n3A_148 = arith.select %eq3A_145, %gather3A_143, %broadcast_in_dim3A_147 : vector<16xi1>, vector<16xi32>
        %reduce_max3A_149 = arith.constant true
        %reduce_max3A_150 = vector.broadcast %reduce_max3A_149 : i1 to vector<16xi1>
        %reduce_max3A_151 = arith.constant -2147483648 : i32
        %reduce_max3A_152 = vector.broadcast %reduce_max3A_151 : i32 to vector<16xi32>
        %reduce_max3A_153 = arith.xori %select_n3A_148, %reduce_max3A_152 : vector<16xi32>
        %reduce_max3A_154 = tpu.scan <max>, %reduce_max3A_153 masked %reduce_max3A_150 : vector<16xi32>, vector<16xi1> -> vector<16xi32>
        %reduce_max3A_155 = arith.xori %reduce_max3A_154, %reduce_max3A_152 : vector<16xi32>
        %reduce_max3A_156 = vector.extract %reduce_max3A_155[15] : i32 from vector<16xi32>
        %jit3A_157 = arith.constant 16 : i32
        %div3A = arith.divsi %scan3A_115, %jit3A_157 : i32
        %sign3A = arith.constant 0 : i32
        %sign3A_158 = arith.cmpi sgt, %scan3A_115, %sign3A : i32
        %sign3A_159 = arith.extui %sign3A_158 : i1 to i32
        %sign3A_160 = arith.constant 0 : i32
        %sign3A_161 = arith.cmpi slt, %scan3A_115, %sign3A_160 : i32
        %sign3A_162 = arith.extui %sign3A_161 : i1 to i32
        %sign3A_163 = arith.subi %sign3A_159, %sign3A_162 : i32
        %sign3A_164 = arith.constant 0 : i32
        %sign3A_165 = arith.cmpi sgt, %jit3A_157, %sign3A_164 : i32
        %sign3A_166 = arith.extui %sign3A_165 : i1 to i32
        %sign3A_167 = arith.constant 0 : i32
        %sign3A_168 = arith.cmpi slt, %jit3A_157, %sign3A_167 : i32
        %sign3A_169 = arith.extui %sign3A_168 : i1 to i32
        %sign3A_170 = arith.subi %sign3A_166, %sign3A_169 : i32
        %ne3A = arith.cmpi ne, %sign3A_163, %sign3A_170 : i32
        %rem3A = arith.remsi %scan3A_115, %jit3A_157 : i32
        %ne3A_171 = arith.constant 0 : i32
        %ne3A_172 = arith.cmpi ne, %rem3A, %ne3A_171 : i32
        %and3A_173 = arith.andi %ne3A, %ne3A_172 : i1
        %sub3A = arith.constant 1 : i32
        %sub3A_174 = arith.subi %div3A, %sub3A : i32
        %select_n3A_175 = arith.select %and3A_173, %sub3A_174, %div3A : i32
        %mul3A_176 = arith.constant 16 : i32
        %mul3A_177 = arith.muli %select_n3A_175, %mul3A_176 : i32
        %sub3A_178 = arith.subi %scan3A_115, %mul3A_177 : i32
        %eq3A_179 = vector.broadcast %sub3A_178 : i32 to vector<16xi32>
        %eq3A_180 = arith.cmpi eq, %iota3A, %eq3A_179 : vector<16xi32>
        %broadcast_in_dim3A_181 = arith.constant 0.000000e+00 : f32
        %broadcast_in_dim3A_182 = vector.broadcast %broadcast_in_dim3A_181 : f32 to vector<16xf32>
        %add3A_183 = vector.broadcast %reduce_max3A_127 : f32 to vector<16xf32>
        %add3A_184 = arith.addf %broadcast_in_dim3A_182, %add3A_183 : vector<16xf32>
        %jit3A_185 = arith.constant -1.000000e+00 : f32
        %broadcast_in_dim3A_186 = vector.broadcast %jit3A_185 : f32 to vector<16xf32>
        %select_n3A_187 = arith.select %gt3A_128, %add3A_184, %broadcast_in_dim3A_186 : vector<16xf32>
        %get3A = arith.index_cast %mul3A_177 : i32 to index
        %get3A_188 = tpu.vector_load %arg32[%get3A] {strides = array<i32>} : memref<112xf32, #tpu.memory_space<vmem>>, vector<16xf32>,
        %select_n3A_189 = arith.select %eq3A_180, %select_n3A_187, %get3A_188 : vector<16xi1>, vector<16xf32>
        %swap3A = arith.index_cast %mul3A_177 : i32 to index
        %swap3A_190 = tpu.vector_load %arg32[%swap3A] {strides = array<i32>} : memref<112xf32, #tpu.memory_space<vmem>>, vector<16xf32>,
        tpu.vector_store %arg32[%swap3A], %select_n3A_189 {strides = array<i32>} : memref<112xf32, #tpu.memory_space<vmem>>, vector<16xf32>,
        %broadcast_in_dim3A_191 = arith.constant 0 : i32
        %broadcast_in_dim3A_192 = vector.broadcast %broadcast_in_dim3A_191 : i32 to vector<16xi32>
        %add3A_193 = vector.broadcast %min3A_142 : i32 to vector<16xi32>
        %add3A_194 = arith.addi %broadcast_in_dim3A_192, %add3A_193 : vector<16xi32>
        %jit3A_195 = arith.constant -1 : i32
        %broadcast_in_dim3A_196 = vector.broadcast %jit3A_195 : i32 to vector<16xi32>
        %select_n3A_197 = arith.select %gt3A_128, %add3A_194, %broadcast_in_dim3A_196 : vector<16xi32>
        %get3A_198 = arith.index_cast %mul3A_177 : i32 to index
        %get3A_199 = tpu.vector_load %arg33[%get3A_198] {strides = array<i32>} : memref<112xi32, #tpu.memory_space<vmem>>, vector<16xi32>,
        %select_n3A_200 = arith.select %eq3A_180, %select_n3A_197, %get3A_199 : vector<16xi1>, vector<16xi32>
        %swap3A_201 = arith.index_cast %mul3A_177 : i32 to index
        %swap3A_202 = tpu.vector_load %arg33[%swap3A_201] {strides = array<i32>} : memref<112xi32, #tpu.memory_space<vmem>>, vector<16xi32>,
        tpu.vector_store %arg33[%swap3A_201], %select_n3A_200 {strides = array<i32>} : memref<112xi32, #tpu.memory_space<vmem>>, vector<16xi32>,
        %broadcast_in_dim3A_203 = arith.constant 0 : i32
        %broadcast_in_dim3A_204 = vector.broadcast %broadcast_in_dim3A_203 : i32 to vector<16xi32>
        %add3A_205 = vector.broadcast %reduce_max3A_156 : i32 to vector<16xi32>
        %add3A_206 = arith.addi %broadcast_in_dim3A_204, %add3A_205 : vector<16xi32>
        %max3A = arith.constant 0 : i32
        %max3A_207 = vector.broadcast %max3A : i32 to vector<16xi32>
        %max3A_208 = arith.maxsi %add3A_206, %max3A_207 : vector<16xi32>
        %jit3A_209 = arith.constant 0 : i32
        %broadcast_in_dim3A_210 = vector.broadcast %jit3A_209 : i32 to vector<16xi32>
        %select_n3A_211 = arith.select %gt3A_128, %max3A_208, %broadcast_in_dim3A_210 : vector<16xi32>
        %get3A_212 = arith.index_cast %mul3A_177 : i32 to index
        %get3A_213 = tpu.vector_load %arg34[%get3A_212] {strides = array<i32>} : memref<112xi32, #tpu.memory_space<vmem>>, vector<16xi32>,
        %select_n3A_214 = arith.select %eq3A_180, %select_n3A_211, %get3A_213 : vector<16xi1>, vector<16xi32>
        %swap3A_215 = arith.index_cast %mul3A_177 : i32 to index
        %swap3A_216 = tpu.vector_load %arg34[%swap3A_215] {strides = array<i32>} : memref<112xi32, #tpu.memory_space<vmem>>, vector<16xi32>,
        tpu.vector_store %arg34[%swap3A_215], %select_n3A_214 {strides = array<i32>} : memref<112xi32, #tpu.memory_space<vmem>>, vector<16xi32>,
        %eq3A_217 = vector.broadcast %min3A_142 : i32 to vector<16xi32>
        %eq3A_218 = arith.cmpi eq, %iota3A, %eq3A_217 : vector<16xi32>
        %and3A_219 = vector.broadcast %gt3A_128 : i1 to vector<16xi1>
        %and3A_220 = arith.andi %eq3A_218, %and3A_219 : vector<16xi1>
        %jit3A_221 = arith.constant 1 : i32
        %jit3A_222 = arith.constant 0 : i32
        %broadcast_in_dim3A_223 = vector.broadcast %jit3A_221 : i32 to vector<16xi32>
        %broadcast_in_dim3A_224 = vector.broadcast %jit3A_222 : i32 to vector<16xi32>
        %select_n3A_225 = arith.select %and3A_220, %broadcast_in_dim3A_223, %broadcast_in_dim3A_224 : vector<16xi1>, vector<16xi32>
        %add3A_226 = arith.addi %scan3A_116, %select_n3A_225 : vector<16xi32>
        scf.yield %add3A_226 : vector<16xi32>
      }
      %scan3A_29 = arith.constant 100 : i32
      %dma_start3A = arith.constant 0 : i32
      %dma_start3A_30 = tpu.memref_slice %arg35[%dma_start3A] : memref<1120xf32, #tpu.memory_space<vmem>> -> memref<112xf32, #tpu.memory_space<vmem>>
      %dma_start3A_31 = arith.constant 0 : i32
      %dma_start3A_32 = tpu.memref_slice %arg3[%dma_start3A_31] : memref<20000xf32, #tpu.memory_space<hbm>> -> memref<20000xf32, #tpu.memory_space<hbm>>
      tpu.enqueue_indirect_dma source(%dma_start3A_32 : memref<20000xf32, #tpu.memory_space<hbm>>) target(%dma_start3A_30 : memref<112xf32, #tpu.memory_space<vmem>>) offsets(%arg34 : memref<112xi32, #tpu.memory_space<vmem>>) semaphore(%arg36 : memref<!tpu.dma_semaphore, #tpu.memory_space<semaphore_mem>>)
      %dma_start3A_33 = arith.constant 112 : i32
      %dma_start3A_34 = tpu.memref_slice %arg35[%dma_start3A_33] : memref<1120xf32, #tpu.memory_space<vmem>> -> memref<112xf32, #tpu.memory_space<vmem>>
      %dma_start3A_35 = arith.constant 0 : i32
      %dma_start3A_36 = tpu.memref_slice %arg4[%dma_start3A_35] : memref<20000xf32, #tpu.memory_space<hbm>> -> memref<20000xf32, #tpu.memory_space<hbm>>
      tpu.enqueue_indirect_dma source(%dma_start3A_36 : memref<20000xf32, #tpu.memory_space<hbm>>) target(%dma_start3A_34 : memref<112xf32, #tpu.memory_space<vmem>>) offsets(%arg34 : memref<112xi32, #tpu.memory_space<vmem>>) semaphore(%arg36 : memref<!tpu.dma_semaphore, #tpu.memory_space<semaphore_mem>>)
      %dma_start3A_37 = arith.constant 224 : i32
      %dma_start3A_38 = tpu.memref_slice %arg35[%dma_start3A_37] : memref<1120xf32, #tpu.memory_space<vmem>> -> memref<112xf32, #tpu.memory_space<vmem>>
      %dma_start3A_39 = arith.constant 0 : i32
      %dma_start3A_40 = tpu.memref_slice %arg5[%dma_start3A_39] : memref<20000xf32, #tpu.memory_space<hbm>> -> memref<20000xf32, #tpu.memory_space<hbm>>
      tpu.enqueue_indirect_dma source(%dma_start3A_40 : memref<20000xf32, #tpu.memory_space<hbm>>) target(%dma_start3A_38 : memref<112xf32, #tpu.memory_space<vmem>>) offsets(%arg34 : memref<112xi32, #tpu.memory_space<vmem>>) semaphore(%arg36 : memref<!tpu.dma_semaphore, #tpu.memory_space<semaphore_mem>>)
      %dma_start3A_41 = arith.constant 336 : i32
      %dma_start3A_42 = tpu.memref_slice %arg35[%dma_start3A_41] : memref<1120xf32, #tpu.memory_space<vmem>> -> memref<112xf32, #tpu.memory_space<vmem>>
      %dma_start3A_43 = arith.constant 0 : i32
      %dma_start3A_44 = tpu.memref_slice %arg6[%dma_start3A_43] : memref<20000xf32, #tpu.memory_space<hbm>> -> memref<20000xf32, #tpu.memory_space<hbm>>
      tpu.enqueue_indirect_dma source(%dma_start3A_44 : memref<20000xf32, #tpu.memory_space<hbm>>) target(%dma_start3A_42 : memref<112xf32, #tpu.memory_space<vmem>>) offsets(%arg34 : memref<112xi32, #tpu.memory_space<vmem>>) semaphore(%arg36 : memref<!tpu.dma_semaphore, #tpu.memory_space<semaphore_mem>>)
      %dma_start3A_45 = arith.constant 448 : i32
      %dma_start3A_46 = tpu.memref_slice %arg35[%dma_start3A_45] : memref<1120xf32, #tpu.memory_space<vmem>> -> memref<112xf32, #tpu.memory_space<vmem>>
      %dma_start3A_47 = arith.constant 0 : i32
      %dma_start3A_48 = tpu.memref_slice %arg7[%dma_start3A_47] : memref<20000xf32, #tpu.memory_space<hbm>> -> memref<20000xf32, #tpu.memory_space<hbm>>
      tpu.enqueue_indirect_dma source(%dma_start3A_48 : memref<20000xf32, #tpu.memory_space<hbm>>) target(%dma_start3A_46 : memref<112xf32, #tpu.memory_space<vmem>>) offsets(%arg34 : memref<112xi32, #tpu.memory_space<vmem>>) semaphore(%arg36 : memref<!tpu.dma_semaphore, #tpu.memory_space<semaphore_mem>>)
      %dma_start3A_49 = arith.constant 560 : i32
      %dma_start3A_50 = tpu.memref_slice %arg35[%dma_start3A_49] : memref<1120xf32, #tpu.memory_space<vmem>> -> memref<112xf32, #tpu.memory_space<vmem>>
      %dma_start3A_51 = arith.constant 0 : i32
      %dma_start3A_52 = tpu.memref_slice %arg8[%dma_start3A_51] : memref<20000xf32, #tpu.memory_space<hbm>> -> memref<20000xf32, #tpu.memory_space<hbm>>
      tpu.enqueue_indirect_dma source(%dma_start3A_52 : memref<20000xf32, #tpu.memory_space<hbm>>) target(%dma_start3A_50 : memref<112xf32, #tpu.memory_space<vmem>>) offsets(%arg34 : memref<112xi32, #tpu.memory_space<vmem>>) semaphore(%arg36 : memref<!tpu.dma_semaphore, #tpu.memory_space<semaphore_mem>>)
      %dma_start3A_53 = arith.constant 672 : i32
      %dma_start3A_54 = tpu.memref_slice %arg35[%dma_start3A_53] : memref<1120xf32, #tpu.memory_space<vmem>> -> memref<112xf32, #tpu.memory_space<vmem>>
      %dma_start3A_55 = arith.constant 0 : i32
      %dma_start3A_56 = tpu.memref_slice %arg9[%dma_start3A_55] : memref<20000xf32, #tpu.memory_space<hbm>> -> memref<20000xf32, #tpu.memory_space<hbm>>
      tpu.enqueue_indirect_dma source(%dma_start3A_56 : memref<20000xf32, #tpu.memory_space<hbm>>) target(%dma_start3A_54 : memref<112xf32, #tpu.memory_space<vmem>>) offsets(%arg34 : memref<112xi32, #tpu.memory_space<vmem>>) semaphore(%arg36 : memref<!tpu.dma_semaphore, #tpu.memory_space<semaphore_mem>>)
      %dma_start3A_57 = arith.constant 784 : i32
      %dma_start3A_58 = tpu.memref_slice %arg35[%dma_start3A_57] : memref<1120xf32, #tpu.memory_space<vmem>> -> memref<112xf32, #tpu.memory_space<vmem>>
      %dma_start3A_59 = arith.constant 0 : i32
      %dma_start3A_60 = tpu.memref_slice %arg10[%dma_start3A_59] : memref<20000xf32, #tpu.memory_space<hbm>> -> memref<20000xf32, #tpu.memory_space<hbm>>
      tpu.enqueue_indirect_dma source(%dma_start3A_60 : memref<20000xf32, #tpu.memory_space<hbm>>) target(%dma_start3A_58 : memref<112xf32, #tpu.memory_space<vmem>>) offsets(%arg34 : memref<112xi32, #tpu.memory_space<vmem>>) semaphore(%arg36 : memref<!tpu.dma_semaphore, #tpu.memory_space<semaphore_mem>>)
      %dma_start3A_61 = arith.constant 896 : i32
      %dma_start3A_62 = tpu.memref_slice %arg35[%dma_start3A_61] : memref<1120xf32, #tpu.memory_space<vmem>> -> memref<112xf32, #tpu.memory_space<vmem>>
      %dma_start3A_63 = arith.constant 0 : i32
      %dma_start3A_64 = tpu.memref_slice %arg11[%dma_start3A_63] : memref<20000xf32, #tpu.memory_space<hbm>> -> memref<20000xf32, #tpu.memory_space<hbm>>
      tpu.enqueue_indirect_dma source(%dma_start3A_64 : memref<20000xf32, #tpu.memory_space<hbm>>) target(%dma_start3A_62 : memref<112xf32, #tpu.memory_space<vmem>>) offsets(%arg34 : memref<112xi32, #tpu.memory_space<vmem>>) semaphore(%arg36 : memref<!tpu.dma_semaphore, #tpu.memory_space<semaphore_mem>>)
      %dma_start3A_65 = arith.constant 1008 : i32
      %dma_start3A_66 = tpu.memref_slice %arg35[%dma_start3A_65] : memref<1120xf32, #tpu.memory_space<vmem>> -> memref<112xf32, #tpu.memory_space<vmem>>
      %dma_start3A_67 = arith.constant 0 : i32
      %dma_start3A_68 = tpu.memref_slice %arg12[%dma_start3A_67] : memref<20000xf32, #tpu.memory_space<hbm>> -> memref<20000xf32, #tpu.memory_space<hbm>>
      tpu.enqueue_indirect_dma source(%dma_start3A_68 : memref<20000xf32, #tpu.memory_space<hbm>>) target(%dma_start3A_66 : memref<112xf32, #tpu.memory_space<vmem>>) offsets(%arg34 : memref<112xi32, #tpu.memory_space<vmem>>) semaphore(%arg36 : memref<!tpu.dma_semaphore, #tpu.memory_space<semaphore_mem>>)
      %dma_wait3A = arith.constant 0 : i32
      %dma_wait3A_69 = tpu.memref_slice %arg35[%dma_wait3A] : memref<1120xf32, #tpu.memory_space<vmem>> -> memref<112xf32, #tpu.memory_space<vmem>>
      %dma_wait3A_70 = arith.constant 0 : i32
      %dma_wait3A_71 = tpu.memref_slice %arg3[%dma_wait3A_70] : memref<20000xf32, #tpu.memory_space<hbm>> -> memref<20000xf32, #tpu.memory_space<hbm>>
      tpu.wait_indirect_dma semaphore(%arg36 : memref<!tpu.dma_semaphore, #tpu.memory_space<semaphore_mem>>) src(%dma_wait3A_71 : memref<20000xf32, #tpu.memory_space<hbm>>) dst(%dma_wait3A_69 : memref<112xf32, #tpu.memory_space<vmem>>)
      %dma_wait3A_72 = arith.constant 112 : i32
      %dma_wait3A_73 = tpu.memref_slice %arg35[%dma_wait3A_72] : memref<1120xf32, #tpu.memory_space<vmem>> -> memref<112xf32, #tpu.memory_space<vmem>>
      %dma_wait3A_74 = arith.constant 0 : i32
      %dma_wait3A_75 = tpu.memref_slice %arg4[%dma_wait3A_74] : memref<20000xf32, #tpu.memory_space<hbm>> -> memref<20000xf32, #tpu.memory_space<hbm>>
      tpu.wait_indirect_dma semaphore(%arg36 : memref<!tpu.dma_semaphore, #tpu.memory_space<semaphore_mem>>) src(%dma_wait3A_75 : memref<20000xf32, #tpu.memory_space<hbm>>) dst(%dma_wait3A_73 : memref<112xf32, #tpu.memory_space<vmem>>)
      %dma_wait3A_76 = arith.constant 224 : i32
      %dma_wait3A_77 = tpu.memref_slice %arg35[%dma_wait3A_76] : memref<1120xf32, #tpu.memory_space<vmem>> -> memref<112xf32, #tpu.memory_space<vmem>>
      %dma_wait3A_78 = arith.constant 0 : i32
      %dma_wait3A_79 = tpu.memref_slice %arg5[%dma_wait3A_78] : memref<20000xf32, #tpu.memory_space<hbm>> -> memref<20000xf32, #tpu.memory_space<hbm>>
      tpu.wait_indirect_dma semaphore(%arg36 : memref<!tpu.dma_semaphore, #tpu.memory_space<semaphore_mem>>) src(%dma_wait3A_79 : memref<20000xf32, #tpu.memory_space<hbm>>) dst(%dma_wait3A_77 : memref<112xf32, #tpu.memory_space<vmem>>)
      %dma_wait3A_80 = arith.constant 336 : i32
      %dma_wait3A_81 = tpu.memref_slice %arg35[%dma_wait3A_80] : memref<1120xf32, #tpu.memory_space<vmem>> -> memref<112xf32, #tpu.memory_space<vmem>>
      %dma_wait3A_82 = arith.constant 0 : i32
      %dma_wait3A_83 = tpu.memref_slice %arg6[%dma_wait3A_82] : memref<20000xf32, #tpu.memory_space<hbm>> -> memref<20000xf32, #tpu.memory_space<hbm>>
      tpu.wait_indirect_dma semaphore(%arg36 : memref<!tpu.dma_semaphore, #tpu.memory_space<semaphore_mem>>) src(%dma_wait3A_83 : memref<20000xf32, #tpu.memory_space<hbm>>) dst(%dma_wait3A_81 : memref<112xf32, #tpu.memory_space<vmem>>)
      %dma_wait3A_84 = arith.constant 448 : i32
      %dma_wait3A_85 = tpu.memref_slice %arg35[%dma_wait3A_84] : memref<1120xf32, #tpu.memory_space<vmem>> -> memref<112xf32, #tpu.memory_space<vmem>>
      %dma_wait3A_86 = arith.constant 0 : i32
      %dma_wait3A_87 = tpu.memref_slice %arg7[%dma_wait3A_86] : memref<20000xf32, #tpu.memory_space<hbm>> -> memref<20000xf32, #tpu.memory_space<hbm>>
      tpu.wait_indirect_dma semaphore(%arg36 : memref<!tpu.dma_semaphore, #tpu.memory_space<semaphore_mem>>) src(%dma_wait3A_87 : memref<20000xf32, #tpu.memory_space<hbm>>) dst(%dma_wait3A_85 : memref<112xf32, #tpu.memory_space<vmem>>)
      %dma_wait3A_88 = arith.constant 560 : i32
      %dma_wait3A_89 = tpu.memref_slice %arg35[%dma_wait3A_88] : memref<1120xf32, #tpu.memory_space<vmem>> -> memref<112xf32, #tpu.memory_space<vmem>>
      %dma_wait3A_90 = arith.constant 0 : i32
      %dma_wait3A_91 = tpu.memref_slice %arg8[%dma_wait3A_90] : memref<20000xf32, #tpu.memory_space<hbm>> -> memref<20000xf32, #tpu.memory_space<hbm>>
      tpu.wait_indirect_dma semaphore(%arg36 : memref<!tpu.dma_semaphore, #tpu.memory_space<semaphore_mem>>) src(%dma_wait3A_91 : memref<20000xf32, #tpu.memory_space<hbm>>) dst(%dma_wait3A_89 : memref<112xf32, #tpu.memory_space<vmem>>)
      %dma_wait3A_92 = arith.constant 672 : i32
      %dma_wait3A_93 = tpu.memref_slice %arg35[%dma_wait3A_92] : memref<1120xf32, #tpu.memory_space<vmem>> -> memref<112xf32, #tpu.memory_space<vmem>>
      %dma_wait3A_94 = arith.constant 0 : i32
      %dma_wait3A_95 = tpu.memref_slice %arg9[%dma_wait3A_94] : memref<20000xf32, #tpu.memory_space<hbm>> -> memref<20000xf32, #tpu.memory_space<hbm>>
      tpu.wait_indirect_dma semaphore(%arg36 : memref<!tpu.dma_semaphore, #tpu.memory_space<semaphore_mem>>) src(%dma_wait3A_95 : memref<20000xf32, #tpu.memory_space<hbm>>) dst(%dma_wait3A_93 : memref<112xf32, #tpu.memory_space<vmem>>)
      %dma_wait3A_96 = arith.constant 784 : i32
      %dma_wait3A_97 = tpu.memref_slice %arg35[%dma_wait3A_96] : memref<1120xf32, #tpu.memory_space<vmem>> -> memref<112xf32, #tpu.memory_space<vmem>>
      %dma_wait3A_98 = arith.constant 0 : i32
      %dma_wait3A_99 = tpu.memref_slice %arg10[%dma_wait3A_98] : memref<20000xf32, #tpu.memory_space<hbm>> -> memref<20000xf32, #tpu.memory_space<hbm>>
      tpu.wait_indirect_dma semaphore(%arg36 : memref<!tpu.dma_semaphore, #tpu.memory_space<semaphore_mem>>) src(%dma_wait3A_99 : memref<20000xf32, #tpu.memory_space<hbm>>) dst(%dma_wait3A_97 : memref<112xf32, #tpu.memory_space<vmem>>)
      %dma_wait3A_100 = arith.constant 896 : i32
      %dma_wait3A_101 = tpu.memref_slice %arg35[%dma_wait3A_100] : memref<1120xf32, #tpu.memory_space<vmem>> -> memref<112xf32, #tpu.memory_space<vmem>>
      %dma_wait3A_102 = arith.constant 0 : i32
      %dma_wait3A_103 = tpu.memref_slice %arg11[%dma_wait3A_102] : memref<20000xf32, #tpu.memory_space<hbm>> -> memref<20000xf32, #tpu.memory_space<hbm>>
      tpu.wait_indirect_dma semaphore(%arg36 : memref<!tpu.dma_semaphore, #tpu.memory_space<semaphore_mem>>) src(%dma_wait3A_103 : memref<20000xf32, #tpu.memory_space<hbm>>) dst(%dma_wait3A_101 : memref<112xf32, #tpu.memory_space<vmem>>)
      %dma_wait3A_104 = arith.constant 1008 : i32
      %dma_wait3A_105 = tpu.memref_slice %arg35[%dma_wait3A_104] : memref<1120xf32, #tpu.memory_space<vmem>> -> memref<112xf32, #tpu.memory_space<vmem>>
      %dma_wait3A_106 = arith.constant 0 : i32
      %dma_wait3A_107 = tpu.memref_slice %arg12[%dma_wait3A_106] : memref<20000xf32, #tpu.memory_space<hbm>> -> memref<20000xf32, #tpu.memory_space<hbm>>
      tpu.wait_indirect_dma semaphore(%arg36 : memref<!tpu.dma_semaphore, #tpu.memory_space<semaphore_mem>>) src(%dma_wait3A_107 : memref<20000xf32, #tpu.memory_space<hbm>>) dst(%dma_wait3A_105 : memref<112xf32, #tpu.memory_space<vmem>>)
      %scan3A_108 = arith.constant 0 : i32
      %scan3A_109 = arith.constant 0 : i32
      %scan3A_110 = arith.constant 7 : i32
      %scan3A_111 = arith.addi %scan3A_109, %scan3A_110 : i32
      %scan3A_112 = arith.constant 1 : i32
      %scan3A_113 = scf.for %scan3A_115 = %scan3A_109 to %scan3A_111 step %scan3A_112 iter_args(%scan3A_116 = %scan3A_108) -> (i32)  : i32 {
        %mul3A_117 = arith.constant 16 : i32
        %mul3A_118 = arith.muli %scan3A_115, %mul3A_117 : i32
        %get3A = arith.index_cast %mul3A_118 : i32 to index
        %get3A_119 = tpu.vector_load %arg32[%get3A] {strides = array<i32>} : memref<112xf32, #tpu.memory_space<vmem>>, vector<16xf32>,
        %ge3A = arith.constant 0.000000e+00 : f32
        %ge3A_120 = vector.broadcast %ge3A : f32 to vector<16xf32>
        %ge3A_121 = arith.cmpf oge, %get3A_119, %ge3A_120 : vector<16xf32>
        %mul3A_122 = arith.constant 16 : i32
        %mul3A_123 = arith.muli %scan3A_115, %mul3A_122 : i32
        %add3A = arith.constant 0 : i32
        %add3A_124 = arith.addi %add3A, %mul3A_123 : i32
        %get3A_125 = arith.index_cast %add3A_124 : i32 to index
        %get3A_126 = tpu.vector_load %arg35[%get3A_125] {strides = array<i32>} : memref<1120xf32, #tpu.memory_space<vmem>>, vector<16xf32>,
        %jit3A_127 = arith.constant -1.000000e+00 : f32
        %broadcast_in_dim3A_128 = vector.broadcast %jit3A_127 : f32 to vector<16xf32>
        %select_n3A_129 = arith.select %ge3A_121, %get3A_126, %broadcast_in_dim3A_128 : vector<16xi1>, vector<16xf32>
        %swap3A = arith.index_cast %add3A_124 : i32 to index
        %swap3A_130 = tpu.vector_load %arg35[%swap3A] {strides = array<i32>} : memref<1120xf32, #tpu.memory_space<vmem>>, vector<16xf32>,
        tpu.vector_store %arg35[%swap3A], %select_n3A_129 {strides = array<i32>} : memref<1120xf32, #tpu.memory_space<vmem>>, vector<16xf32>,
        %mul3A_131 = arith.constant 16 : i32
        %mul3A_132 = arith.muli %scan3A_115, %mul3A_131 : i32
        %add3A_133 = arith.constant 112 : i32
        %add3A_134 = arith.addi %add3A_133, %mul3A_132 : i32
        %get3A_135 = arith.index_cast %add3A_134 : i32 to index
        %get3A_136 = tpu.vector_load %arg35[%get3A_135] {strides = array<i32>} : memref<1120xf32, #tpu.memory_space<vmem>>, vector<16xf32>,
        %jit3A_137 = arith.constant -1.000000e+00 : f32
        %broadcast_in_dim3A_138 = vector.broadcast %jit3A_137 : f32 to vector<16xf32>
        %select_n3A_139 = arith.select %ge3A_121, %get3A_136, %broadcast_in_dim3A_138 : vector<16xi1>, vector<16xf32>
        %swap3A_140 = arith.index_cast %add3A_134 : i32 to index
        %swap3A_141 = tpu.vector_load %arg35[%swap3A_140] {strides = array<i32>} : memref<1120xf32, #tpu.memory_space<vmem>>, vector<16xf32>,
        tpu.vector_store %arg35[%swap3A_140], %select_n3A_139 {strides = array<i32>} : memref<1120xf32, #tpu.memory_space<vmem>>, vector<16xf32>,
        %mul3A_142 = arith.constant 16 : i32
        %mul3A_143 = arith.muli %scan3A_115, %mul3A_142 : i32
        %add3A_144 = arith.constant 224 : i32
        %add3A_145 = arith.addi %add3A_144, %mul3A_143 : i32
        %get3A_146 = arith.index_cast %add3A_145 : i32 to index
        %get3A_147 = tpu.vector_load %arg35[%get3A_146] {strides = array<i32>} : memref<1120xf32, #tpu.memory_space<vmem>>, vector<16xf32>,
        %jit3A_148 = arith.constant -1.000000e+00 : f32
        %broadcast_in_dim3A_149 = vector.broadcast %jit3A_148 : f32 to vector<16xf32>
        %select_n3A_150 = arith.select %ge3A_121, %get3A_147, %broadcast_in_dim3A_149 : vector<16xi1>, vector<16xf32>
        %swap3A_151 = arith.index_cast %add3A_145 : i32 to index
        %swap3A_152 = tpu.vector_load %arg35[%swap3A_151] {strides = array<i32>} : memref<1120xf32, #tpu.memory_space<vmem>>, vector<16xf32>,
        tpu.vector_store %arg35[%swap3A_151], %select_n3A_150 {strides = array<i32>} : memref<1120xf32, #tpu.memory_space<vmem>>, vector<16xf32>,
        %mul3A_153 = arith.constant 16 : i32
        %mul3A_154 = arith.muli %scan3A_115, %mul3A_153 : i32
        %add3A_155 = arith.constant 336 : i32
        %add3A_156 = arith.addi %add3A_155, %mul3A_154 : i32
        %get3A_157 = arith.index_cast %add3A_156 : i32 to index
        %get3A_158 = tpu.vector_load %arg35[%get3A_157] {strides = array<i32>} : memref<1120xf32, #tpu.memory_space<vmem>>, vector<16xf32>,
        %jit3A_159 = arith.constant -1.000000e+00 : f32
        %broadcast_in_dim3A_160 = vector.broadcast %jit3A_159 : f32 to vector<16xf32>
        %select_n3A_161 = arith.select %ge3A_121, %get3A_158, %broadcast_in_dim3A_160 : vector<16xi1>, vector<16xf32>
        %swap3A_162 = arith.index_cast %add3A_156 : i32 to index
        %swap3A_163 = tpu.vector_load %arg35[%swap3A_162] {strides = array<i32>} : memref<1120xf32, #tpu.memory_space<vmem>>, vector<16xf32>,
        tpu.vector_store %arg35[%swap3A_162], %select_n3A_161 {strides = array<i32>} : memref<1120xf32, #tpu.memory_space<vmem>>, vector<16xf32>,
        %mul3A_164 = arith.constant 16 : i32
        %mul3A_165 = arith.muli %scan3A_115, %mul3A_164 : i32
        %add3A_166 = arith.constant 448 : i32
        %add3A_167 = arith.addi %add3A_166, %mul3A_165 : i32
        %get3A_168 = arith.index_cast %add3A_167 : i32 to index
        %get3A_169 = tpu.vector_load %arg35[%get3A_168] {strides = array<i32>} : memref<1120xf32, #tpu.memory_space<vmem>>, vector<16xf32>,
        %jit3A_170 = arith.constant -1.000000e+00 : f32
        %broadcast_in_dim3A_171 = vector.broadcast %jit3A_170 : f32 to vector<16xf32>
        %select_n3A_172 = arith.select %ge3A_121, %get3A_169, %broadcast_in_dim3A_171 : vector<16xi1>, vector<16xf32>
        %swap3A_173 = arith.index_cast %add3A_167 : i32 to index
        %swap3A_174 = tpu.vector_load %arg35[%swap3A_173] {strides = array<i32>} : memref<1120xf32, #tpu.memory_space<vmem>>, vector<16xf32>,
        tpu.vector_store %arg35[%swap3A_173], %select_n3A_172 {strides = array<i32>} : memref<1120xf32, #tpu.memory_space<vmem>>, vector<16xf32>,
        %mul3A_175 = arith.constant 16 : i32
        %mul3A_176 = arith.muli %scan3A_115, %mul3A_175 : i32
        %add3A_177 = arith.constant 560 : i32
        %add3A_178 = arith.addi %add3A_177, %mul3A_176 : i32
        %get3A_179 = arith.index_cast %add3A_178 : i32 to index
        %get3A_180 = tpu.vector_load %arg35[%get3A_179] {strides = array<i32>} : memref<1120xf32, #tpu.memory_space<vmem>>, vector<16xf32>,
        %jit3A_181 = arith.constant -1.000000e+00 : f32
        %broadcast_in_dim3A_182 = vector.broadcast %jit3A_181 : f32 to vector<16xf32>
        %select_n3A_183 = arith.select %ge3A_121, %get3A_180, %broadcast_in_dim3A_182 : vector<16xi1>, vector<16xf32>
        %swap3A_184 = arith.index_cast %add3A_178 : i32 to index
        %swap3A_185 = tpu.vector_load %arg35[%swap3A_184] {strides = array<i32>} : memref<1120xf32, #tpu.memory_space<vmem>>, vector<16xf32>,
        tpu.vector_store %arg35[%swap3A_184], %select_n3A_183 {strides = array<i32>} : memref<1120xf32, #tpu.memory_space<vmem>>, vector<16xf32>,
        %mul3A_186 = arith.constant 16 : i32
        %mul3A_187 = arith.muli %scan3A_115, %mul3A_186 : i32
        %add3A_188 = arith.constant 672 : i32
        %add3A_189 = arith.addi %add3A_188, %mul3A_187 : i32
        %get3A_190 = arith.index_cast %add3A_189 : i32 to index
        %get3A_191 = tpu.vector_load %arg35[%get3A_190] {strides = array<i32>} : memref<1120xf32, #tpu.memory_space<vmem>>, vector<16xf32>,
        %jit3A_192 = arith.constant -1.000000e+00 : f32
        %broadcast_in_dim3A_193 = vector.broadcast %jit3A_192 : f32 to vector<16xf32>
        %select_n3A_194 = arith.select %ge3A_121, %get3A_191, %broadcast_in_dim3A_193 : vector<16xi1>, vector<16xf32>
        %swap3A_195 = arith.index_cast %add3A_189 : i32 to index
        %swap3A_196 = tpu.vector_load %arg35[%swap3A_195] {strides = array<i32>} : memref<1120xf32, #tpu.memory_space<vmem>>, vector<16xf32>,
        tpu.vector_store %arg35[%swap3A_195], %select_n3A_194 {strides = array<i32>} : memref<1120xf32, #tpu.memory_space<vmem>>, vector<16xf32>,
        %mul3A_197 = arith.constant 16 : i32
        %mul3A_198 = arith.muli %scan3A_115, %mul3A_197 : i32
        %add3A_199 = arith.constant 784 : i32
        %add3A_200 = arith.addi %add3A_199, %mul3A_198 : i32
        %get3A_201 = arith.index_cast %add3A_200 : i32 to index
        %get3A_202 = tpu.vector_load %arg35[%get3A_201] {strides = array<i32>} : memref<1120xf32, #tpu.memory_space<vmem>>, vector<16xf32>,
        %jit3A_203 = arith.constant -1.000000e+00 : f32
        %broadcast_in_dim3A_204 = vector.broadcast %jit3A_203 : f32 to vector<16xf32>
        %select_n3A_205 = arith.select %ge3A_121, %get3A_202, %broadcast_in_dim3A_204 : vector<16xi1>, vector<16xf32>
        %swap3A_206 = arith.index_cast %add3A_200 : i32 to index
        %swap3A_207 = tpu.vector_load %arg35[%swap3A_206] {strides = array<i32>} : memref<1120xf32, #tpu.memory_space<vmem>>, vector<16xf32>,
        tpu.vector_store %arg35[%swap3A_206], %select_n3A_205 {strides = array<i32>} : memref<1120xf32, #tpu.memory_space<vmem>>, vector<16xf32>,
        %mul3A_208 = arith.constant 16 : i32
        %mul3A_209 = arith.muli %scan3A_115, %mul3A_208 : i32
        %add3A_210 = arith.constant 896 : i32
        %add3A_211 = arith.addi %add3A_210, %mul3A_209 : i32
        %get3A_212 = arith.index_cast %add3A_211 : i32 to index
        %get3A_213 = tpu.vector_load %arg35[%get3A_212] {strides = array<i32>} : memref<1120xf32, #tpu.memory_space<vmem>>, vector<16xf32>,
        %jit3A_214 = arith.constant -1.000000e+00 : f32
        %broadcast_in_dim3A_215 = vector.broadcast %jit3A_214 : f32 to vector<16xf32>
        %select_n3A_216 = arith.select %ge3A_121, %get3A_213, %broadcast_in_dim3A_215 : vector<16xi1>, vector<16xf32>
        %swap3A_217 = arith.index_cast %add3A_211 : i32 to index
        %swap3A_218 = tpu.vector_load %arg35[%swap3A_217] {strides = array<i32>} : memref<1120xf32, #tpu.memory_space<vmem>>, vector<16xf32>,
        tpu.vector_store %arg35[%swap3A_217], %select_n3A_216 {strides = array<i32>} : memref<1120xf32, #tpu.memory_space<vmem>>, vector<16xf32>,
        %mul3A_219 = arith.constant 16 : i32
        %mul3A_220 = arith.muli %scan3A_115, %mul3A_219 : i32
        %add3A_221 = arith.constant 1008 : i32
        %add3A_222 = arith.addi %add3A_221, %mul3A_220 : i32
        %get3A_223 = arith.index_cast %add3A_222 : i32 to index
        %get3A_224 = tpu.vector_load %arg35[%get3A_223] {strides = array<i32>} : memref<1120xf32, #tpu.memory_space<vmem>>, vector<16xf32>,
        %jit3A_225 = arith.constant -1.000000e+00 : f32
        %broadcast_in_dim3A_226 = vector.broadcast %jit3A_225 : f32 to vector<16xf32>
        %select_n3A_227 = arith.select %ge3A_121, %get3A_224, %broadcast_in_dim3A_226 : vector<16xi1>, vector<16xf32>
        %swap3A_228 = arith.index_cast %add3A_222 : i32 to index
        %swap3A_229 = tpu.vector_load %arg35[%swap3A_228] {strides = array<i32>} : memref<1120xf32, #tpu.memory_space<vmem>>, vector<16xf32>,
        tpu.vector_store %arg35[%swap3A_228], %select_n3A_227 {strides = array<i32>} : memref<1120xf32, #tpu.memory_space<vmem>>, vector<16xf32>,
        %scan3A_230 = arith.constant 0 : i32
        scf.yield %scan3A_230 : i32
      }
      %scan3A_114 = arith.constant 7 : i32
      "tpu.region"() ({
        %run_scoped3A = tpu.sem_alloc : memref<!tpu.dma_semaphore, #tpu.memory_space<semaphore_mem>>
        tpu.enqueue_dma source(%arg35 : memref<1120xf32, #tpu.memory_space<vmem>>) target(%arg13 : memref<1120xf32, #tpu.memory_space<hbm>>) target_semaphore(%run_scoped3A : memref<!tpu.dma_semaphore, #tpu.memory_space<semaphore_mem>>)
        tpu.wait_dma2 semaphore(%run_scoped3A : memref<!tpu.dma_semaphore, #tpu.memory_space<semaphore_mem>>) src(%arg35 : memref<1120xf32, #tpu.memory_space<vmem>>) dst(%arg13 : memref<1120xf32, #tpu.memory_space<hbm>>)
        tpu.yield
      }) : () -> ()
      "tpu.region"() ({
        %run_scoped3A = tpu.sem_alloc : memref<!tpu.dma_semaphore, #tpu.memory_space<semaphore_mem>>
        tpu.enqueue_dma source(%arg32 : memref<112xf32, #tpu.memory_space<vmem>>) target(%arg14 : memref<112xf32, #tpu.memory_space<hbm>>) target_semaphore(%run_scoped3A : memref<!tpu.dma_semaphore, #tpu.memory_space<semaphore_mem>>)
        tpu.wait_dma2 semaphore(%run_scoped3A : memref<!tpu.dma_semaphore, #tpu.memory_space<semaphore_mem>>) src(%arg32 : memref<112xf32, #tpu.memory_space<vmem>>) dst(%arg14 : memref<112xf32, #tpu.memory_space<hbm>>)
        tpu.yield
      }) : () -> ()
      "tpu.region"() ({
        %run_scoped3A = tpu.sem_alloc : memref<!tpu.dma_semaphore, #tpu.memory_space<semaphore_mem>>
        tpu.enqueue_dma source(%arg33 : memref<112xi32, #tpu.memory_space<vmem>>) target(%arg15 : memref<112xi32, #tpu.memory_space<hbm>>) target_semaphore(%run_scoped3A : memref<!tpu.dma_semaphore, #tpu.memory_space<semaphore_mem>>)
        tpu.wait_dma2 semaphore(%run_scoped3A : memref<!tpu.dma_semaphore, #tpu.memory_space<semaphore_mem>>) src(%arg33 : memref<112xi32, #tpu.memory_space<vmem>>) dst(%arg15 : memref<112xi32, #tpu.memory_space<hbm>>)
        tpu.yield
      }) : () -> ()
    } else {
    }
    return
  }
}

</mosaic_0001>

<sc_bundles>
// kernel: kernel.3.cloned.1.call-start
scs
__scs_entry_jumppad:
0x0: {  	(pc) =	sbr.rel $0x88, $3  }
0x1: {  	(tag) =	ssettag $0x0;
	lr =	simm.s32 $0x1  }
0x2: {  	[smem:$0x3F9D] =	sst lr;
	_ =	strace $0xD0000000  }
0x3: {  	_ = 	snop  }
0x4: {  	_ = 	snop  }
0x5: {  	_ = 	snop  }
0x6: {  	_ = 	snop  }
0x7: {  	_ = 	snop  }
__scs_overlays_trampoline_lowered:
0x8: {  	[smem:$0x3FAC] =	sst s0  }
0x9: {  	[smem:$0x3FAD] =	sst s1  }
0xa: {  	[smem:$0x3FAE] =	sst s2  }
0xb: {  	[smem:$0x3FAF] =	sst s3  }
0xc: {  	[smem:$0x3FB0] =	sst s4  }
0xd: {  	[smem:$0x3FB1] =	sst s5  }
0xe: {  	[smem:$0x3FB2] =	sst s6  }
0xf: {  	[smem:$0x3FB3] =	sst s7  }
0x10: {  	[smem:$0x3FB4] =	sst s8  }
0x11: {  	[smem:$0x3FB5] =	sst s9;
	s0 =	simm.s32 @!p0 $0x0  }
0x12: {  	s1 =	sld [smem:$0x3F9B];
	s0 =	simm.s32 @p0 $0x1  }
0x13: {  	[smem:$0x3FB6] =	sst s0;
	s0 =	simm.s32 @!p1 $0x0  }
0x14: {  	s2 =	sld [smem:$0x3F9A];
	s0 =	simm.s32 @p1 $0x1  }
0x15: {  	[smem:$0x3FB7] =	sst s0;
	s0 =	simm.s32 @!p2 $0x0  }
0x16: {  	s3 =	sld [smem:$0x3FDB];
	s0 =	simm.s32 @p2 $0x1  }
0x17: {  	s4 =	simm.s32 $0x1BF5;
	[smem:$0x3FB9] =	sst s0  }
0x18: {  	s0 =	sld [smem:$0x3F9C];
	_ =	swait.ge [sflag:s4], $0x0  }
0x19: {  	s7 =	sld [smem:$0x3F9D]  }
0x1a: {  	s8 =	sadd.s32 $0xFFFFE003, lr  }
0x1b: {  	s9 =	sadd.s32 $0xFFFFFEF7, lr;
	s5 =	simm.s32 $0xFFFFFFFF;
	p2 =	slt.u32 s8, $0xFFFFF086  }
0x1c: {  	p1 =	slt.u32 s9, $0xF7A;
	s5 =	simm.s32 @!p2 $0x0  }
0x1d: {  	s5 =	simm.s32 @p1 $0x1;
	p0 =	seq.s32 s7, s2  }
0x1e: {  	s7 =	smul.u32 @!p0 $0xF7A, s2;
	p2 =	seq.s32 @!p0 s5, $0x0  }
0x1f: {  	s9 =	smul.u32 $0xF7A, s1;
	s8 =	simm.s32 @!p0 $0x1BF5;
	p2 =	por !p2, p0  }
0x20: {  	[sflag:s8] =	ssyncset.s32 @!p0 $0xFFFFF086;
	s6 =	sadd.s32 @!p0 s3, s7;
	s7 =	simm.s32 @!p0 $0x108  }
0x21: {  	s3 =	sadd.s32 s3, s9;
	s6 =	sadd.s32 @!p0 $0x88, s6;
	s7 =	simm.s32 @p2 $0x1082  }
0x22: {  	[simem:s7], [sflag:s8] =	dma.local @!p0 [hbm:s6], $0xF7A  }
0x23: {  	s9 =	sor.u32 $0xD0000000, s2;
	s6 =	simm.s32 $0x108;
	_ =	swait.ge @!p0 [sflag:s8], $0x0  }
0x24: {  	s3 =	sadd.s32 $0x88, s3;
	s6 =	simm.s32 @!p1 $0x1082;
	[sflag:s4] =	ssyncset.s32 $0xFFFFF086  }
0x25: {  	[simem:s6], [sflag:s4] =	dma.local [hbm:s3], $0xF7A  }
0x26: {  	[smem:$0x3F9D] =	sst s1;
	(tag) =	ssettag s2;
	_ =	strace s9  }
0x27: {  	s1 =	sld [smem:$0x3FAD]  }
0x28: {  	s2 =	sld [smem:$0x3FAE]  }
0x29: {  	s4 =	sld [smem:$0x3FB0]  }
0x2a: {  	p0 =	seq.s32 s5, $0x0;
	s5 =	sld [smem:$0x3FB1]  }
0x2b: {  	s6 =	sld [smem:$0x3FB2]  }
0x2c: {  	s7 =	sld [smem:$0x3FB3]  }
0x2d: {  	s3 =	simm.s32 $0x108;
	s8 =	sld [smem:$0x3FB4]  }
0x2e: {  	s3 =	simm.s32 @!p0 $0x1082;
	s9 =	sld [smem:$0x3FB5]  }
0x2f: {  	lr =	sadd.s32 s0, s3;
	s0 =	sld [smem:$0x3FAC]  }
0x30: {  	s3 =	sld [smem:$0x3FAF]  }
0x31: {  	[smem:$0x3FB8] =	sst s10  }
0x32: {  	s10 =	sld [smem:$0x3FB6];
	_ =	sdelay $0x3  }
0x33: {  	p0 =	seq.s32 s10, $0x1;
	s10 =	sld [smem:$0x3FB8];
	_ =	sdelay $0x3  }
0x34: {  	[smem:$0x3FB8] =	sst s10  }
0x35: {  	s10 =	sld [smem:$0x3FB7];
	_ =	sdelay $0x3  }
0x36: {  	p1 =	seq.s32 s10, $0x1;
	s10 =	sld [smem:$0x3FB8];
	_ =	sdelay $0x3  }
0x37: {  	[smem:$0x3FB8] =	sst s10  }
0x38: {  	s10 =	sld [smem:$0x3FB9]  }
0x39: {  	_ = 	snop;
	(pc) =	sbr.ind lr, $3  }
0x3a: {  	_ = 	snop  }
0x3b: {  	_ = 	snop  }
0x3c: {  	p2 =	seq.s32 s10, $0x1;
	s10 =	sld [smem:$0x3FB8]  }
0x3d: {  	_ =	shalt  }
0x3e: {  	_ =	shalt  }
0x3f: {  	_ =	shalt  }
0x40: {  	_ =	shalt  }
0x41: {  	_ =	shalt  }
0x42: {  	_ =	shalt  }
0x43: {  	_ =	shalt  }
0x44: {  	_ =	shalt  }
0x45: {  	_ =	shalt  }
0x46: {  	_ =	shalt  }
0x47: {  	_ =	shalt  }
0x48: {  	_ =	shalt  }
0x49: {  	_ =	shalt  }
0x4a: {  	_ =	shalt  }
0x4b: {  	_ =	shalt  }
0x4c: {  	_ =	shalt  }
0x4d: {  	_ =	shalt  }
0x4e: {  	_ =	shalt  }
0x4f: {  	_ =	shalt  }
0x50: {  	_ =	shalt  }
0x51: {  	_ =	shalt  }
0x52: {  	_ =	shalt  }
0x53: {  	_ =	shalt  }
0x54: {  	_ =	shalt  }
0x55: {  	_ =	shalt  }
0x56: {  	_ =	shalt  }
0x57: {  	_ =	shalt  }
0x58: {  	_ =	shalt  }
0x59: {  	_ =	shalt  }
0x5a: {  	_ =	shalt  }
0x5b: {  	_ =	shalt  }
0x5c: {  	_ =	shalt  }
0x5d: {  	_ =	shalt  }
0x5e: {  	_ =	shalt  }
0x5f: {  	_ =	shalt  }
0x60: {  	_ =	shalt  }
0x61: {  	_ =	shalt  }
0x62: {  	_ =	shalt  }
0x63: {  	_ =	shalt  }
0x64: {  	_ =	shalt  }
0x65: {  	_ =	shalt  }
0x66: {  	_ =	shalt  }
0x67: {  	_ =	shalt  }
0x68: {  	_ =	shalt  }
0x69: {  	_ =	shalt  }
0x6a: {  	_ =	shalt  }
0x6b: {  	_ =	shalt  }
0x6c: {  	_ =	shalt  }
0x6d: {  	_ =	shalt  }
0x6e: {  	_ =	shalt  }
0x6f: {  	_ =	shalt  }
0x70: {  	_ =	shalt  }
0x71: {  	_ =	shalt  }
0x72: {  	_ =	shalt  }
0x73: {  	_ =	shalt  }
0x74: {  	_ =	shalt  }
0x75: {  	_ =	shalt  }
0x76: {  	_ =	shalt  }
0x77: {  	_ =	shalt  }
0x78: {  	_ =	shalt  }
0x79: {  	_ =	shalt  }
0x7a: {  	_ =	shalt  }
0x7b: {  	_ =	shalt  }
0x7c: {  	_ =	shalt  }
0x7d: {  	_ =	shalt  }
0x7e: {  	_ =	shalt  }
0x7f: {  	_ =	shalt  }
0x80: {  	_ =	shalt  }
0x81: {  	_ =	shalt  }
0x82: {  	_ =	shalt  }
0x83: {  	_ =	shalt  }
0x84: {  	_ =	shalt  }
0x85: {  	_ =	shalt  }
0x86: {  	_ =	shalt  }
0x87: {  	_ =	shalt  }
.Lfunc_end0:
.L_simem_size_0:
called_computation_lowered:
.L_overlay_start_0:
0x88: {  	s2 =	sld [smem:$0x3FD9]  }
0x89: {  	s3 =	sld [smem:$0x3FFE];
	_ =	sdelay $0x1  }
0x8a: {  	s1 =	srdreg.scid  }
0x8b: {  	s0 =	sand.u32 $0x1, s1  }
0x8c: {  	s14 =	sshll.u32 s0, $0xA;
	s2 =	sadd.s32 s3, s2  }
0x8d: {  	s2 =	sadd.s32 s2, s14  }
0x8e: {  	[smem:$0x3FC4] =	sst s2  }
0x8f: {  	_ = 	snop  }
0x90: {  	s2 =	sld [smem:$0x3FD0];
	_ =	sdelay $0x2  }
0x91: {  	s15 =	simm.s32 $0xA;
	s4 =	simm.s32 $0x10  }
0x92: {  	[smem:s4], [sflag:s15] =	dma.local [hbm:s2], $0x1  }
0x93: {  	_ =	swait.eq [sflag:s15], $0x1  }
0x94: {  	[sflag:s15] =	ssyncset.done $0x0  }
0x95: {  	s16 =	sld [smem:$0x12];
	[sflag:s15] =	ssyncadd.s32 $0xFFFFFFFF  }
0x96: {  	s17 =	sld [smem:$0x14];
	(tm) =	ssettm $0x1  }
0x97: {  	s18 =	sld [smem:$0x3FFB];
	_ =	sdelay $0x3  }
0x98: {  	_ =	strace s18  }
0x99: {  	s4 =	sld [smem:$0x3FFC];
	_ =	sdelay $0x3  }
0x9a: {  	_ =	strace s4  }
0x9b: {  	s4 =	sld [smem:$0x3FFD];
	_ =	sdelay $0x3  }
0x9c: {  	_ =	strace s4  }
0x9d: {  	_ =	strace $0x8FFFFFFF  }
0x9e: {  	s19 =	sld [smem:$0x3FDB];
	_ =	sdelay $0x1  }
0x9f: {  	s5 =	simm.s32 $_scs_section_size  }
0xa0: {  	s6 =	simm.s32 $_size__tile_overlayer_lowered;
	s7 =	simm.s32 $_tile_overlayer_lowered  }
0xa1: {  	s22 =	simm.s32 $0x1BFF;
	s21 =	sshll.u32 s7, $0x1;
	s4 =	sadd.s32 s5, s19  }
0xa2: {  	s8 =	simm.s32 $0x0;
	s20 =	sshll.u32 s6, $0x1;
	s6 =	sadd.s32 s21, s4  }
0xa3: {  	[timem:s8], [sflag:s22] =	dma.local [hbm:s6], s20  }
0xa4: {  	_ =	swait.ge [sflag:s22], s20  }
0xa5: {  	s5 =	ssub.s32 $0x0, s20;
	[sflag:s22] =	ssyncset.done $0x0  }
0xa6: {  	[sflag:s22] =	ssyncadd.s32 s5;
	_ =	sdelay $0x1  }
0xa7: {  	s23 =	simm.s32 $0x1B8B  }
0xa8: {  	_ =	swait.ge [sflag:s23], $0x1  }
0xa9: {  	[sflag:s23] =	ssyncset.done $0x0  }
0xaa: {  	s25 =	simm.s32 $0x1B8E;
	s24 =	sld [smem:$0x3FFE];
	[sflag:s23] =	ssyncadd.s32 $0xFFFFFFFF  }
0xab: {  	s26 =	simm.s32 $execute0_lowered;
	[smem:$0x3FD2] =	sst s25  }
0xac: {  	s6 =	sshll.u32 s26, $0x1;
	_ =	strace $0x80000046;
	[dreg:$0x1] =	wrdreg $0xFFFFFFFF  }
0xad: {  	s28 =	simm.s32 $_size_execute0_lowered;
	s4 =	sadd.s32 s4, s6;
	[dreg:$0x0] =	wrdreg $0x0  }
0xae: {  	s6 =	sshll.u32 s28, $0x1;
	[dreg:$0x2] =	wrdreg s4  }
0xaf: {  	[dreg:$0x3] =	wrdreg s6  }
0xb0: {  	[dreg:$0x4] =	wrdreg $0xC0  }
0xb1: {  	_ =	task [dreg:s8], $0x5FFFF  }
0xb2: {  	[dreg:$0x1] =	wrdreg $0xFFFFFFFF  }
0xb3: {  	[dreg:$0x0] =	wrdreg $0x60  }
0xb4: {  	[dreg:$0x2] =	wrdreg s24  }
0xb5: {  	[dreg:$0x3] =	wrdreg s16  }
0xb6: {  	[dreg:$0x4] =	wrdreg s17  }
0xb7: {  	[dreg:$0x5] =	wrdreg $0x18C800  }
0xb8: {  	[dreg:$0x6] =	wrdreg $0x18CB80  }
0xb9: {  	[dreg:$0x7] =	wrdreg $0x9  }
0xba: {  	_ =	task.clear_ibuf [dreg:s8], $0x8FFFF;
	_ =	strace $0x90000046  }
0xbb: {  	s29 =	simm.s32 $0x9;
	_ =	strace $0x80000048  }
0xbc: {  	_ =	swait.ge [sflag:s29], $0x1  }
0xbd: {  	[sflag:s29] =	ssyncadd.s32 $0xFFFFFFFF  }
0xbe: {  	_ =	strace $0x90000048  }
0xbf: {  	_ =	sfence  }
0xc0: {  	s30 =	sld [smem:$0x0];
	_ =	sdelay $0x2  }
0xc1: {  	s31 =	sshll.u32 s1, $0xD;
	s1 =	sshrl.u32 s1, $0x2  }
0xc2: {  	s3 =	sand.u32 $0x4000, s31;
	s1 =	sadd.s32 s1, s30  }
0xc3: {  	s0 =	sor.u32 s3, s0;
	s1 =	sshll.u32 s1, $0x11  }
0xc4: {  	s0 =	sor.u32 s1, s0  }
0xc5: {  	s0 =	sadd.s32 $0x8F2B, s0  }
0xc6: {  	[sflag:s0] =	ssyncadd.remote.s32 $0x1  }
0xc7: {  	_ =	sfence.sel $0xFFFF  }
0xc8: {  	[dreg:$0x0] =	wrdreg $0xFFFFFFFF;
	(pc) =	sbr.abs _section_cstart, $3  }
0xc9: {  	[dreg:$0x1] =	wrdreg $0xFFFFFFFF  }
0xca: {  	_ =	task.clear_ibuf [dreg:s8], $0x2FFFF;
	_ =	strace $0x9FFFFFFF  }
0xcb: {  	(tm) =	ssettm $0x7FFFFFFF  }
tec
execute0_lowered:
.L_overlay_start_1:
0x0: {  	(tag) =	ssettag $0x1  }
0x1: {  	s1 =	rddreg [dreg:$0x0]  }
0x2: {  	s6 =	rddreg [dreg:$0x3]  }
0x3: {  	s11 =	rddreg [dreg:$0x4]  }
0x4: {  	s7 =	simm.s32 $0x0;
	s5 =	stileid.u32;
	s19 =	simm.s32 $0x4F00  }
0x5: {  	[smem:$0x7FF] =	sst s7;
	s0 =	smul.u32 $0x9C4, s5;
	s8 =	sadd.s32 $0x1E00, s1  }
0x6: {  	s9 =	sadd.s32 $0x1400, s1;
	s10 =	sadd.s32 $0xA00, s1;
	s2 =	sadd.s32 $0x9600, s1  }
0x7: {  	s20 =	sadd.s32 $0xA000, s1;
	_ =	strace $0x80000047;
	[dreg:$0x6] =	wrdreg s2  }
0x8: {  	s21 =	sadd.s32 $0xAA00, s1;
	s22 =	sadd.s32 $0x8C00, s1;
	[dreg:$0x7] =	wrdreg s20  }
0x9: {  	v0 =	vimm.f32 $-1.000000000e+09;
	v1 =	vlaneseq.u32;
	s23 =	sadd.s32 $0x8200, s1;
	s24 =	sadd.s32 $0x7800, s1;
	[dreg:$0x8] =	wrdreg s21  }
0xa: {  	v2 =	vimm.f32 $2.000000000e+09;
	vm0 =	vcmask $0x704;
	vm1 =	vcmask $0x1F1C;
	s25 =	sadd.s32 $0xB400, s1;
	s30 =	smul.u32 $0x70, s5;
	[dreg:$0x9] =	wrdreg s22  }
0xb: {  	v3 =	vor.u32 $0x80000010, v1;
	v4 =	vor.u32 $0x80000020, v1;
	v5 =	vor.u32 $0x80000030, v1;
	[dreg:$0xa] =	wrdreg s23  }
0xc: {  	s26 =	srdreg.scid;
	s28 =	simm.s32 $0x2;
	v6 =	vor.u32 $0x80000040, v1;
	v7 =	vor.u32 $0x800000F0, v1;
	v8 =	vor.u32 $0x800000E0, v1;
	[dreg:$0xb] =	wrdreg s24  }
0xd: {  	s29 =	simm.s32 $0x1;
	p1 =	slt.u32 s5, $0x8;
	v9 =	vor.u32 $0x800000D0, v1;
	v10 =	vor.u32 $0x800000C0, v1;
	v11 =	vor.u32 $0x800000B0, v1;
	[dreg:$0xc] =	wrdreg s25  }
0xe: {  	v16 =	vimm.s32 $0x0;
	v12 =	vor.u32 $0x800000A0, v1;
	v13 =	vor.u32 $0x80000090, v1;
	s2 =	sand.u32 $0x1, s26;
	s20 =	simm.s32 $0x9D80;
	s21 =	simm.s32 $0xEC00  }
0xf: {  	v14 =	vor.u32 $0x80000080, v1;
	v18 =	vsel vm0, $0x70, v16;
	vm0 =	vcmask $0xB08;
	s25 =	simm.s32 $0x13A80;
	s26 =	simm.s32 $0x3;
	s0 =	sadd.s32 s0, s1  }
0x10: {  	v15 =	vor.u32 $0x80000060, v1;
	v19 =	vsel vm0, $0xE0, v18;
	vm0 =	vcmask $0xF0C;
	s3 =	ssub.s32 $0x2, s2;
	p0 =	seq.s32 s2, $0x0;
	s22 =	sadd.s32 s30, s6  }
.Ltmp0:
0x11: {  	v17 =	vor.u32 $0x80000050, v1;
	s23 =	sadd.s32 s30, s11;
	s31 =	sor.u32 s5, s2;
	v20 =	vsel vm0, $0x150, v19;
	vm0 =	vcmask $0x1310;
	(pc) =	sbr.rel .LBB2_1-.Ltmp0, $4  }
0x12: {  	v18 =	vor.u32 $0x80000070, v1;
	s2 =	simm.s32 $0x70;
	s6 =	simm.s32 $0x0;
	s18 =	sadd.s32 $0x2800, s0;
	v21 =	vsel vm0, $0x1C0, v20;
	vm0 =	vcmask $0x1714  }
0x13: {  	v19 =	vimm.s32 $0xFFFFFFFF;
	s4 =	sshrl.u32 s3, $0x1;
	p0 =	por !p0, !p1;
	p1 =	sne.s32 s31, $0x0;
	v22 =	vsel vm0, $0x230, v21;
	vm0 =	vcmask $0x1B18  }
0x14: {  	s0 =	simm.s32 $0x18CF0;
	v20 =	vor.u32 $0x80000000, v1;
	s3 =	ssub.s32 s3, s4;
	p0 =	por !p0, !p0;
	v21 =	vimm.f32 $0.0e+00;
	v23 =	vsel vm0, $0x2A0, v22  }
0x15: {  	s4 =	simm.s32 $0x19070;
	s24 =	smax.u32 s3, $0x1;
	s3 =	simm.s32 $0x194F0;
	vm0 =	vmxor vm0, vm0;
	v22 =	vimm.f32 $-1.000000000e+00;
	v23 =	vsel vm1, $0x310, v23  }
.LBB2_6:
0x16: {  	s5 =	simm.s32 $0x18B80  }
0x17: {  	[spmem:s22] =	stream.linear.scatter [tilespmem:s5], [sflag:$0x3], $0x70, $0x38;
	[tilespmem:$0x199F0] =	vst v63  }
0x18: {  	_ =	swait.ge [sflag:s26], $0x70  }
0x19: {  	[sflag:s26] =	ssyncset.done $0x0  }
0x1a: {  	s31 =	simm.s32 $0x18C00;
	[sflag:s26] =	ssyncadd.s32 $0xFFFFFF90  }
0x1b: {  	[spmem:s23] =	stream.linear.scatter [tilespmem:s31], [sflag:$0x3], $0x70, $0x38;
	[tilespmem:$0x199F0] =	vst v63  }
0x1c: {  	_ =	swait.ge [sflag:s26], $0x70  }
0x1d: {  	[sflag:s26] =	ssyncset.done $0x0  }
0x1e: {  	[sflag:s26] =	ssyncadd.s32 $0xFFFFFF90  }
.LBB2_7:
.Ltmp1:
0x1f: {  	(pc) =	sbr.rel @!p1 .LBB2_8-.Ltmp1, $2  }
0x20: {  	_ =	sdelay $0x1  }
0x21: {  	[bflag:$0x0] =	sbarrier.arrive $0xFFFF;
	_ =	sdelay $0x1  }
.LBB2_13:
0x22: {  	s6 =	sadd.s32 $0x1, s6  }
0x23: {  	p2 =	sne.s32 s6, s24  }
.Ltmp2:
0x24: {  	_ = 	snop;
	(pc) =	sbr.rel @!p2 .LBB2_14-.Ltmp2, $1  }
0x25: {  	_ =	sdelay $0x3  }
.LBB2_1:
.Ltmp3:
0x26: {  	(pc) =	sbr.rel @!p0 .LBB2_7-.Ltmp3, $1  }
0x27: {  	_ =	sdelay $0x3  }
0x28: {  	s11 =	simm.s32 $0x0  }
0x29: {  	[tilespmem:s19], [sflag:$0x2] =	stream.linear.gather [hbm4b:s8+s11], $0x4E80, $0x38;
	[tilespmem:$0x199F0] =	vst v63  }
0x2a: {  	_ = 	snop  }
0x2b: {  	[tilespmem:s20], [sflag:$0x2] =	stream.linear.gather [hbm4b:s9+s11], $0x4E80, $0x38;
	[tilespmem:$0x199F0] =	vst v63  }
0x2c: {  	_ = 	snop  }
0x2d: {  	[tilespmem:s21], [sflag:$0x2] =	stream.linear.gather [hbm4b:s10+s11], $0x4E80, $0x38;
	[tilespmem:$0x199F0] =	vst v63  }
0x2e: {  	_ = 	snop  }
0x2f: {  	[tilespmem:s25], [sflag:$0x2] =	stream.linear.gather [hbm4b:s1+s11], $0x4E80, $0x38;
	[tilespmem:$0x199F0] =	vst v63  }
0x30: {  	_ = 	snop  }
0x31: {  	[tilespmem:s11], [sflag:$0x3] =	stream.linear.gather [hbm4b:s18+s11], $0x4E20, $0x38;
	[tilespmem:$0x199F0] =	vst v63  }
0x32: {  	_ =	swait.ge [sflag:s26], $0x4E20  }
0x33: {  	[sflag:s26] =	ssyncset.done $0x0  }
0x34: {  	[sflag:s26] =	ssyncadd.s32 $0xFFFFB1E0  }
0x35: {  	[tilespmem:$0x4E20] =	vst v0  }
0x36: {  	[tilespmem:$0x4E30] =	vst v0  }
0x37: {  	[tilespmem:$0x4E40] =	vst v0  }
0x38: {  	[tilespmem:$0x4E50] =	vst v0  }
0x39: {  	[tilespmem:$0x4E60] =	vst v0  }
0x3a: {  	[tilespmem:$0x4E70] =	vst v0  }
0x3b: {  	[tilespmem:$0x4E80] =	vst v0  }
0x3c: {  	[tilespmem:$0x4E90] =	vst v0  }
0x3d: {  	[tilespmem:$0x4EA0] =	vst v0  }
0x3e: {  	[tilespmem:$0x4EB0] =	vst v0  }
0x3f: {  	[tilespmem:$0x4EC0] =	vst v0  }
0x40: {  	[tilespmem:$0x4ED0] =	vst v0  }
0x41: {  	[tilespmem:$0x4EE0] =	vst v0  }
0x42: {  	[tilespmem:$0x4EF0] =	vst v0  }
0x43: {  	s30 =	simm.s32 $0x80;
	[tilespmem:$0x18940] =	vst v0  }
0x44: {  	v24 =	vld [tilespmem:s30+$0xFFFFFF80]  }
0x45: {  	v25 =	vld [tilespmem:s30+$0xFFFFFF90]  }
0x46: {  	v26 =	vld [tilespmem:s30+$0xFFFFFFA0]  }
0x47: {  	v27 =	vld [tilespmem:s30+$0xFFFFFFB0]  }
0x48: {  	v28 =	vld [tilespmem:s30+$0xFFFFFFC0]  }
0x49: {  	v29 =	vld [tilespmem:s30+$0xFFFFFFD0];
	vm1 =	vge.f32 v24, $9.999999770e-03  }
0x4a: {  	v30 =	vld [tilespmem:s30+$0xFFFFFFE0];
	v24 =	vnsel vm1, $0xCE6E6B28, v24;
	vm1 =	vge.f32 v25, $9.999999770e-03  }
0x4b: {  	v32 =	vld [tilespmem:s30+$0xFFFFFFF0];
	v31 =	vmax.f32 v24, $-1.000000000e+09;
	v25 =	vnsel vm1, $0xCE6E6B28, v25;
	vm1 =	vge.f32 v26, $9.999999770e-03  }
0x4c: {  	v33 =	vld [tilespmem:s30+$0x0];
	v31 =	vmax.f32 v31, v25;
	v26 =	vnsel vm1, $0xCE6E6B28, v26;
	vm1 =	vge.f32 v27, $9.999999770e-03  }
0x4d: {  	v34 =	vld [tilespmem:s30+$0x10];
	v31 =	vmax.f32 v31, v26;
	v27 =	vnsel vm1, $0xCE6E6B28, v27;
	vm1 =	vge.f32 v28, $9.999999770e-03  }
0x4e: {  	v35 =	vld [tilespmem:s30+$0x20];
	v31 =	vmax.f32 v31, v27;
	v28 =	vnsel vm1, $0xCE6E6B28, v28;
	vm1 =	vge.f32 v29, $9.999999770e-03  }
0x4f: {  	v56 =	vld [tilespmem:s30+$0x30];
	[tilespmem:s30+$0xFFFFFF80] =	vst v24;
	v24 =	vmax.f32 v31, v28;
	v29 =	vnsel vm1, $0xCE6E6B28, v29;
	vm1 =	vge.f32 v30, $9.999999770e-03  }
0x50: {  	v58 =	vld [tilespmem:s30+$0x40];
	[tilespmem:s30+$0xFFFFFF90] =	vst v25;
	v24 =	vmax.f32 v24, v29;
	v57 =	vnsel vm1, $0xCE6E6B28, v30;
	vm1 =	vge.f32 v32, $9.999999770e-03  }
0x51: {  	v59 =	vld [tilespmem:s30+$0x50];
	[tilespmem:s30+$0xFFFFFFA0] =	vst v26;
	v24 =	vmax.f32 v24, v57;
	v25 =	vnsel vm1, $0xCE6E6B28, v32;
	vm1 =	vge.f32 v33, $9.999999770e-03  }
0x52: {  	v60 =	vld [tilespmem:s30+$0x60];
	[tilespmem:s30+$0xFFFFFFB0] =	vst v27;
	v24 =	vmax.f32 v24, v25;
	v26 =	vnsel vm1, $0xCE6E6B28, v33;
	vm1 =	vge.f32 v34, $9.999999770e-03  }
0x53: {  	v61 =	vld [tilespmem:s30+$0x70];
	[tilespmem:s30+$0xFFFFFFC0] =	vst v28;
	v24 =	vmax.f32 v24, v26;
	v27 =	vnsel vm1, $0xCE6E6B28, v34;
	vm1 =	vge.f32 v35, $9.999999770e-03  }
0x54: {  	[tilespmem:s30+$0xFFFFFFD0] =	vst v29;
	v24 =	vmax.f32 v24, v27;
	v62 =	vnsel vm1, $0xCE6E6B28, v35;
	vm1 =	vge.f32 v56, $9.999999770e-03  }
0x55: {  	[tilespmem:s30+$0xFFFFFFE0] =	vst v57;
	v24 =	vmax.f32 v24, v62;
	v63 =	vnsel vm1, $0xCE6E6B28, v56;
	vm1 =	vge.f32 v58, $9.999999770e-03  }
0x56: {  	[tilespmem:s30+$0x0] =	vst v26;
	v24 =	vmax.f32 v24, v63;
	v26 =	vnsel vm1, $0xCE6E6B28, v58;
	vm1 =	vge.f32 v59, $9.999999770e-03  }
0x57: {  	[tilespmem:s30+$0x10] =	vst v27;
	v24 =	vmax.f32 v24, v26;
	v27 =	vnsel vm1, $0xCE6E6B28, v59;
	vm1 =	vge.f32 v60, $9.999999770e-03  }
0x58: {  	[tilespmem:s30+$0x40] =	vst v26;
	v24 =	vmax.f32 v24, v27;
	v26 =	vnsel vm1, $0xCE6E6B28, v60;
	vm1 =	vge.f32 v61, $9.999999770e-03  }
0x59: {  	[tilespmem:s30+$0x60] =	vst v26;
	v24 =	vmax.f32 v24, v26;
	v26 =	vnsel vm1, $0xCE6E6B28, v61  }
0x5a: {  	[tilespmem:s30+$0xFFFFFFF0] =	vst v25;
	v24 =	vmax.f32 v24, v26  }
0x5b: {  	[tilespmem:s30+$0x20] =	vst v62;
	(xrf0) =	vmax.scan.msk.f32 $0xffff, v24  }
0x5c: {  	[tilespmem:s30+$0x30] =	vst v63  }
0x5d: {  	[tilespmem:s30+$0x50] =	vst v27  }
0x5e: {  	s13 =	sand.u32 $0x70, s11;
	[tilespmem:s30+$0x70] =	vst v26  }
0x5f: {  	v24 =	vld [tilespmem:s13+$0x18900];
	_ =	sdelay $0x1  }
0x60: {  	s11 =	sand.u32 $0xF, s11;
	v25, _, _ =	vpop (xrf0)  }
0x61: {  	v26 =	vmov s11;
	v25 =	vbroadcast v25, $0xF  }
0x62: {  	vm1 =	veq.s32 v26, v1  }
0x63: {  	s11 =	simm.s32 $0x1;
	v24 =	vsel vm1, v25, v24  }
.LBB2_3:
0x64: {  	p2 =	sne.s32 s11, $0x4E  }
0x65: {  	[tilespmem:s13+$0x18900] =	vst v24;
	s30 =	sadd.s32 $0x100, s30;
	s12 =	smov.u32 s11;
	s11 =	sadd.s32 $0x1, s11  }
0x66: {  	v24 =	vld [tilespmem:s30+$0xFFFFFF80]  }
0x67: {  	v25 =	vld [tilespmem:s30+$0xFFFFFF90]  }
0x68: {  	v26 =	vld [tilespmem:s30+$0xFFFFFFA0]  }
0x69: {  	v27 =	vld [tilespmem:s30+$0xFFFFFFB0]  }
0x6a: {  	v28 =	vld [tilespmem:s30+$0xFFFFFFC0]  }
0x6b: {  	vm1 =	vge.f32 v24, $9.999999770e-03;
	v29 =	vld [tilespmem:s30+$0xFFFFFFD0]  }
0x6c: {  	v24 =	vnsel vm1, $0xCE6E6B28, v24;
	vm1 =	vge.f32 v25, $9.999999770e-03;
	v30 =	vld [tilespmem:s30+$0xFFFFFFE0]  }
0x6d: {  	v31 =	vmax.f32 v24, $-1.000000000e+09;
	v25 =	vnsel vm1, $0xCE6E6B28, v25;
	vm1 =	vge.f32 v26, $9.999999770e-03;
	v32 =	vld [tilespmem:s30+$0xFFFFFFF0]  }
0x6e: {  	v31 =	vmax.f32 v31, v25;
	v26 =	vnsel vm1, $0xCE6E6B28, v26;
	vm1 =	vge.f32 v27, $9.999999770e-03;
	v33 =	vld [tilespmem:s30+$0x0]  }
0x6f: {  	v31 =	vmax.f32 v31, v26;
	v27 =	vnsel vm1, $0xCE6E6B28, v27;
	vm1 =	vge.f32 v28, $9.999999770e-03;
	v34 =	vld [tilespmem:s30+$0x10]  }
0x70: {  	v31 =	vmax.f32 v31, v27;
	v28 =	vnsel vm1, $0xCE6E6B28, v28;
	vm1 =	vge.f32 v29, $9.999999770e-03;
	v35 =	vld [tilespmem:s30+$0x20]  }
0x71: {  	[tilespmem:s30+$0xFFFFFF80] =	vst v24;
	v24 =	vmax.f32 v31, v28;
	v29 =	vnsel vm1, $0xCE6E6B28, v29;
	vm1 =	vge.f32 v30, $9.999999770e-03;
	v31 =	vld [tilespmem:s30+$0x30]  }
0x72: {  	[tilespmem:s30+$0xFFFFFFD0] =	vst v29;
	v24 =	vmax.f32 v24, v29;
	v29 =	vnsel vm1, $0xCE6E6B28, v30;
	vm1 =	vge.f32 v32, $9.999999770e-03;
	v30 =	vld [tilespmem:s30+$0x40]  }
0x73: {  	[tilespmem:s30+$0xFFFFFF90] =	vst v25;
	v24 =	vmax.f32 v24, v29;
	v25 =	vnsel vm1, $0xCE6E6B28, v32;
	vm1 =	vge.f32 v33, $9.999999770e-03;
	v32 =	vld [tilespmem:s30+$0x50]  }
0x74: {  	[tilespmem:s30+$0xFFFFFFA0] =	vst v26;
	v24 =	vmax.f32 v24, v25;
	v26 =	vnsel vm1, $0xCE6E6B28, v33;
	vm1 =	vge.f32 v34, $9.999999770e-03;
	v33 =	vld [tilespmem:s30+$0x60]  }
0x75: {  	[tilespmem:s30+$0xFFFFFFB0] =	vst v27;
	v24 =	vmax.f32 v24, v26;
	v27 =	vnsel vm1, $0xCE6E6B28, v34;
	vm1 =	vge.f32 v35, $9.999999770e-03;
	v34 =	vld [tilespmem:s30+$0x70]  }
0x76: {  	[tilespmem:s30+$0xFFFFFFC0] =	vst v28;
	v24 =	vmax.f32 v24, v27;
	v28 =	vnsel vm1, $0xCE6E6B28, v35;
	vm1 =	vge.f32 v31, $9.999999770e-03  }
0x77: {  	[tilespmem:s30+$0x20] =	vst v28;
	v24 =	vmax.f32 v24, v28;
	v28 =	vnsel vm1, $0xCE6E6B28, v31;
	vm1 =	vge.f32 v30, $9.999999770e-03  }
0x78: {  	[tilespmem:s30+$0x0] =	vst v26;
	v24 =	vmax.f32 v24, v28;
	v26 =	vnsel vm1, $0xCE6E6B28, v30;
	vm1 =	vge.f32 v32, $9.999999770e-03  }
0x79: {  	[tilespmem:s30+$0x10] =	vst v27;
	v24 =	vmax.f32 v24, v26;
	v27 =	vnsel vm1, $0xCE6E6B28, v32;
	vm1 =	vge.f32 v33, $9.999999770e-03  }
0x7a: {  	[tilespmem:s30+$0x40] =	vst v26;
	v24 =	vmax.f32 v24, v27;
	v26 =	vnsel vm1, $0xCE6E6B28, v33;
	vm1 =	vge.f32 v34, $9.999999770e-03  }
0x7b: {  	[tilespmem:s30+$0x60] =	vst v26;
	v24 =	vmax.f32 v24, v26;
	v26 =	vnsel vm1, $0xCE6E6B28, v34  }
0x7c: {  	[tilespmem:s30+$0x70] =	vst v26;
	v24 =	vmax.f32 v24, v26  }
0x7d: {  	[tilespmem:s30+$0x30] =	vst v28;
	(xrf0) =	vmax.scan.msk.f32 $0xffff, v24  }
0x7e: {  	[tilespmem:s30+$0xFFFFFFF0] =	vst v25  }
0x7f: {  	[tilespmem:s30+$0xFFFFFFE0] =	vst v29  }
0x80: {  	s13 =	sand.u32 $0x70, s12;
	[tilespmem:s30+$0x50] =	vst v27  }
0x81: {  	v24 =	vld [tilespmem:s13+$0x18900]  }
.Ltmp4:
0x82: {  	(pc) =	sbr.rel @p2 .LBB2_3-.Ltmp4, $4  }
0x83: {  	s12 =	sand.u32 $0xF, s12;
	v25, _, _ =	vpop (xrf0)  }
0x84: {  	v26 =	vmov s12;
	v25 =	vbroadcast v25, $0xF  }
0x85: {  	vm1 =	veq.s32 v26, v1  }
0x86: {  	v24 =	vsel vm1, v25, v24  }
0x87: {  	[tilespmem:s13+$0x18900] =	vst v24  }
0x88: {  	[tilespmem:$0x18980] =	vst v2  }
0x89: {  	[tilespmem:$0x18A00] =	vst v2  }
0x8a: {  	[tilespmem:$0x18A80] =	vst v2  }
0x8b: {  	[tilespmem:$0x18B00] =	vst v2  }
0x8c: {  	[tilespmem:$0x18B80] =	vst v0  }
0x8d: {  	[tilespmem:$0x18C00] =	vst v19  }
0x8e: {  	[tilespmem:$0x18990] =	vst v2  }
0x8f: {  	[tilespmem:$0x18A10] =	vst v2  }
0x90: {  	[tilespmem:$0x18A90] =	vst v2  }
0x91: {  	[tilespmem:$0x18B10] =	vst v2  }
0x92: {  	[tilespmem:$0x18B90] =	vst v0  }
0x93: {  	[tilespmem:$0x18C10] =	vst v19  }
0x94: {  	[tilespmem:$0x189A0] =	vst v2  }
0x95: {  	[tilespmem:$0x18A20] =	vst v2  }
0x96: {  	[tilespmem:$0x18AA0] =	vst v2  }
0x97: {  	[tilespmem:$0x18B20] =	vst v2  }
0x98: {  	[tilespmem:$0x18BA0] =	vst v0  }
0x99: {  	[tilespmem:$0x18C20] =	vst v19  }
0x9a: {  	[tilespmem:$0x189B0] =	vst v2  }
0x9b: {  	[tilespmem:$0x18A30] =	vst v2  }
0x9c: {  	[tilespmem:$0x18AB0] =	vst v2  }
0x9d: {  	[tilespmem:$0x18B30] =	vst v2  }
0x9e: {  	[tilespmem:$0x18BB0] =	vst v0  }
0x9f: {  	[tilespmem:$0x18C30] =	vst v19  }
0xa0: {  	[tilespmem:$0x189C0] =	vst v2  }
0xa1: {  	[tilespmem:$0x18A40] =	vst v2  }
0xa2: {  	[tilespmem:$0x18AC0] =	vst v2  }
0xa3: {  	[tilespmem:$0x18B40] =	vst v2  }
0xa4: {  	[tilespmem:$0x18BC0] =	vst v0  }
0xa5: {  	[tilespmem:$0x18C40] =	vst v19  }
0xa6: {  	[tilespmem:$0x189D0] =	vst v2  }
0xa7: {  	[tilespmem:$0x18A50] =	vst v2  }
0xa8: {  	[tilespmem:$0x18AD0] =	vst v2  }
0xa9: {  	[tilespmem:$0x18B50] =	vst v2  }
0xaa: {  	[tilespmem:$0x18BD0] =	vst v0  }
0xab: {  	[tilespmem:$0x18C50] =	vst v19  }
0xac: {  	[tilespmem:$0x189E0] =	vst v2  }
0xad: {  	[tilespmem:$0x18A60] =	vst v2  }
0xae: {  	[tilespmem:$0x18AE0] =	vst v2  }
0xaf: {  	[tilespmem:$0x18B60] =	vst v2  }
0xb0: {  	[tilespmem:$0x18BE0] =	vst v0  }
0xb1: {  	[tilespmem:$0x18C60] =	vst v19  }
0xb2: {  	_ =	swait.ge [sflag:s28], $0x4E80  }
0xb3: {  	[sflag:s28] =	ssyncset.done $0x0  }
0xb4: {  	[sflag:s28] =	ssyncadd.s32 $0xFFFFB180  }
0xb5: {  	_ =	swait.ge [sflag:s28], $0x4E80  }
0xb6: {  	[sflag:s28] =	ssyncset.done $0x0  }
0xb7: {  	[sflag:s28] =	ssyncadd.s32 $0xFFFFB180  }
0xb8: {  	_ =	swait.ge [sflag:s28], $0x4E80  }
0xb9: {  	[sflag:s28] =	ssyncset.done $0x0  }
0xba: {  	[sflag:s28] =	ssyncadd.s32 $0xFFFFB180  }
0xbb: {  	_ =	swait.ge [sflag:s28], $0x4E80  }
0xbc: {  	[sflag:s28] =	ssyncset.done $0x0  }
0xbd: {  	s30 =	simm.s32 $0x0;
	[sflag:s28] =	ssyncadd.s32 $0xFFFFB180  }
.LBB2_5:
0xbe: {  	v25 =	vld [tilespmem:$0x18900]  }
0xbf: {  	v26 =	vld [tilespmem:$0x18910]  }
0xc0: {  	v27 =	vld [tilespmem:$0x18920]  }
0xc1: {  	v28 =	vld [tilespmem:$0x18930]  }
0xc2: {  	v29 =	vld [tilespmem:$0x18940]  }
0xc3: {  	v24 =	vmax.f32 v25, $-1.000000000e+09  }
0xc4: {  	v24 =	vmax.f32 v24, v26  }
0xc5: {  	v24 =	vmax.f32 v24, v27  }
0xc6: {  	v24 =	vmax.f32 v24, v28  }
0xc7: {  	v24 =	vmax.f32 v24, v29  }
0xc8: {  	(xrf0) =	vmax.scan.msk.f32 $0xffff, v24;
	_ =	sdelay $0x5  }
0xc9: {  	v30, _, _ =	vpop (xrf0)  }
0xca: {  	v24 =	vbroadcast v30, $0xF;
	_ =	sdelay $0x1  }
0xcb: {  	vm1 =	veq.f32 v25, v24  }
0xcc: {  	v25 =	vnsel vm1, $0xC0000000, v20;
	vm1 =	veq.f32 v26, v24  }
0xcd: {  	(xrf0) =	vmin.scan.msk.u32 $0xffff, v25;
	v39 =	vnsel vm1, $0xC0000000, v3  }
0xce: {  	vm1 =	veq.f32 v27, v24;
	(xrf0) =	vmin.scan.msk.u32 $0xffff, v39  }
0xcf: {  	v40 =	vnsel vm1, $0xC0000000, v4  }
0xd0: {  	vm1 =	veq.f32 v28, v24;
	(xrf0) =	vmin.scan.msk.u32 $0xffff, v40  }
0xd1: {  	v41 =	vnsel vm1, $0xC0000000, v5  }
0xd2: {  	vm1 =	veq.f32 v29, v24;
	(xrf0) =	vmin.scan.msk.u32 $0xffff, v41  }
0xd3: {  	(v2sf) =	vpush v30, $0xF;
	v43 =	vnsel vm1, $0xC0000000, v6;
	v42, _, _ =	vpop (xrf0)  }
0xd4: {  	(xrf0) =	vmin.scan.msk.u32 $0xffff, v43;
	(v2sf) =	vpush v42, $0xF;
	v44, _, _ =	vpop (xrf0)  }
0xd5: {  	(v2sf) =	vpush v44, $0xF  }
0xd6: {  	v45, _, _ =	vpop (xrf0)  }
0xd7: {  	(v2sf) =	vpush v45, $0xF  }
0xd8: {  	v46, _, _ =	vpop (xrf0)  }
0xd9: {  	(v2sf) =	vpush v46, $0xF  }
0xda: {  	v47, _, _ =	vpop (xrf0)  }
0xdb: {  	(v2sf) =	vpush v47, $0xF;
	_ =	sdelay $0x6  }
0xdc: {  	s31 =	spop (v2sf)  }
0xdd: {  	s11 =	spop (v2sf)  }
0xde: {  	s12 =	spop (v2sf)  }
0xdf: {  	s11 =	sxor.u32 $0x80000000, s11;
	s12 =	sxor.u32 $0x80000000, s12  }
0xe0: {  	s13 =	spop (v2sf);
	p2 =	slt.s32 s11, s12  }
0xe1: {  	s12 =	smov.u32 @p2 s11;
	s11 =	sxor.u32 $0x80000000, s13  }
0xe2: {  	s14 =	spop (v2sf);
	p2 =	slt.s32 s12, s11  }
0xe3: {  	s11 =	smov.u32 @p2 s12;
	s12 =	sxor.u32 $0x80000000, s14  }
0xe4: {  	s15 =	spop (v2sf);
	p2 =	slt.s32 s11, s12  }
0xe5: {  	s12 =	smov.u32 @p2 s11;
	s11 =	sxor.u32 $0x80000000, s15  }
0xe6: {  	p2 =	slt.s32 s12, s11  }
0xe7: {  	s11 =	smov.u32 @p2 s12  }
0xe8: {  	p2 =	slt.s32 s11, $0x4E;
	s12 =	smov.u32 s11  }
0xe9: {  	s12 =	simm.s32 @!p2 $0x4E  }
0xea: {  	s16 =	sshll.u32 s12, $0xA  }
0xeb: {  	s13 =	sshra.s32 s16, $0x2  }
0xec: {  	v48 =	vld [tilespmem:s13+$0xF0]  }
0xed: {  	v49 =	vld [tilespmem:s13+$0xE0]  }
0xee: {  	v50 =	vld [tilespmem:s13+$0xD0]  }
0xef: {  	v51 =	vld [tilespmem:s13+$0xC0]  }
0xf0: {  	v52 =	vld [tilespmem:s13+$0xB0]  }
0xf1: {  	v53 =	vld [tilespmem:s13+$0xA0];
	vm1 =	veq.f32 v48, v24  }
0xf2: {  	v54 =	vld [tilespmem:s13+$0x90];
	vm2 =	veq.f32 v49, v24;
	v55 =	vnsel vm1, $0xC0000000, v7  }
0xf3: {  	v31 =	vld [tilespmem:s13+$0x80];
	vm1 =	veq.f32 v50, v24;
	v26 =	vsel vm2, v8, v55  }
0xf4: {  	v56 =	vld [tilespmem:s13+$0x70];
	vm2 =	veq.f32 v51, v24;
	v26 =	vsel vm1, v9, v26  }
0xf5: {  	v57 =	vld [tilespmem:s13+$0x60];
	vm1 =	veq.f32 v52, v24;
	v26 =	vsel vm2, v10, v26  }
0xf6: {  	v58 =	vld [tilespmem:s13+$0x50];
	vm2 =	veq.f32 v53, v24;
	v26 =	vsel vm1, v11, v26  }
0xf7: {  	v59 =	vld [tilespmem:s13+$0x40];
	vm1 =	veq.f32 v54, v24;
	v60 =	vsel vm2, v12, v26  }
0xf8: {  	v61 =	vld [tilespmem:s13+$0x30];
	vm2 =	veq.f32 v31, v24;
	v25 =	vsel vm1, v13, v60  }
0xf9: {  	v62 =	vld [tilespmem:s13+$0x20];
	vm1 =	veq.f32 v56, v24;
	v25 =	vsel vm2, v14, v25  }
0xfa: {  	v63 =	vld [tilespmem:s13+$0x10];
	vm2 =	veq.f32 v57, v24;
	v25 =	vsel vm1, v18, v25  }
0xfb: {  	v32 =	vld [tilespmem:s13+$0x0];
	vm1 =	veq.f32 v58, v24;
	v25 =	vsel vm2, v15, v25  }
0xfc: {  	vm2 =	veq.f32 v59, v24;
	v25 =	vsel vm1, v17, v25  }
0xfd: {  	vm1 =	veq.f32 v61, v24;
	v25 =	vsel vm2, v6, v25  }
0xfe: {  	vm2 =	veq.f32 v62, v24;
	v25 =	vsel vm1, v5, v25  }
0xff: {  	vm1 =	veq.f32 v63, v24;
	v25 =	vsel vm2, v4, v25  }
0x100: {  	vm2 =	veq.f32 v32, v24;
	v25 =	vsel vm1, v3, v25  }
0x101: {  	v25 =	vsel vm2, v20, v25  }
0x102: {  	(xrf0) =	vmin.scan.msk.u32 $0xffff, v25;
	_ =	sdelay $0x5  }
0x103: {  	v25, _, _ =	vpop (xrf0)  }
0x104: {  	(v2sf) =	vpush v25, $0xF;
	_ =	sdelay $0xe  }
0x105: {  	s15 =	spop (v2sf)  }
0x106: {  	s14 =	sxor.u32 $0x80000000, s15  }
0x107: {  	p2 =	slt.s32 s14, $0xFF  }
0x108: {  	p3 =	slt.s32 s14, $0x1;
	s14 =	simm.s32 @!p2 $0xFF  }
0x109: {  	p5 =	sgt.s32 s15, $0xFFFFFFFF;
	s17 =	sand.u32 $0xF, s14  }
0x10a: {  	p2 =	por p5, p3;
	s16 =	sshra.s32 s14, $0x1F;
	p6 =	sne.s32 s17, $0x0  }
0x10b: {  	s5 =	sshrl.u32 s16, $0x1C;
	p2 =	por !p2, !p6  }
0x10c: {  	s16 =	simm.s32 $0x1;
	s15 =	sadd.s32 s5, s14;
	p2 =	por !p2, !p2  }
0x10d: {  	s15 =	sshrl.u32 s15, $0x4;
	s16 =	simm.s32 @!p2 $0x0  }
0x10e: {  	s15 =	ssub.s32 s15, s16  }
0x10f: {  	s16 =	sshll.u32 s12, $0x8;
	s15 =	sshll.u32 s15, $0x4  }
0x110: {  	s17 =	sadd.s32 s16, s15  }
0x111: {  	s5 =	sand.u32 $0x70, s15;
	s17 =	sand.u32 $0xFFFFFF80, s17  }
0x112: {  	s5 =	sor.u32 s5, s17  }
0x113: {  	v33 =	vld [tilespmem:s5+$0x0];
	_ =	sdelay $0x1  }
0x114: {  	s15 =	ssub.s32 s14, s15  }
0x115: {  	v34 =	vmov s15  }
0x116: {  	vm1 =	veq.s32 v34, v1  }
0x117: {  	v25 =	vsel vm1, $0xCE6E6B28, v33  }
0x118: {  	[tilespmem:s5+$0x0] =	vst v25  }
0x119: {  	v25 =	vld [tilespmem:s13+$0x0]  }
0x11a: {  	v35 =	vld [tilespmem:s13+$0x10]  }
0x11b: {  	v36 =	vld [tilespmem:s13+$0x20]  }
0x11c: {  	v37 =	vld [tilespmem:s13+$0x30]  }
0x11d: {  	v38 =	vld [tilespmem:s13+$0x40]  }
0x11e: {  	v39 =	vld [tilespmem:s13+$0x50];
	v25 =	vmax.f32 v25, $-1.000000000e+09  }
0x11f: {  	v40 =	vld [tilespmem:s13+$0x60];
	v25 =	vmax.f32 v25, v35  }
0x120: {  	v41 =	vld [tilespmem:s13+$0x70];
	v25 =	vmax.f32 v25, v36  }
0x121: {  	v42 =	vld [tilespmem:s13+$0x80];
	v25 =	vmax.f32 v25, v37  }
0x122: {  	v43 =	vld [tilespmem:s13+$0x90];
	v25 =	vmax.f32 v25, v38  }
0x123: {  	v44 =	vld [tilespmem:s13+$0xA0];
	v25 =	vmax.f32 v25, v39  }
0x124: {  	v45 =	vld [tilespmem:s13+$0xB0];
	v25 =	vmax.f32 v25, v40  }
0x125: {  	v46 =	vld [tilespmem:s13+$0xC0];
	v25 =	vmax.f32 v25, v41  }
0x126: {  	v47 =	vld [tilespmem:s13+$0xD0];
	v25 =	vmax.f32 v25, v42  }
0x127: {  	v48 =	vld [tilespmem:s13+$0xE0];
	v25 =	vmax.f32 v25, v43  }
0x128: {  	v49 =	vld [tilespmem:s13+$0xF0];
	v25 =	vmax.f32 v25, v44  }
0x129: {  	v25 =	vmax.f32 v25, v45  }
0x12a: {  	v25 =	vmax.f32 v25, v46  }
0x12b: {  	s15 =	sand.u32 $0xF, s12;
	v25 =	vmax.f32 v25, v47  }
0x12c: {  	p3 =	slt.s32 s11, $0x1;
	s17 =	sshra.s32 s12, $0x1F;
	p4 =	sne.s32 s15, $0x0;
	v25 =	vmax.f32 v25, v48  }
0x12d: {  	p2 =	por !p3, !p4;
	s13 =	sshrl.u32 s17, $0x1C;
	v25 =	vmax.f32 v25, v49  }
0x12e: {  	s11 =	simm.s32 $0x1;
	p2 =	por !p2, !p2;
	s5 =	sadd.s32 s13, s12;
	(xrf0) =	vmax.scan.msk.f32 $0xffff, v25  }
0x12f: {  	s11 =	simm.s32 @!p2 $0x0;
	s5 =	sshrl.u32 s5, $0x4  }
0x130: {  	s5 =	ssub.s32 s5, s11  }
0x131: {  	s5 =	sshll.u32 s5, $0x4  }
0x132: {  	v50 =	vld [tilespmem:s5+$0x18900]  }
0x133: {  	s14 =	sadd.s32 s16, s14  }
0x134: {  	v52 =	vmov s14;
	s12 =	ssub.s32 s12, s5;
	v51, _, _ =	vpop (xrf0)  }
0x135: {  	v53 =	vmov s12;
	v26 =	vbroadcast v51, $0xF  }
0x136: {  	vm1 =	veq.s32 v53, v1  }
0x137: {  	v25 =	vsel vm1, v26, v50  }
0x138: {  	[tilespmem:s5+$0x18900] =	vst v25  }
0x139: {  	v28 =	vld.idx.msk [tilespmem:v52+s19+$0x0], $0xffff  }
0x13a: {  	v27 =	vld.idx.msk [tilespmem:v52+s20+$0x0], $0xffff  }
0x13b: {  	v26 =	vld.idx.msk [tilespmem:v52+s21+$0x0], $0xffff  }
0x13c: {  	v25 =	vld.idx.msk [tilespmem:v52+s25+$0x0], $0xffff  }
0x13d: {  	v54 =	vld [tilespmem:$0x18980]  }
0x13e: {  	v55 =	vld [tilespmem:$0x18A00]  }
0x13f: {  	v56 =	vld [tilespmem:$0x18A80]  }
0x140: {  	v32 =	vld [tilespmem:$0x18B00]  }
0x141: {  	v57 =	vld [tilespmem:$0x18990]  }
0x142: {  	v60 =	vld [tilespmem:$0x18A10]  }
0x143: {  	v61 =	vld [tilespmem:$0x18A90]  }
0x144: {  	v63 =	vld [tilespmem:$0x18B10]  }
0x145: {  	v48 =	vld [tilespmem:$0x189A0]  }
0x146: {  	v49 =	vld [tilespmem:$0x18A20]  }
0x147: {  	v50 =	vld [tilespmem:$0x18AA0]  }
0x148: {  	v44 =	vld [tilespmem:$0x18A30];
	v33 =	vsub.f32 v26, v28  }
0x149: {  	v53 =	vld [tilespmem:$0x18AB0];
	v34 =	vsub.f32 v25, v27;
	v35 =	vmax.f32 v54, v28;
	v36 =	vmax.f32 v55, v27  }
0x14a: {  	v41 =	vld [tilespmem:$0x18B20];
	v37 =	vmin.f32 v56, v26;
	v38 =	vmin.f32 v32, v25;
	v29 =	vsub.f32 v56, v54  }
0x14b: {  	v45 =	vld [tilespmem:$0x18B30];
	v30 =	vsub.f32 v32, v55;
	v39 =	vmax.f32 v57, v28;
	v40 =	vmin.f32 v61, v26  }
0x14c: {  	v46 =	vld [tilespmem:$0x18A40];
	v42 =	vmax.f32 v60, v27;
	v43 =	vmin.f32 v63, v25;
	v56 =	vmax.f32 v48, v28  }
0x14d: {  	v54 =	vmax.f32 v44, v27;
	v58 =	vsub.f32 v37, v35;
	v59 =	vsub.f32 v38, v36  }
0x14e: {  	v47 =	vmin.f32 v53, v26;
	v39 =	vsub.f32 v40, v39;
	v52 =	vsub.f32 v43, v42  }
0x14f: {  	v35 =	vsub.f32 v63, v60;
	v37 =	vsub.f32 v41, v49;
	v33 =	vmul.f32 v34, v33  }
0x150: {  	v29 =	vmul.f32 v30, v29;
	v30 =	vsub.f32 v61, v57;
	v57 =	vmin.f32 v50, v26  }
0x151: {  	v34 =	vsub.f32 v50, v48;
	v48 =	vmin.f32 v45, v25;
	v50 =	vmax.f32 v46, v27  }
0x152: {  	v40 =	vld [tilespmem:$0x189B0];
	v32 =	vmax.f32 v58, $0.0e+00;
	v62 =	vmax.f32 v59, $0.0e+00;
	v51 =	vmax.f32 v39, $0.0e+00  }
0x153: {  	v63 =	vld [tilespmem:$0x18B40];
	v39 =	vmax.f32 v52, $0.0e+00;
	v31 =	vsub.f32 v57, v56;
	v58 =	vmax.f32 v49, v27  }
0x154: {  	v36 =	vld [tilespmem:$0x189C0];
	v59 =	vmin.f32 v41, v25;
	v43 =	vsub.f32 v48, v54;
	v57 =	vsub.f32 v45, v44  }
0x155: {  	v61 =	vld [tilespmem:$0x18AC0];
	v32 =	vmul.f32 v62, v32;
	v29 =	vadd.f32 v29, v33;
	v30 =	vmul.f32 v35, v30  }
0x156: {  	v49 =	vld [tilespmem:$0x189D0];
	v60 =	vsub.f32 v59, v58;
	v34 =	vmul.f32 v37, v34;
	v31 =	vmax.f32 v31, $0.0e+00  }
0x157: {  	v48 =	vld [tilespmem:$0x189E0];
	v56 =	vmax.f32 v43, $0.0e+00;
	v29 =	vsub.f32 v29, v32;
	v62 =	vmax.f32 v40, v28  }
0x158: {  	v45 =	vld [tilespmem:$0x18A60];
	v35 =	vmax.f32 v60, $0.0e+00;
	v40 =	vsub.f32 v53, v40;
	v41 =	vsub.f32 v63, v46  }
0x159: {  	v58 =	vmax.f32 v36, v28;
	v30 =	vadd.f32 v30, v33;
	v34 =	vadd.f32 v34, v33  }
0x15a: {  	v42 =	vld [tilespmem:$0x18B50];
	v38 =	vsub.f32 v47, v62;
	v59 =	vmin.f32 v61, v26;
	v36 =	vsub.f32 v61, v36  }
0x15b: {  	v60 =	vld [tilespmem:$0x18AE0];
	v31 =	vmul.f32 v35, v31;
	v29 =	vadd.f32 $9.999999930e-09, v29;
	v44 =	vsub.f32 v59, v58  }
0x15c: {  	v47 =	vld [tilespmem:$0x18A50];
	v61 =	vmax.f32 v49, v28;
	v40 =	vmul.f32 v57, v40;
	v58 =	vmax.f32 v48, v28  }
0x15d: {  	v35 =	vld [tilespmem:$0x18AD0];
	v59 =	vmax.f32 v45, v27;
	v55 =	vmax.f32 v38, $0.0e+00;
	v36 =	vmul.f32 v41, v36  }
0x15e: {  	v34 =	vsub.f32 v34, v31;
	(erf) = vrcp.f32 v29;
	v29 =	vmul.f32 v39, v51  }
0x15f: {  	v51 =	vmin.f32 v63, v25;
	v37 =	vmul.f32 v56, v55;
	v40 =	vadd.f32 v40, v33  }
0x160: {  	v55 =	vmin.f32 v42, v25;
	v38 =	vsub.f32 v51, v50;
	v48 =	vsub.f32 v60, v48  }
0x161: {  	v63 =	vld [tilespmem:$0x18B60];
	v39 =	vmin.f32 v60, v26;
	v36 =	vadd.f32 v36, v33;
	v34 =	vadd.f32 $9.999999930e-09, v34  }
0x162: {  	v62 =	vmin.f32 v35, v26;
	v35 =	vsub.f32 v35, v49;
	v57 =	vsub.f32 v42, v47  }
0x163: {  	v44 =	vmax.f32 v44, $0.0e+00;
	v39 =	vsub.f32 v39, v58;
	v30 =	vsub.f32 v30, v29  }
0x164: {  	v52 =	vmax.f32 v47, v27;
	v40 =	vsub.f32 v40, v37;
	v46 =	vsub.f32 v62, v61  }
0x165: {  	v56 =	vsub.f32 v55, v52;
	v38 =	vmax.f32 v38, $0.0e+00;
	v35 =	vmul.f32 v57, v35  }
0x166: {  	v38 =	vmul.f32 v38, v44;
	v45 =	vsub.f32 v63, v45;
	v60 =	vmin.f32 v63, v25  }
0x167: {  	v30 =	vadd.f32 $9.999999930e-09, v30;
	v39 =	vmax.f32 v39, $0.0e+00;
	v61 =	vsub.f32 v60, v59  }
0x168: {  	v63 =	vmax.f32 v46, $0.0e+00;
	v43 =	vmax.f32 v56, $0.0e+00;
	v62 =	vmul.f32 v45, v48  }
0x169: {  	v35 =	vadd.f32 v35, v33;
	v42 =	vmul.f32 v43, v63;
	v41 =	vmax.f32 v61, $0.0e+00  }
0x16a: {  	v36 =	vsub.f32 v36, v38;
	v33 =	vadd.f32 v62, v33;
	v39 =	vmul.f32 v41, v39  }
0x16b: {  	(erf) = vrcp.f32 v30;
	v35 =	vsub.f32 v35, v42;
	v41 =	vadd.f32 $9.999999930e-09, v40  }
0x16c: {  	(erf) = vrcp.f32 v34;
	v43 =	vadd.f32 $9.999999930e-09, v36;
	v33 =	vsub.f32 v33, v39  }
0x16d: {  	v44 =	vadd.f32 $9.999999930e-09, v35;
	(erf) = vrcp.f32 v41  }
0x16e: {  	(erf) = vrcp.f32 v43;
	v33 =	vadd.f32 $9.999999930e-09, v33  }
0x16f: {  	(erf) = vrcp.f32 v44  }
0x170: {  	(erf) = vrcp.f32 v33;
	_ =	sdelay $0x2  }
0x171: {  	v45 =	vpop (erf)  }
0x172: {  	v46 =	vpop (erf)  }
0x173: {  	v30 =	vmul.f32 v45, v32;
	v47 =	vpop (erf);
	v29 =	vmul.f32 v46, v29  }
0x174: {  	v31 =	vmul.f32 v47, v31;
	v48 =	vpop (erf)  }
0x175: {  	vm1 =	vgt.f32 v30, $5.000000000e-01;
	vm2 =	vgt.f32 v29, $5.000000000e-01;
	v49 =	vpop (erf);
	v50 =	vmul.f32 v48, v37  }
0x176: {  	vm1 =	vmor vm1, vm2;
	vm2 =	vgt.f32 v31, $5.000000000e-01;
	v51 =	vpop (erf);
	v52 =	vmul.f32 v49, v38  }
0x177: {  	vm1 =	vmor vm1, vm2;
	vm2 =	vgt.f32 v50, $5.000000000e-01;
	v53 =	vmul.f32 v51, v42;
	v54 =	vpop (erf)  }
0x178: {  	vm1 =	vmor vm1, vm2;
	vm2 =	vgt.f32 v52, $5.000000000e-01;
	v30 =	vmul.f32 v54, v39  }
0x179: {  	vm1 =	vmor vm1, vm2;
	vm2 =	vgt.f32 v53, $5.000000000e-01  }
0x17a: {  	vm1 =	vmor vm1, vm2;
	vm2 =	vgt.f32 v30, $5.000000000e-01  }
0x17b: {  	vm1 =	vmor vm1, vm2  }
0x17c: {  	v55 =	vsel vm1, $0x3F800000, v21  }
0x17d: {  	(xrf0) =	vmax.scan.msk.f32 $0xffff, v55;
	_ =	sdelay $0x5  }
0x17e: {  	v29, _, _ =	vpop (xrf0)  }
0x17f: {  	(v2sf) =	vpush v29, $0xF;
	_ =	sdelay $0xe  }
0x180: {  	s15 =	spop (v2sf)  }
0x181: {  	p5 =	sgt.f32 s15, $0.0e+00  }
0x182: {  	p6 =	sgt.f32 s31, $-5.000000000e+08  }
0x183: {  	p2 =	por !p5, !p5  }
0x184: {  	s16 =	sand.u32 $0x70, s30;
	p2 =	por !p6, !p2  }
0x185: {  	s12 =	simm.s32 $0x1;
	v56 =	vld [tilespmem:s16+$0x18980];
	p2 =	por !p2, !p2  }
0x186: {  	s17 =	sand.u32 $0xF, s30;
	v57 =	vld [tilespmem:s16+$0x18A00];
	s12 =	simm.s32 @!p2 $0x0  }
0x187: {  	v58 =	vmov s17;
	v59 =	vld [tilespmem:s16+$0x18A80];
	vm1 =	vmmov vm0;
	s30 =	sadd.s32 s12, s30  }
0x188: {  	v60 =	vld [tilespmem:s16+$0x18B00];
	vm2 =	veq.s32 v58, v1;
	vm1 =	vmneg @p2 vm1;
	p2 =	sgt.u32 s30, $0x63  }
0x189: {  	v61 =	vld [tilespmem:s16+$0x18B80];
	vm1 =	vmand vm2, vm1;
	p3 =	sgt.f32 @!p2 s31, $-5.000000000e+08  }
0x18a: {  	v62 =	vld [tilespmem:s16+$0x18C00];
	v28 =	vsel vm1, v28, v56  }
0x18b: {  	v27 =	vsel vm1, v27, v57;
	[tilespmem:s16+$0x18980] =	vst v28;
	p2 =	por p2, !p3  }
.Ltmp5:
0x18c: {  	v24 =	vadd.f32 $0.0e+00, v24;
	v26 =	vsel vm1, v26, v59;
	[tilespmem:s16+$0x18A00] =	vst v27;
	(pc) =	sbr.rel @!p2 .LBB2_5-.Ltmp5, $4  }
0x18d: {  	v25 =	vsel vm1, v25, v60;
	[tilespmem:s16+$0x18A80] =	vst v26  }
0x18e: {  	v24 =	vsel vm1, v24, v61;
	[tilespmem:s16+$0x18B00] =	vst v25  }
0x18f: {  	v63 =	vsel vm1, s14, v62;
	[tilespmem:s16+$0x18B80] =	vst v24  }
0x190: {  	[tilespmem:s16+$0x18C00] =	vst v63  }
.Ltmp6:
0x191: {  	_ = 	snop;
	(pc) =	sbr.rel .LBB2_6-.Ltmp6, $1  }
0x192: {  	_ =	sdelay $0x3  }
.LBB2_8:
0x193: {  	s5 =	rddreg [dreg:$0x3]  }
0x194: {  	[tilespmem:s0], [sflag:$0x3] =	stream.linear.gather [spmem:s5], $0x380, $0x38;
	[tilespmem:$0x199F0] =	vst v63  }
0x195: {  	_ =	swait.ge [sflag:s26], $0x380  }
0x196: {  	[sflag:s26] =	ssyncset.done $0x0  }
0x197: {  	[sflag:s26] =	ssyncadd.s32 $0xFFFFFC80  }
0x198: {  	s14 =	rddreg [dreg:$0x4]  }
0x199: {  	[tilespmem:s4], [sflag:$0x3] =	stream.linear.gather [spmem:s14], $0x380, $0x38;
	[tilespmem:$0x199F0] =	vst v63  }
0x19a: {  	_ =	swait.ge [sflag:s26], $0x380  }
0x19b: {  	[sflag:s26] =	ssyncset.done $0x0  }
0x19c: {  	[sflag:s26] =	ssyncadd.s32 $0xFFFFFC80  }
0x19d: {  	[tilespmem:$0x193F0] =	vst v22  }
0x19e: {  	v24 =	vimm.s32 $0x0;
	[tilespmem:$0x19470] =	vst v19  }
0x19f: {  	[tilespmem:$0x194F0] =	vst v24  }
0x1a0: {  	[tilespmem:$0x19400] =	vst v22  }
0x1a1: {  	[tilespmem:$0x19480] =	vst v19  }
0x1a2: {  	[tilespmem:$0x19500] =	vst v24  }
0x1a3: {  	[tilespmem:$0x19410] =	vst v22  }
0x1a4: {  	[tilespmem:$0x19490] =	vst v19  }
0x1a5: {  	[tilespmem:$0x19510] =	vst v24  }
0x1a6: {  	[tilespmem:$0x19420] =	vst v22  }
0x1a7: {  	[tilespmem:$0x194A0] =	vst v19  }
0x1a8: {  	[tilespmem:$0x19520] =	vst v24  }
0x1a9: {  	[tilespmem:$0x19430] =	vst v22  }
0x1aa: {  	[tilespmem:$0x194B0] =	vst v19  }
0x1ab: {  	vm1 =	vlt.s32 v24, $0x6F;
	[tilespmem:$0x19530] =	vst v24  }
0x1ac: {  	v25 =	vnsel vm1, $0x6F, v24;
	[tilespmem:$0x19440] =	vst v22  }
0x1ad: {  	v25 =	vadd.s32 v23, v25;
	[tilespmem:$0x194C0] =	vst v19  }
0x1ae: {  	[tilespmem:$0x19540] =	vst v24  }
0x1af: {  	[tilespmem:$0x19450] =	vst v22  }
0x1b0: {  	[tilespmem:$0x194D0] =	vst v19  }
0x1b1: {  	[tilespmem:$0x19550] =	vst v24  }
0x1b2: {  	v26 =	vld.idx.msk [tilespmem:v25+s0+$0x0], $0xffff;
	_ =	sdelay $0x3  }
0x1b3: {  	vm1 =	vmmov $0xff  }
0x1b4: {  	v26 =	vnsel vm1, $0xCE6E6B28, v26  }
0x1b5: {  	(xrf0) =	vmax.scan.msk.f32 $0xffff, v26;
	_ =	sdelay $0x5  }
0x1b6: {  	v27, _, _ =	vpop (xrf0)  }
0x1b7: {  	v28 =	vbroadcast v27, $0xF;
	_ =	sdelay $0x1  }
0x1b8: {  	vm2 =	veq.f32 v26, v28  }
0x1b9: {  	v26 =	vnsel vm2, $0xC0000000, v20  }
0x1ba: {  	(xrf0) =	vmin.scan.msk.u32 $0xffff, v26;
	_ =	sdelay $0x5  }
0x1bb: {  	v26, _, _ =	vpop (xrf0)  }
0x1bc: {  	(v2sf) =	vpush v26, $0xF;
	_ =	sdelay $0xe  }
0x1bd: {  	v25 =	vld.idx.msk [tilespmem:v25+s4+$0x0], $0xffff;
	s15 =	spop (v2sf)  }
0x1be: {  	s5 =	sxor.u32 $0x80000000, s15  }
0x1bf: {  	p2 =	slt.s32 s5, $0x7  }
0x1c0: {  	s5 =	simm.s32 @!p2 $0x7  }
0x1c1: {  	v26 =	vmov s5  }
0x1c2: {  	v25 =	vxor.u32 $0x80000000, v25;
	vm3 =	veq.s32 v26, v1  }
0x1c3: {  	v25 =	vnsel vm3, $0x7FFFFFFF, v25  }
0x1c4: {  	(xrf0) =	vmax.scan.msk.u32 $0xffff, v25;
	_ =	sdelay $0x3  }
0x1c5: {  	(v2sf) =	vpush v27, $0xF;
	_ =	sdelay $0x1  }
0x1c6: {  	v25, _, _ =	vpop (xrf0)  }
0x1c7: {  	(v2sf) =	vpush v25, $0xF;
	_ =	sdelay $0xa  }
0x1c8: {  	s16 =	simm.s32 $0x0  }
0x1c9: {  	s12 =	sand.u32 $0x70, s16;
	s11 =	spop (v2sf)  }
0x1ca: {  	v27 =	vld [tilespmem:s12+$0x19470];
	p2 =	sgt.f32 s11, $-5.000000000e+08  }
0x1cb: {  	vm4 =	vmmov vm0;
	s5 =	sand.u32 $0xF, s16;
	v25 =	vadd.f32 $0.0e+00, v28;
	v28 =	vld [tilespmem:s12+$0x193F0]  }
0x1cc: {  	v29 =	vmov s5;
	vm4 =	vmneg @p2 vm4;
	s17 =	spop (v2sf)  }
0x1cd: {  	vm2 =	veq.s32 v29, v1;
	v25 =	vpsel !p2, $0xBF800000, v25;
	vm3 =	vmand vm4, vm3;
	s31 =	sxor.u32 $0x80000000, s17  }
0x1ce: {  	v26 =	vpsel !p2, $0xFFFFFFFF, v26;
	v30 =	vsel vm3, $0x1, v16;
	v29 =	vmov s31  }
0x1cf: {  	v26 =	vsel vm2, v26, v27;
	v24 =	vadd.s32 v30, v24;
	vm3 =	vgt.s32 v29, $0x0  }
0x1d0: {  	v25 =	vsel vm2, v25, v28;
	[tilespmem:s12+$0x19470] =	vst v26;
	v26 =	vld [tilespmem:s12+$0x194F0];
	v27 =	vnsel vm3, $0x0, v29;
	vm3 =	vlt.s32 v24, $0x6F  }
0x1d1: {  	[tilespmem:s12+$0x193F0] =	vst v25;
	v25 =	vnsel vm3, $0x6F, v24  }
0x1d2: {  	v27 =	vbroadcast v27, $0x0;
	v25 =	vadd.s32 v23, v25;
	_ =	sdelay $0x1  }
0x1d3: {  	s30 =	simm.s32 $0x2;
	s11 =	simm.s32 $0x1;
	v27 =	vpsel !p2, $0x0, v27  }
.LBB2_9:
0x1d4: {  	p2 =	sne.s32 s30, $0x63;
	v26 =	vsel vm2, v27, v26;
	s13 =	smov.u32 s30;
	s30 =	sadd.s32 $0x1, s30  }
0x1d5: {  	[tilespmem:s12+$0x194F0] =	vst v26  }
0x1d6: {  	v26 =	vld.idx.msk [tilespmem:v25+s0+$0x0], $0xffff;
	_ =	sdelay $0x5  }
0x1d7: {  	v26 =	vnsel vm1, $0xCE6E6B28, v26  }
0x1d8: {  	(xrf0) =	vmax.scan.msk.f32 $0xffff, v26;
	_ =	sdelay $0x5  }
0x1d9: {  	v27, _, _ =	vpop (xrf0)  }
0x1da: {  	v28 =	vbroadcast v27, $0xF;
	_ =	sdelay $0x1  }
0x1db: {  	vm2 =	veq.f32 v26, v28  }
0x1dc: {  	v26 =	vnsel vm2, $0xC0000000, v20  }
0x1dd: {  	(xrf0) =	vmin.scan.msk.u32 $0xffff, v26;
	_ =	sdelay $0x5  }
0x1de: {  	v26, _, _ =	vpop (xrf0)  }
0x1df: {  	(v2sf) =	vpush v26, $0xF  }
0x1e0: {  	(v2sf) =	vpush v27, $0xF;
	_ =	sdelay $0xb  }
0x1e1: {  	v25 =	vld.idx.msk [tilespmem:v25+s4+$0x0], $0xffff  }
0x1e2: {  	s12 =	sand.u32 $0x70, s11  }
0x1e3: {  	v26 =	vld [tilespmem:s12+$0x193F0];
	s5 =	spop (v2sf)  }
0x1e4: {  	s5 =	sxor.u32 $0x80000000, s5;
	s14 =	spop (v2sf)  }
0x1e5: {  	s11 =	sand.u32 $0xF, s11;
	v27 =	vadd.f32 $0.0e+00, v28;
	p3 =	sgt.f32 s14, $-5.000000000e+08;
	p4 =	slt.s32 s5, $0x7;
	v28 =	vld [tilespmem:s12+$0x19470]  }
0x1e6: {  	vm3 =	vmmov vm0;
	v29 =	vmov s11;
	s11 =	smov.u32 s13;
	s5 =	simm.s32 @!p4 $0x7  }
0x1e7: {  	v30 =	vmov s5;
	v27 =	vpsel !p3, $0xBF800000, v27;
	vm3 =	vmneg @p3 vm3  }
0x1e8: {  	vm2 =	veq.s32 v29, v1;
	v25 =	vxor.u32 $0x80000000, v25;
	vm4 =	veq.s32 v30, v1  }
0x1e9: {  	v29 =	vpsel !p3, $0xFFFFFFFF, v30;
	v25 =	vnsel vm4, $0x7FFFFFFF, v25;
	vm3 =	vmand vm3, vm4  }
0x1ea: {  	v26 =	vsel vm2, v27, v26;
	v27 =	vsel vm2, v29, v28;
	v28 =	vsel vm3, $0x1, v16;
	(xrf0) =	vmax.scan.msk.u32 $0xffff, v25  }
0x1eb: {  	[tilespmem:s12+$0x19470] =	vst v27;
	v24 =	vadd.s32 v28, v24  }
0x1ec: {  	[tilespmem:s12+$0x193F0] =	vst v26;
	_ =	sdelay $0x3  }
0x1ed: {  	v25, _, _ =	vpop (xrf0)  }
0x1ee: {  	(v2sf) =	vpush v25, $0xF;
	_ =	sdelay $0xe  }
0x1ef: {  	s5 =	spop (v2sf)  }
0x1f0: {  	s5 =	sxor.u32 $0x80000000, s5  }
0x1f1: {  	vm3 =	vlt.s32 v24, $0x6F;
	v27 =	vmov s5;
	v26 =	vld [tilespmem:s12+$0x194F0]  }
.Ltmp7:
0x1f2: {  	v25 =	vnsel vm3, $0x6F, v24;
	vm3 =	vgt.s32 v27, $0x0;
	(pc) =	sbr.rel @p2 .LBB2_9-.Ltmp7, $3  }
0x1f3: {  	v25 =	vadd.s32 v23, v25;
	v27 =	vnsel vm3, $0x0, v27  }
0x1f4: {  	v27 =	vbroadcast v27, $0x0;
	_ =	sdelay $0x1  }
0x1f5: {  	v27 =	vpsel !p3, $0x0, v27  }
0x1f6: {  	_ =	sdelay $0x1  }
0x1f7: {  	v24 =	vsel vm2, v27, v26  }
0x1f8: {  	[tilespmem:s12+$0x194F0] =	vst v24  }
0x1f9: {  	v24 =	vld.idx.msk [tilespmem:v25+s0+$0x0], $0xffff;
	_ =	sdelay $0x4  }
0x1fa: {  	v24 =	vnsel vm1, $0xCE6E6B28, v24  }
0x1fb: {  	(xrf0) =	vmax.scan.msk.f32 $0xffff, v24;
	_ =	sdelay $0x5  }
0x1fc: {  	v26, _, _ =	vpop (xrf0)  }
0x1fd: {  	v27 =	vbroadcast v26, $0xF;
	_ =	sdelay $0x1  }
0x1fe: {  	vm1 =	veq.f32 v24, v27  }
0x1ff: {  	v24 =	vnsel vm1, $0xC0000000, v20  }
0x200: {  	(xrf0) =	vmin.scan.msk.u32 $0xffff, v24;
	_ =	sdelay $0x5  }
0x201: {  	v24, _, _ =	vpop (xrf0)  }
0x202: {  	(v2sf) =	vpush v24, $0xF;
	_ =	sdelay $0xe  }
0x203: {  	v24 =	vld.idx.msk [tilespmem:v25+s4+$0x0], $0xffff;
	s5 =	spop (v2sf)  }
0x204: {  	s5 =	sxor.u32 $0x80000000, s5  }
0x205: {  	p2 =	slt.s32 s5, $0x7  }
0x206: {  	s5 =	simm.s32 @!p2 $0x7  }
0x207: {  	v25 =	vmov s5  }
0x208: {  	v24 =	vxor.u32 $0x80000000, v24;
	vm1 =	veq.s32 v25, v1  }
0x209: {  	v24 =	vnsel vm1, $0x7FFFFFFF, v24  }
0x20a: {  	(xrf0) =	vmax.scan.msk.u32 $0xffff, v24;
	_ =	sdelay $0x5  }
0x20b: {  	(v2sf) =	vpush v26, $0xF;
	v24, _, _ =	vpop (xrf0)  }
0x20c: {  	(v2sf) =	vpush v24, $0xF;
	_ =	sdelay $0xd  }
0x20d: {  	s30 =	spop (v2sf)  }
0x20e: {  	s31 =	sand.u32 $0x70, s11;
	s13 =	spop (v2sf)  }
0x20f: {  	v24 =	vld [tilespmem:s31+$0x19470];
	s13 =	sxor.u32 $0x80000000, s13  }
0x210: {  	v28 =	vld [tilespmem:s31+$0x193F0];
	v26 =	vmov s13  }
0x211: {  	s11 =	sand.u32 $0xF, s11;
	v29 =	vld [tilespmem:s31+$0x194F0];
	p6 =	sgt.f32 s30, $-5.000000000e+08;
	vm1 =	vgt.s32 v26, $0x0  }
0x212: {  	v30 =	vmov s11;
	v27 =	vadd.f32 $0.0e+00, v27;
	v26 =	vnsel vm1, $0x0, v26  }
0x213: {  	v25 =	vpsel !p6, $0xFFFFFFFF, v25;
	vm1 =	veq.s32 v30, v1;
	v26 =	vbroadcast v26, $0x0  }
0x214: {  	v27 =	vpsel !p6, $0xBF800000, v27;
	v24 =	vsel vm1, v25, v24  }
0x215: {  	v25 =	vsel vm1, v27, v28;
	[tilespmem:s31+$0x19470] =	vst v24;
	v24 =	vpsel !p6, $0x0, v26  }
0x216: {  	[tilespmem:s31+$0x193F0] =	vst v25;
	v24 =	vsel vm1, v24, v29  }
0x217: {  	s12 =	simm.s32 $0x19570;
	[tilespmem:s31+$0x194F0] =	vst v24  }
0x218: {  	[tilespmem:s12], [sflag:$0x1] =	stream.indirect.gather [hbm4b:s8+s2], $0x1, s3, s2, $0xb8;
	[tilespmem:$0x199F0] =	vst v63  }
0x219: {  	s13 =	simm.s32 $0x195E0  }
0x21a: {  	[tilespmem:s13], [sflag:$0x1] =	stream.indirect.gather [hbm4b:s9+s2], $0x1, s3, s2, $0xb8;
	[tilespmem:$0x199F0] =	vst v63  }
0x21b: {  	s14 =	simm.s32 $0x19650  }
0x21c: {  	[tilespmem:s14], [sflag:$0x1] =	stream.indirect.gather [hbm4b:s10+s2], $0x1, s3, s2, $0xb8;
	[tilespmem:$0x199F0] =	vst v63  }
0x21d: {  	s15 =	simm.s32 $0x196C0  }
0x21e: {  	[tilespmem:s15], [sflag:$0x1] =	stream.indirect.gather [hbm4b:s1+s2], $0x1, s3, s2, $0xb8;
	[tilespmem:$0x199F0] =	vst v63  }
0x21f: {  	s16 =	rddreg [dreg:$0x6];
	s17 =	simm.s32 $0x19730  }
0x220: {  	[tilespmem:s17], [sflag:$0x1] =	stream.indirect.gather [hbm4b:s16+s2], $0x1, s3, s2, $0xb8;
	[tilespmem:$0x199F0] =	vst v63  }
0x221: {  	s30 =	rddreg [dreg:$0x7];
	s31 =	simm.s32 $0x197A0  }
0x222: {  	[tilespmem:s31], [sflag:$0x1] =	stream.indirect.gather [hbm4b:s30+s2], $0x1, s3, s2, $0xb8;
	[tilespmem:$0x199F0] =	vst v63  }
0x223: {  	s12 =	rddreg [dreg:$0x8];
	s13 =	simm.s32 $0x19810  }
0x224: {  	[tilespmem:s13], [sflag:$0x1] =	stream.indirect.gather [hbm4b:s12+s2], $0x1, s3, s2, $0xb8;
	[tilespmem:$0x199F0] =	vst v63  }
0x225: {  	s14 =	rddreg [dreg:$0x9];
	s15 =	simm.s32 $0x19880  }
0x226: {  	[tilespmem:s15], [sflag:$0x1] =	stream.indirect.gather [hbm4b:s14+s2], $0x1, s3, s2, $0xb8;
	[tilespmem:$0x199F0] =	vst v63  }
0x227: {  	s16 =	rddreg [dreg:$0xa];
	s17 =	simm.s32 $0x198F0  }
0x228: {  	[tilespmem:s17], [sflag:$0x1] =	stream.indirect.gather [hbm4b:s16+s2], $0x1, s3, s2, $0xb8;
	[tilespmem:$0x199F0] =	vst v63  }
0x229: {  	s30 =	rddreg [dreg:$0xb];
	s31 =	simm.s32 $0x19960  }
0x22a: {  	[tilespmem:s31], [sflag:$0x1] =	stream.indirect.gather [hbm4b:s30+s2], $0x1, s3, s2, $0xb8;
	[tilespmem:$0x199F0] =	vst v63  }
0x22b: {  	_ =	swait.ge [sflag:s29], $0x70  }
0x22c: {  	[sflag:s29] =	ssyncset.done $0x0  }
0x22d: {  	[sflag:s29] =	ssyncadd.s32 $0xFFFFFF90  }
0x22e: {  	_ =	swait.ge [sflag:s29], $0x70  }
0x22f: {  	[sflag:s29] =	ssyncset.done $0x0  }
0x230: {  	[sflag:s29] =	ssyncadd.s32 $0xFFFFFF90  }
0x231: {  	_ =	swait.ge [sflag:s29], $0x70  }
0x232: {  	[sflag:s29] =	ssyncset.done $0x0  }
0x233: {  	[sflag:s29] =	ssyncadd.s32 $0xFFFFFF90  }
0x234: {  	_ =	swait.ge [sflag:s29], $0x70  }
0x235: {  	[sflag:s29] =	ssyncset.done $0x0  }
0x236: {  	[sflag:s29] =	ssyncadd.s32 $0xFFFFFF90  }
0x237: {  	_ =	swait.ge [sflag:s29], $0x70  }
0x238: {  	[sflag:s29] =	ssyncset.done $0x0  }
0x239: {  	[sflag:s29] =	ssyncadd.s32 $0xFFFFFF90  }
0x23a: {  	_ =	swait.ge [sflag:s29], $0x70  }
0x23b: {  	[sflag:s29] =	ssyncset.done $0x0  }
0x23c: {  	[sflag:s29] =	ssyncadd.s32 $0xFFFFFF90  }
0x23d: {  	_ =	swait.ge [sflag:s29], $0x70  }
0x23e: {  	[sflag:s29] =	ssyncset.done $0x0  }
0x23f: {  	[sflag:s29] =	ssyncadd.s32 $0xFFFFFF90  }
0x240: {  	_ =	swait.ge [sflag:s29], $0x70  }
0x241: {  	[sflag:s29] =	ssyncset.done $0x0  }
0x242: {  	[sflag:s29] =	ssyncadd.s32 $0xFFFFFF90  }
0x243: {  	_ =	swait.ge [sflag:s29], $0x70  }
0x244: {  	[sflag:s29] =	ssyncset.done $0x0  }
0x245: {  	[sflag:s29] =	ssyncadd.s32 $0xFFFFFF90  }
0x246: {  	_ =	swait.ge [sflag:s29], $0x70  }
0x247: {  	[sflag:s29] =	ssyncset.done $0x0  }
0x248: {  	s11 =	simm.s32 $0x0;
	[sflag:s29] =	ssyncadd.s32 $0xFFFFFF90  }
0x249: {  	v24 =	vld [tilespmem:s11+$0x193F0]  }
0x24a: {  	v26 =	vld [tilespmem:s11+$0x19570]  }
0x24b: {  	v28 =	vld [tilespmem:s11+$0x195E0]  }
0x24c: {  	v29 =	vld [tilespmem:s11+$0x19650]  }
0x24d: {  	v27 =	vld [tilespmem:s11+$0x196C0]  }
0x24e: {  	v25 =	vld [tilespmem:s11+$0x19730];
	vm1 =	vge.f32 v24, $0.0e+00  }
0x24f: {  	v24 =	vld [tilespmem:s11+$0x197A0];
	v26 =	vnsel vm1, $0xBF800000, v26  }
0x250: {  	v28 =	vnsel vm1, $0xBF800000, v28;
	[tilespmem:s11+$0x19570] =	vst v26;
	v26 =	vld [tilespmem:s11+$0x19810]  }
0x251: {  	s12 =	simm.s32 $0x40;
	v29 =	vnsel vm1, $0xBF800000, v29;
	[tilespmem:s11+$0x195E0] =	vst v28;
	v28 =	vld [tilespmem:s11+$0x19880]  }
.LBB2_11:
0x252: {  	p2 =	sne.s32 s12, $0x180;
	[tilespmem:s11+$0x19650] =	vst v29;
	v27 =	vnsel vm1, $0xBF800000, v27;
	v29 =	vld [tilespmem:s11+$0x198F0]  }
0x253: {  	s5 =	sshra.s32 s12, $0x2;
	[tilespmem:s11+$0x196C0] =	vst v27;
	v25 =	vnsel vm1, $0xBF800000, v25;
	v30 =	vld [tilespmem:s11+$0x19960]  }
0x254: {  	v31 =	vld [tilespmem:s5+$0x193F0];
	[tilespmem:s11+$0x19730] =	vst v25;
	v24 =	vnsel vm1, $0xBF800000, v24  }
0x255: {  	v32 =	vld [tilespmem:s5+$0x19570];
	[tilespmem:s11+$0x197A0] =	vst v24;
	v24 =	vnsel vm1, $0xBF800000, v26  }
0x256: {  	v26 =	vld [tilespmem:s5+$0x195E0];
	[tilespmem:s11+$0x19810] =	vst v24;
	v24 =	vnsel vm1, $0xBF800000, v28  }
0x257: {  	v28 =	vld [tilespmem:s5+$0x19650];
	[tilespmem:s11+$0x19880] =	vst v24;
	v24 =	vnsel vm1, $0xBF800000, v29  }
.Ltmp8:
0x258: {  	v27 =	vld [tilespmem:s5+$0x196C0];
	[tilespmem:s11+$0x198F0] =	vst v24;
	v24 =	vnsel vm1, $0xBF800000, v30;
	(pc) =	sbr.rel @p2 .LBB2_11-.Ltmp8, $4  }
0x259: {  	vm1 =	vge.f32 v31, $0.0e+00;
	v25 =	vld [tilespmem:s5+$0x19730];
	[tilespmem:s11+$0x19960] =	vst v24;
	s11 =	smov.u32 s5  }
0x25a: {  	v29 =	vnsel vm1, $0xBF800000, v32;
	v24 =	vld [tilespmem:s11+$0x197A0]  }
0x25b: {  	[tilespmem:s11+$0x19570] =	vst v29;
	v29 =	vnsel vm1, $0xBF800000, v26;
	v26 =	vld [tilespmem:s11+$0x19810]  }
0x25c: {  	s12 =	sadd.s32 $0x40, s12;
	[tilespmem:s11+$0x195E0] =	vst v29;
	v29 =	vnsel vm1, $0xBF800000, v28;
	v28 =	vld [tilespmem:s11+$0x19880]  }
0x25d: {  	[tilespmem:s11+$0x19650] =	vst v29;
	v27 =	vnsel vm1, $0xBF800000, v27;
	v58 =	vld [tilespmem:s11+$0x198F0]  }
0x25e: {  	v59 =	vld [tilespmem:s11+$0x19960];
	[tilespmem:s11+$0x196C0] =	vst v27;
	v25 =	vnsel vm1, $0xBF800000, v25  }
0x25f: {  	[tilespmem:s11+$0x19730] =	vst v25;
	v24 =	vnsel vm1, $0xBF800000, v24  }
0x260: {  	[tilespmem:s11+$0x197A0] =	vst v24;
	v60 =	vnsel vm1, $0xBF800000, v26  }
0x261: {  	[tilespmem:s11+$0x19810] =	vst v60;
	v61 =	vnsel vm1, $0xBF800000, v28  }
0x262: {  	[tilespmem:s11+$0x19880] =	vst v61;
	v62 =	vnsel vm1, $0xBF800000, v58  }
0x263: {  	v63 =	vnsel vm1, $0xBF800000, v59;
	[tilespmem:s11+$0x198F0] =	vst v62  }
0x264: {  	s5 =	rddreg [dreg:$0xc];
	s15 =	simm.s32 $0x19570;
	[tilespmem:s11+$0x19960] =	vst v63  }
0x265: {  	[hbm4b:s5+s7] =	stream.linear.scatter [tilespmem:s15], [sflag:$0x3], $0x480, $0x38;
	[tilespmem:$0x199F0] =	vst v63  }
0x266: {  	_ =	swait.ge [sflag:s26], $0x480  }
0x267: {  	[sflag:s26] =	ssyncset.done $0x0  }
0x268: {  	[sflag:s26] =	ssyncadd.s32 $0xFFFFFB80  }
0x269: {  	s17 =	simm.s32 $0x193F0;
	s16 =	rddreg [dreg:$0x1]  }
0x26a: {  	[hbm4b:s16+s7] =	stream.linear.scatter [tilespmem:s17], [sflag:$0x3], $0x80, $0x38;
	[tilespmem:$0x199F0] =	vst v63  }
0x26b: {  	_ =	swait.ge [sflag:s26], $0x80  }
0x26c: {  	[sflag:s26] =	ssyncset.done $0x0  }
0x26d: {  	[sflag:s26] =	ssyncadd.s32 $0xFFFFFF80  }
.Ltmp9:
0x26e: {  	s31 =	simm.s32 $0x19470;
	s30 =	rddreg [dreg:$0x2];
	(pc) =	sbr.rel .LBB2_13-.Ltmp9, $4  }
0x26f: {  	[hbm4b:s30+s7] =	stream.linear.scatter [tilespmem:s31], [sflag:$0x3], $0x80, $0x38;
	[tilespmem:$0x199F0] =	vst v63  }
0x270: {  	_ =	swait.ge [sflag:s26], $0x80  }
0x271: {  	[sflag:s26] =	ssyncset.done $0x0  }
0x272: {  	[sflag:s26] =	ssyncadd.s32 $0xFFFFFF80  }
.LBB2_14:
0x273: {  	_ =	sfence.sel $0x180000  }
0x274: {  	[bflag:$0x0] =	sbarrier.arrive $0xFFFF  }
0x275: {  	_ =	strace $0x90000047  }
0x276: {  	s0 =	stileid.u32;
	[bflag:$0x2] =	sbarrier.arrive $0xFFFF  }
0x277: {  	p0 =	sne.s32 s0, $0x0;
	s0 =	rddreg [dreg:$0x5]  }
0x278: {  	s0 =	sadd.s32 @!p0 $0x100000, s0  }
0x279: {  	[sflag:s0] =	ssyncadd.tile.s32 @!p0 $0x1;
	_ =	shalt  }
.Lfunc_end2:
_tile_overlayer_lowered:
.L_overlay_start_2:
0x27a: {  	(tag) =	ssettag $0x2  }
0x27b: {  	s0 =	rddreg [dreg:$0x0];
	s2 =	stileid.u32  }
0x27c: {  	s1 =	rddreg [dreg:$0x1];
	p0 =	sne.s32 s2, $0x0  }
0x27d: {  	s3 =	rddreg [dreg:$0x2];
	[bflag:$0x3] =	sbarrier.arrive $0xFFFF;
	s2 =	simm.s32 @!p0 $0x1C03  }
0x27e: {  	[timem:s3], [sflag:s2] =	dma.local @!p0 [hbm:s0], s1  }
0x27f: {  	s0 =	simm.s32 @!p0 $0x3  }
0x280: {  	_ =	swait.ge @!p0 [sflag:s0], s1  }
0x281: {  	s1 =	ssub.s32 @!p0 $0x0, s1;
	[sflag:s0] =	ssyncset.done @!p0 $0x0  }
0x282: {  	[sflag:s0] =	ssyncadd.s32 @!p0 s1  }
0x283: {  	[bflag:$0x3] =	sbarrier.arrive $0xFFFF  }
0x284: {  	_ =	shalt  }

</sc_bundles>
